<compile_context>
chip_gen: v7x
topology: tpu7x:2x2x1
jax: 0.10.2.dev20260603
libtpu: 0.0.44.dev20260713+nightly
codegen_flags: <defaults>
</compile_context>

<pallas_src>
import functools

import jax
import jax.numpy as jnp
from jax import lax
from jax.experimental import pallas as pl
from jax.experimental.pallas import tpu as pltpu
from jax.experimental.pallas import tpu_sc as plsc

CONF_THRESH = 0.55
IOU_THRESH = 0.5
MAX_OUT = 100
N_BOXES = 20000

_NT = 16
_PER = 1280
_NP = _NT * _PER
_CHUNKS = _PER // 16
_CAP = _PER + 16

_mesh = plsc.VectorSubcoreMesh(core_axis_name="c", subcore_axis_name="s")


def _f(v):
    return jnp.full((16,), v, jnp.float32)


def _i(v):
    return jnp.full((16,), v, jnp.int32)


@functools.partial(
    pl.kernel,
    out_type=jax.ShapeDtypeStruct((MAX_OUT, 16), jnp.float32),
    mesh=_mesh,
    compiler_params=pltpu.CompilerParams(needs_layout_passes=False),
    scratch_types=[
        pltpu.VMEM((_PER,), jnp.float32),
        pltpu.VMEM((_PER,), jnp.float32),
        pltpu.VMEM((_PER,), jnp.float32),
        pltpu.VMEM((_PER,), jnp.float32),
        pltpu.VMEM((_PER,), jnp.float32),
        pltpu.VMEM((_CAP,), jnp.float32),
        pltpu.VMEM((_CAP,), jnp.float32),
        pltpu.VMEM((_CAP,), jnp.float32),
        pltpu.VMEM((_CAP,), jnp.float32),
        pltpu.VMEM((_CAP,), jnp.float32),
        pltpu.VMEM((_CAP,), jnp.int32),
        pltpu.VMEM((16,), jnp.float32),
        pltpu.VMEM((_NT, 16), jnp.float32),
        pltpu.VMEM((MAX_OUT, 16), jnp.float32),
        pltpu.HBM((2, _NT, 16), jnp.float32),
    ],
)
def _nms_sc(x1h, y1h, x2h, y2h, sh, out_h,
            x1v, y1v, x2v, y2v, sv,
            c1v, c2v, c3v, c4v, csv, qiv,
            pubv, rdv, outv, shared):
    c = lax.axis_index("c")
    t = lax.axis_index("s")

    @pl.when(c == 0)
    def _body():
        base = t * _PER
        pltpu.sync_copy(x1h.at[pl.ds(base, _PER)], x1v)
        pltpu.sync_copy(y1h.at[pl.ds(base, _PER)], y1v)
        pltpu.sync_copy(x2h.at[pl.ds(base, _PER)], x2v)
        pltpu.sync_copy(y2h.at[pl.ds(base, _PER)], y2v)
        pltpu.sync_copy(sh.at[pl.ds(base, _PER)], sv)

        lane = lax.iota(jnp.int32, 16)

        def prefill(ck, carry):
            off = ck * 16
            c1v[pl.ds(off, 16)] = _f(0.0)
            c2v[pl.ds(off, 16)] = _f(0.0)
            c3v[pl.ds(off, 16)] = _f(0.0)
            c4v[pl.ds(off, 16)] = _f(0.0)
            csv[pl.ds(off, 16)] = _f(-1.0)
            qiv[pl.ds(off, 16)] = _i(0)
            return carry

        lax.fori_loop(0, _CAP // 16, prefill, 0)

        def compact(ck, cnt):
            off = ck * 16
            sc = sv[pl.ds(off, 16)]
            m = sc > CONF_THRESH
            plsc.store_compressed(c1v.at[pl.ds(cnt, 16)], x1v[pl.ds(off, 16)], mask=m)
            plsc.store_compressed(c2v.at[pl.ds(cnt, 16)], y1v[pl.ds(off, 16)], mask=m)
            plsc.store_compressed(c3v.at[pl.ds(cnt, 16)], x2v[pl.ds(off, 16)], mask=m)
            plsc.store_compressed(c4v.at[pl.ds(cnt, 16)], y2v[pl.ds(off, 16)], mask=m)
            plsc.store_compressed(csv.at[pl.ds(cnt, 16)], sc, mask=m)
            plsc.store_compressed(qiv.at[pl.ds(cnt, 16)], _i(base + off) + lane, mask=m)
            return cnt + jnp.max(plsc.all_reduce_population_count(m))

        cnt = lax.fori_loop(0, _CHUNKS, compact, jnp.int32(0))
        nblk = (cnt + 63) // 64

        def fused_pass(wx1, wy1, wx2, wy2):
            area_a = (wx2 - wx1) * (wy2 - wy1)

            def blk_body(blk, carry):
                bv, bi = carry
                for jj in range(4):
                    off = blk * 64 + jj * 16
                    xa = c1v[pl.ds(off, 16)]
                    ya = c2v[pl.ds(off, 16)]
                    xb = c3v[pl.ds(off, 16)]
                    yb = c4v[pl.ds(off, 16)]
                    sc = csv[pl.ds(off, 16)]
                    ix1 = jnp.maximum(_f(wx1), xa)
                    iy1 = jnp.maximum(_f(wy1), ya)
                    ix2 = jnp.minimum(_f(wx2), xb)
                    iy2 = jnp.minimum(_f(wy2), yb)
                    inter = (jnp.maximum(ix2 - ix1, _f(0.0))
                             * jnp.maximum(iy2 - iy1, _f(0.0)))
                    area_b = (xb - xa) * (yb - ya)
                    iou = inter / (_f(area_a) + area_b - inter + _f(1e-9))
                    sc = jnp.where(iou > IOU_THRESH, _f(-1.0), sc)
                    csv[pl.ds(off, 16)] = sc
                    cond = sc > bv
                    bv = jnp.where(cond, sc, bv)
                    bi = jnp.where(cond, _i(off) + lane, bi)
                return bv, bi

            bv, bi = plsc.parallel_loop(
                0, nblk, step=1, unroll=2, carry=(_f(-2.0), _i(2 ** 30)))(blk_body)
            lmax = jnp.max(bv)
            lidx = jnp.min(jnp.where(bv == _f(lmax), bi, _i(2 ** 30)))
            return lmax, lidx

        lmax0, lidx0 = fused_pass(jnp.float32(-10.0), jnp.float32(-10.0),
                                  jnp.float32(-9.0), jnp.float32(-9.0))

        def pick(i, carry):
            lmax, lidx = carry
            loc = _i(jnp.minimum(lidx, _CAP - 1))
            gid = plsc.load_gather(qiv, [loc])
            cx1 = plsc.load_gather(c1v, [loc])
            cy1 = plsc.load_gather(c2v, [loc])
            cx2 = plsc.load_gather(c3v, [loc])
            cy2 = plsc.load_gather(c4v, [loc])
            pub = jnp.where(lane == _i(0), _f(lmax), _f(0.0))
            pub = jnp.where(lane == _i(1), gid.astype(jnp.float32), pub)
            pub = jnp.where(lane == _i(2), cx1, pub)
            pub = jnp.where(lane == _i(3), cy1, pub)
            pub = jnp.where(lane == _i(4), cx2, pub)
            pub = jnp.where(lane == _i(5), cy2, pub)
            pubv[...] = pub
            par = lax.rem(i, 2)
            pltpu.sync_copy(pubv, shared.at[par, t])
            plsc.subcore_barrier()
            pltpu.sync_copy(shared.at[par], rdv)

            def col(j):
                return plsc.load_gather(rdv, [lane, _i(j)])

            scores = col(0)
            idxs = col(1)
            m = jnp.max(scores)
            widx = jnp.min(jnp.where(scores == _f(m), idxs, _f(3.0e7)))
            wsel = (scores == _f(m)) & (idxs == _f(widx))
            wx1 = jnp.max(jnp.where(wsel, col(2), _f(-3.0e7)))
            wy1 = jnp.max(jnp.where(wsel, col(3), _f(-3.0e7)))
            wx2 = jnp.max(jnp.where(wsel, col(4), _f(-3.0e7)))
            wy2 = jnp.max(jnp.where(wsel, col(5), _f(-3.0e7)))
            ok = m > 0.0

            @pl.when(t == 0)
            def _emit():
                row = jnp.where(lane == _i(0), _f(wx1), _f(0.0))
                row = jnp.where(lane == _i(1), _f(wy1), row)
                row = jnp.where(lane == _i(2), _f(wx2), row)
                row = jnp.where(lane == _i(3), _f(wy2), row)
                row = jnp.where(lane == _i(4), _f(m), row)
                row = jnp.where(jnp.full((16,), ok, jnp.bool_), row, _f(0.0))
                plsc.store_scatter(outv, [_i(i), lane], row)

            return fused_pass(wx1, wy1, wx2, wy2)

        lax.fori_loop(0, MAX_OUT, pick, (lmax0, lidx0))

        @pl.when(t == 0)
        def _flush():
            pltpu.sync_copy(outv, out_h)


@jax.jit
def kernel(boxes, scores):
    padn = _NP - N_BOXES
    bt = jnp.pad(boxes, ((0, padn), (0, 0))).T
    sp = jnp.pad(scores, (0, padn), constant_values=-1.0)
    out = _nms_sc(bt[0], bt[1], bt[2], bt[3], sp)
    return out[:, :5]

# --- scband reference (transcript-rebuilt; emitter-appended) ---
"""Pipeline reference for scband-damage-detector-56581899158158 (READ-ONLY COPY).

The authoritative reference and input builder live on the scoring server;
editing this copy changes nothing except your own understanding.
"""

import jax, jax.numpy as jnp
import numpy as np

IMAGE_SIZE = 1280
CONF_THRESH = 0.55
IOU_THRESH = 0.5
MAX_OUT = 100
N_BOXES = 20000


def setup_inputs(seed: int = 0) -> dict:
    key = jax.random.key(seed)
    k1, k2, k3 = jax.random.split(key, 3)
    # xyxy boxes within a 1280x1280 image, guaranteed x2>x1, y2>y1
    xy = jax.random.uniform(k1, (N_BOXES, 2), dtype=jnp.float32) * (IMAGE_SIZE - 130.0)
    wh = jax.random.uniform(k2, (N_BOXES, 2), dtype=jnp.float32) * 110.0 + 10.0
    boxes = jnp.concatenate([xy, xy + wh], axis=1).astype(jnp.float32)
    scores = jax.random.uniform(k3, (N_BOXES,), dtype=jnp.float32)
    return {"boxes": boxes, "scores": scores}


def _iou_one_vs_all(box, boxes):
    # box: [4] xyxy, boxes: [N,4] xyxy
    x1 = jnp.maximum(box[0], boxes[:, 0])
    y1 = jnp.maximum(box[1], boxes[:, 1])
    x2 = jnp.minimum(box[2], boxes[:, 2])
    y2 = jnp.minimum(box[3], boxes[:, 3])
    inter = jnp.clip(x2 - x1, 0.0) * jnp.clip(y2 - y1, 0.0)
    area_a = (box[2] - box[0]) * (box[3] - box[1])
    area_b = (boxes[:, 2] - boxes[:, 0]) * (boxes[:, 3] - boxes[:, 1])
    union = area_a + area_b - inter
    return inter / (union + 1e-9)


def reference(boxes, scores):
    """Greedy NMS core of DamageDetector.forward:
    1) discard boxes with score <= conf_thresh
    2) repeatedly pick highest-score box, suppress boxes with IoU > iou_thresh
    Returns [MAX_OUT, 5] rows of (x1, y1, x2, y2, score); zero rows are padding.
    """
    valid = scores > CONF_THRESH
    s0 = jnp.where(valid, scores, -1.0)

    def step(sm, _):
        idx = jnp.argmax(sm)
        s = sm[idx]
        ok = s > 0.0
        b = boxes[idx]
        row = jnp.where(ok, jnp.concatenate([b, s[None]]), jnp.zeros(5, boxes.dtype))
        ious = _iou_one_vs_all(b, boxes)
        suppress = ious > IOU_THRESH
        sm = jnp.where(suppress, -1.0, sm)
        sm = sm.at[idx].set(-1.0)
        return sm, row

    _, rows = jax.lax.scan(step, s0, None, length=MAX_OUT)
    return rows

if __name__ == "__main__":
    import jax
    _d = setup_inputs()
    print(jax.jit(kernel)(*tuple(_d.values())))

</pallas_src>

<mosaic_0001>
#map = affine_map<(d0, d1) -> (0)>
#map1 = affine_map<(d0, d1) -> (0, 0)>
module attributes {stable_mosaic.version = 14 : i64} {
  func.func @_nms_sc(%arg0: i32, %arg1: i32, %arg2: memref<20480xf32, #tpu.memory_space<hbm>>, %arg3: memref<20480xf32, #tpu.memory_space<hbm>>, %arg4: memref<20480xf32, #tpu.memory_space<hbm>>, %arg5: memref<20480xf32, #tpu.memory_space<hbm>>, %arg6: memref<20480xf32, #tpu.memory_space<hbm>>, %arg7: memref<100x16xf32, #tpu.memory_space<hbm>>, %arg8: memref<1280xf32, #tpu.memory_space<vmem>>, %arg9: memref<1280xf32, #tpu.memory_space<vmem>>, %arg10: memref<1280xf32, #tpu.memory_space<vmem>>, %arg11: memref<1280xf32, #tpu.memory_space<vmem>>, %arg12: memref<1280xf32, #tpu.memory_space<vmem>>, %arg13: memref<1296xf32, #tpu.memory_space<vmem>>, %arg14: memref<1296xf32, #tpu.memory_space<vmem>>, %arg15: memref<1296xf32, #tpu.memory_space<vmem>>, %arg16: memref<1296xf32, #tpu.memory_space<vmem>>, %arg17: memref<1296xf32, #tpu.memory_space<vmem>>, %arg18: memref<1296xi32, #tpu.memory_space<vmem>>, %arg19: memref<16xf32, #tpu.memory_space<vmem>>, %arg20: memref<16x16xf32, #tpu.memory_space<vmem>>, %arg21: memref<100x16xf32, #tpu.memory_space<vmem>>, %arg22: memref<2x16x16xf32, #tpu.memory_space<hbm>>) attributes {dimension_semantics = [#tpu.dimension_semantics<core_parallel>, #tpu.dimension_semantics<subcore_parallel>], iteration_bounds = array<i64: 2, 16>, scalar_prefetch = 0 : i64, scratch_operands = 15 : i64, tpu.core_type = #tpu.core_type<sc_vector_subcore>, window_params = [{transform_indices = #map}, {transform_indices = #map}, {transform_indices = #map}, {transform_indices = #map}, {transform_indices = #map}, {transform_indices = #map1}]} {
    %eq3A = arith.constant 0 : i32
    %eq3A_0 = arith.cmpi eq, %arg0, %eq3A : i32
    %convert_element_type3A = arith.extui %eq3A_0 : i1 to i32
    %cond3A = arith.constant 0 : i32
    %cond3A_1 = arith.cmpi ne, %convert_element_type3A, %cond3A : i32
    scf.if %cond3A_1 {
      %mul3A = arith.constant 1280 : i32
      %mul3A_2 = arith.muli %arg1, %mul3A : i32
      "tpu.region"() ({
        %run_scoped3A = tpu.sem_alloc : memref<!tpu.dma_semaphore, #tpu.memory_space<semaphore_mem>>
        %dma_start3A = tpu.memref_slice %arg2[%mul3A_2] : memref<20480xf32, #tpu.memory_space<hbm>> -> memref<1280xf32, #tpu.memory_space<hbm>>
        %dma_start3A_74 = tpu.memref_slice %arg2[%mul3A_2] : memref<20480xf32, #tpu.memory_space<hbm>> -> memref<1280xf32, #tpu.memory_space<hbm>>
        tpu.enqueue_dma source(%dma_start3A_74 : memref<1280xf32, #tpu.memory_space<hbm>>) target(%arg8 : memref<1280xf32, #tpu.memory_space<vmem>>) target_semaphore(%run_scoped3A : memref<!tpu.dma_semaphore, #tpu.memory_space<semaphore_mem>>)
        %dma_wait3A = tpu.memref_slice %arg2[%mul3A_2] : memref<20480xf32, #tpu.memory_space<hbm>> -> memref<1280xf32, #tpu.memory_space<hbm>>
        %dma_wait3A_75 = tpu.memref_slice %arg2[%mul3A_2] : memref<20480xf32, #tpu.memory_space<hbm>> -> memref<1280xf32, #tpu.memory_space<hbm>>
        tpu.wait_dma2 semaphore(%run_scoped3A : memref<!tpu.dma_semaphore, #tpu.memory_space<semaphore_mem>>) src(%dma_wait3A_75 : memref<1280xf32, #tpu.memory_space<hbm>>) dst(%arg8 : memref<1280xf32, #tpu.memory_space<vmem>>)
        tpu.yield
      }) : () -> ()
      "tpu.region"() ({
        %run_scoped3A = tpu.sem_alloc : memref<!tpu.dma_semaphore, #tpu.memory_space<semaphore_mem>>
        %dma_start3A = tpu.memref_slice %arg3[%mul3A_2] : memref<20480xf32, #tpu.memory_space<hbm>> -> memref<1280xf32, #tpu.memory_space<hbm>>
        %dma_start3A_74 = tpu.memref_slice %arg3[%mul3A_2] : memref<20480xf32, #tpu.memory_space<hbm>> -> memref<1280xf32, #tpu.memory_space<hbm>>
        tpu.enqueue_dma source(%dma_start3A_74 : memref<1280xf32, #tpu.memory_space<hbm>>) target(%arg9 : memref<1280xf32, #tpu.memory_space<vmem>>) target_semaphore(%run_scoped3A : memref<!tpu.dma_semaphore, #tpu.memory_space<semaphore_mem>>)
        %dma_wait3A = tpu.memref_slice %arg3[%mul3A_2] : memref<20480xf32, #tpu.memory_space<hbm>> -> memref<1280xf32, #tpu.memory_space<hbm>>
        %dma_wait3A_75 = tpu.memref_slice %arg3[%mul3A_2] : memref<20480xf32, #tpu.memory_space<hbm>> -> memref<1280xf32, #tpu.memory_space<hbm>>
        tpu.wait_dma2 semaphore(%run_scoped3A : memref<!tpu.dma_semaphore, #tpu.memory_space<semaphore_mem>>) src(%dma_wait3A_75 : memref<1280xf32, #tpu.memory_space<hbm>>) dst(%arg9 : memref<1280xf32, #tpu.memory_space<vmem>>)
        tpu.yield
      }) : () -> ()
      "tpu.region"() ({
        %run_scoped3A = tpu.sem_alloc : memref<!tpu.dma_semaphore, #tpu.memory_space<semaphore_mem>>
        %dma_start3A = tpu.memref_slice %arg4[%mul3A_2] : memref<20480xf32, #tpu.memory_space<hbm>> -> memref<1280xf32, #tpu.memory_space<hbm>>
        %dma_start3A_74 = tpu.memref_slice %arg4[%mul3A_2] : memref<20480xf32, #tpu.memory_space<hbm>> -> memref<1280xf32, #tpu.memory_space<hbm>>
        tpu.enqueue_dma source(%dma_start3A_74 : memref<1280xf32, #tpu.memory_space<hbm>>) target(%arg10 : memref<1280xf32, #tpu.memory_space<vmem>>) target_semaphore(%run_scoped3A : memref<!tpu.dma_semaphore, #tpu.memory_space<semaphore_mem>>)
        %dma_wait3A = tpu.memref_slice %arg4[%mul3A_2] : memref<20480xf32, #tpu.memory_space<hbm>> -> memref<1280xf32, #tpu.memory_space<hbm>>
        %dma_wait3A_75 = tpu.memref_slice %arg4[%mul3A_2] : memref<20480xf32, #tpu.memory_space<hbm>> -> memref<1280xf32, #tpu.memory_space<hbm>>
        tpu.wait_dma2 semaphore(%run_scoped3A : memref<!tpu.dma_semaphore, #tpu.memory_space<semaphore_mem>>) src(%dma_wait3A_75 : memref<1280xf32, #tpu.memory_space<hbm>>) dst(%arg10 : memref<1280xf32, #tpu.memory_space<vmem>>)
        tpu.yield
      }) : () -> ()
      "tpu.region"() ({
        %run_scoped3A = tpu.sem_alloc : memref<!tpu.dma_semaphore, #tpu.memory_space<semaphore_mem>>
        %dma_start3A = tpu.memref_slice %arg5[%mul3A_2] : memref<20480xf32, #tpu.memory_space<hbm>> -> memref<1280xf32, #tpu.memory_space<hbm>>
        %dma_start3A_74 = tpu.memref_slice %arg5[%mul3A_2] : memref<20480xf32, #tpu.memory_space<hbm>> -> memref<1280xf32, #tpu.memory_space<hbm>>
        tpu.enqueue_dma source(%dma_start3A_74 : memref<1280xf32, #tpu.memory_space<hbm>>) target(%arg11 : memref<1280xf32, #tpu.memory_space<vmem>>) target_semaphore(%run_scoped3A : memref<!tpu.dma_semaphore, #tpu.memory_space<semaphore_mem>>)
        %dma_wait3A = tpu.memref_slice %arg5[%mul3A_2] : memref<20480xf32, #tpu.memory_space<hbm>> -> memref<1280xf32, #tpu.memory_space<hbm>>
        %dma_wait3A_75 = tpu.memref_slice %arg5[%mul3A_2] : memref<20480xf32, #tpu.memory_space<hbm>> -> memref<1280xf32, #tpu.memory_space<hbm>>
        tpu.wait_dma2 semaphore(%run_scoped3A : memref<!tpu.dma_semaphore, #tpu.memory_space<semaphore_mem>>) src(%dma_wait3A_75 : memref<1280xf32, #tpu.memory_space<hbm>>) dst(%arg11 : memref<1280xf32, #tpu.memory_space<vmem>>)
        tpu.yield
      }) : () -> ()
      "tpu.region"() ({
        %run_scoped3A = tpu.sem_alloc : memref<!tpu.dma_semaphore, #tpu.memory_space<semaphore_mem>>
        %dma_start3A = tpu.memref_slice %arg6[%mul3A_2] : memref<20480xf32, #tpu.memory_space<hbm>> -> memref<1280xf32, #tpu.memory_space<hbm>>
        %dma_start3A_74 = tpu.memref_slice %arg6[%mul3A_2] : memref<20480xf32, #tpu.memory_space<hbm>> -> memref<1280xf32, #tpu.memory_space<hbm>>
        tpu.enqueue_dma source(%dma_start3A_74 : memref<1280xf32, #tpu.memory_space<hbm>>) target(%arg12 : memref<1280xf32, #tpu.memory_space<vmem>>) target_semaphore(%run_scoped3A : memref<!tpu.dma_semaphore, #tpu.memory_space<semaphore_mem>>)
        %dma_wait3A = tpu.memref_slice %arg6[%mul3A_2] : memref<20480xf32, #tpu.memory_space<hbm>> -> memref<1280xf32, #tpu.memory_space<hbm>>
        %dma_wait3A_75 = tpu.memref_slice %arg6[%mul3A_2] : memref<20480xf32, #tpu.memory_space<hbm>> -> memref<1280xf32, #tpu.memory_space<hbm>>
        tpu.wait_dma2 semaphore(%run_scoped3A : memref<!tpu.dma_semaphore, #tpu.memory_space<semaphore_mem>>) src(%dma_wait3A_75 : memref<1280xf32, #tpu.memory_space<hbm>>) dst(%arg12 : memref<1280xf32, #tpu.memory_space<vmem>>)
        tpu.yield
      }) : () -> ()
      %iota3A = tpu.iota {dimensions = array<i32: 0>} : vector<16xi32>
      %scan3A = arith.constant 0 : i32
      %scan3A_3 = arith.constant 0 : i32
      %scan3A_4 = arith.constant 81 : i32
      %scan3A_5 = arith.addi %scan3A_3, %scan3A_4 : i32
      %scan3A_6 = arith.constant 1 : i32
      scf.for %scan3A_74 = %scan3A_3 to %scan3A_5 step %scan3A_6  : i32 {
        %mul3A_75 = arith.constant 16 : i32
        %mul3A_76 = arith.muli %scan3A_74, %mul3A_75 : i32
        %broadcast_in_dim3A_77 = arith.constant 0.000000e+00 : f32
        %broadcast_in_dim3A_78 = vector.broadcast %broadcast_in_dim3A_77 : f32 to vector<16xf32>
        %swap3A = arith.index_cast %mul3A_76 : i32 to index
        %swap3A_79 = tpu.vector_load %arg13[%swap3A] {strides = array<i32>} : memref<1296xf32, #tpu.memory_space<vmem>>, vector<16xf32>,
        tpu.vector_store %arg13[%swap3A], %broadcast_in_dim3A_78 {strides = array<i32>} : memref<1296xf32, #tpu.memory_space<vmem>>, vector<16xf32>,
        %broadcast_in_dim3A_80 = arith.constant 0.000000e+00 : f32
        %broadcast_in_dim3A_81 = vector.broadcast %broadcast_in_dim3A_80 : f32 to vector<16xf32>
        %swap3A_82 = arith.index_cast %mul3A_76 : i32 to index
        %swap3A_83 = tpu.vector_load %arg14[%swap3A_82] {strides = array<i32>} : memref<1296xf32, #tpu.memory_space<vmem>>, vector<16xf32>,
        tpu.vector_store %arg14[%swap3A_82], %broadcast_in_dim3A_81 {strides = array<i32>} : memref<1296xf32, #tpu.memory_space<vmem>>, vector<16xf32>,
        %broadcast_in_dim3A_84 = arith.constant 0.000000e+00 : f32
        %broadcast_in_dim3A_85 = vector.broadcast %broadcast_in_dim3A_84 : f32 to vector<16xf32>
        %swap3A_86 = arith.index_cast %mul3A_76 : i32 to index
        %swap3A_87 = tpu.vector_load %arg15[%swap3A_86] {strides = array<i32>} : memref<1296xf32, #tpu.memory_space<vmem>>, vector<16xf32>,
        tpu.vector_store %arg15[%swap3A_86], %broadcast_in_dim3A_85 {strides = array<i32>} : memref<1296xf32, #tpu.memory_space<vmem>>, vector<16xf32>,
        %broadcast_in_dim3A_88 = arith.constant 0.000000e+00 : f32
        %broadcast_in_dim3A_89 = vector.broadcast %broadcast_in_dim3A_88 : f32 to vector<16xf32>
        %swap3A_90 = arith.index_cast %mul3A_76 : i32 to index
        %swap3A_91 = tpu.vector_load %arg16[%swap3A_90] {strides = array<i32>} : memref<1296xf32, #tpu.memory_space<vmem>>, vector<16xf32>,
        tpu.vector_store %arg16[%swap3A_90], %broadcast_in_dim3A_89 {strides = array<i32>} : memref<1296xf32, #tpu.memory_space<vmem>>, vector<16xf32>,
        %broadcast_in_dim3A_92 = arith.constant -1.000000e+00 : f32
        %broadcast_in_dim3A_93 = vector.broadcast %broadcast_in_dim3A_92 : f32 to vector<16xf32>
        %swap3A_94 = arith.index_cast %mul3A_76 : i32 to index
        %swap3A_95 = tpu.vector_load %arg17[%swap3A_94] {strides = array<i32>} : memref<1296xf32, #tpu.memory_space<vmem>>, vector<16xf32>,
        tpu.vector_store %arg17[%swap3A_94], %broadcast_in_dim3A_93 {strides = array<i32>} : memref<1296xf32, #tpu.memory_space<vmem>>, vector<16xf32>,
        %broadcast_in_dim3A_96 = arith.constant 0 : i32
        %broadcast_in_dim3A_97 = vector.broadcast %broadcast_in_dim3A_96 : i32 to vector<16xi32>
        %swap3A_98 = arith.index_cast %mul3A_76 : i32 to index
        %swap3A_99 = tpu.vector_load %arg18[%swap3A_98] {strides = array<i32>} : memref<1296xi32, #tpu.memory_space<vmem>>, vector<16xi32>,
        tpu.vector_store %arg18[%swap3A_98], %broadcast_in_dim3A_97 {strides = array<i32>} : memref<1296xi32, #tpu.memory_space<vmem>>, vector<16xi32>,
      }
      %scan3A_7 = arith.constant 81 : i32
      %scan3A_8 = arith.constant 0 : i32
      %scan3A_9 = arith.constant 0 : i32
      %scan3A_10 = arith.constant 80 : i32
      %scan3A_11 = arith.addi %scan3A_9, %scan3A_10 : i32
      %scan3A_12 = arith.constant 1 : i32
      %scan3A_13 = scf.for %scan3A_74 = %scan3A_9 to %scan3A_11 step %scan3A_12 iter_args(%scan3A_75 = %scan3A_8) -> (i32)  : i32 {
        %mul3A_76 = arith.constant 16 : i32
        %mul3A_77 = arith.muli %scan3A_74, %mul3A_76 : i32
        %get3A = arith.index_cast %mul3A_77 : i32 to index
        %get3A_78 = tpu.vector_load %arg12[%get3A] {strides = array<i32>} : memref<1280xf32, #tpu.memory_space<vmem>>, vector<16xf32>,
        %gt3A = arith.constant 5.500000e-01 : f32
        %gt3A_79 = vector.broadcast %gt3A : f32 to vector<16xf32>
        %gt3A_80 = arith.cmpf ogt, %get3A_78, %gt3A_79 : vector<16xf32>
        %get3A_81 = arith.index_cast %mul3A_77 : i32 to index
        %get3A_82 = tpu.vector_load %arg8[%get3A_81] {strides = array<i32>} : memref<1280xf32, #tpu.memory_space<vmem>>, vector<16xf32>,
        %swap3A = arith.index_cast %scan3A_75 : i32 to index
        %swap3A_83 = tpu.vector_load %arg13[%swap3A] masked %gt3A_80 {strides = array<i32>} : memref<1296xf32, #tpu.memory_space<vmem>>, vector<16xf32>, vector<16xi1>
        tpu.vector_store %arg13[%swap3A], %get3A_82 masked %gt3A_80 {strides = array<i32>} : memref<1296xf32, #tpu.memory_space<vmem>>, vector<16xf32>, vector<16xi1>
        %get3A_84 = arith.index_cast %mul3A_77 : i32 to index
        %get3A_85 = tpu.vector_load %arg9[%get3A_84] {strides = array<i32>} : memref<1280xf32, #tpu.memory_space<vmem>>, vector<16xf32>,
        %swap3A_86 = arith.index_cast %scan3A_75 : i32 to index
        %swap3A_87 = tpu.vector_load %arg14[%swap3A_86] masked %gt3A_80 {strides = array<i32>} : memref<1296xf32, #tpu.memory_space<vmem>>, vector<16xf32>, vector<16xi1>
        tpu.vector_store %arg14[%swap3A_86], %get3A_85 masked %gt3A_80 {strides = array<i32>} : memref<1296xf32, #tpu.memory_space<vmem>>, vector<16xf32>, vector<16xi1>
        %get3A_88 = arith.index_cast %mul3A_77 : i32 to index
        %get3A_89 = tpu.vector_load %arg10[%get3A_88] {strides = array<i32>} : memref<1280xf32, #tpu.memory_space<vmem>>, vector<16xf32>,
        %swap3A_90 = arith.index_cast %scan3A_75 : i32 to index
        %swap3A_91 = tpu.vector_load %arg15[%swap3A_90] masked %gt3A_80 {strides = array<i32>} : memref<1296xf32, #tpu.memory_space<vmem>>, vector<16xf32>, vector<16xi1>
        tpu.vector_store %arg15[%swap3A_90], %get3A_89 masked %gt3A_80 {strides = array<i32>} : memref<1296xf32, #tpu.memory_space<vmem>>, vector<16xf32>, vector<16xi1>
        %get3A_92 = arith.index_cast %mul3A_77 : i32 to index
        %get3A_93 = tpu.vector_load %arg11[%get3A_92] {strides = array<i32>} : memref<1280xf32, #tpu.memory_space<vmem>>, vector<16xf32>,
        %swap3A_94 = arith.index_cast %scan3A_75 : i32 to index
        %swap3A_95 = tpu.vector_load %arg16[%swap3A_94] masked %gt3A_80 {strides = array<i32>} : memref<1296xf32, #tpu.memory_space<vmem>>, vector<16xf32>, vector<16xi1>
        tpu.vector_store %arg16[%swap3A_94], %get3A_93 masked %gt3A_80 {strides = array<i32>} : memref<1296xf32, #tpu.memory_space<vmem>>, vector<16xf32>, vector<16xi1>
        %swap3A_96 = arith.index_cast %scan3A_75 : i32 to index
        %swap3A_97 = tpu.vector_load %arg17[%swap3A_96] masked %gt3A_80 {strides = array<i32>} : memref<1296xf32, #tpu.memory_space<vmem>>, vector<16xf32>, vector<16xi1>
        tpu.vector_store %arg17[%swap3A_96], %get3A_78 masked %gt3A_80 {strides = array<i32>} : memref<1296xf32, #tpu.memory_space<vmem>>, vector<16xf32>, vector<16xi1>
        %add3A_98 = arith.addi %mul3A_2, %mul3A_77 : i32
        %broadcast_in_dim3A_99 = vector.broadcast %add3A_98 : i32 to vector<16xi32>
        %add3A_100 = arith.addi %broadcast_in_dim3A_99, %iota3A : vector<16xi32>
        %swap3A_101 = arith.index_cast %scan3A_75 : i32 to index
        %swap3A_102 = tpu.vector_load %arg18[%swap3A_101] masked %gt3A_80 {strides = array<i32>} : memref<1296xi32, #tpu.memory_space<vmem>>, vector<16xi32>, vector<16xi1>
        tpu.vector_store %arg18[%swap3A_101], %add3A_100 masked %gt3A_80 {strides = array<i32>} : memref<1296xi32, #tpu.memory_space<vmem>>, vector<16xi32>, vector<16xi1>
        %all_reduce_population_count3A = tpu.all_reduce %gt3A_80 {dim = 0 : i64, kind = #tpu.reduction_kind<sum>} : vector<16xi1> -> vector<16xi32>
        %reduce_max3A_103 = arith.constant true
        %reduce_max3A_104 = vector.broadcast %reduce_max3A_103 : i1 to vector<16xi1>
        %reduce_max3A_105 = arith.constant -2147483648 : i32
        %reduce_max3A_106 = vector.broadcast %reduce_max3A_105 : i32 to vector<16xi32>
        %reduce_max3A_107 = arith.xori %all_reduce_population_count3A, %reduce_max3A_106 : vector<16xi32>
        %reduce_max3A_108 = tpu.scan <max>, %reduce_max3A_107 masked %reduce_max3A_104 : vector<16xi32>, vector<16xi1> -> vector<16xi32>
        %reduce_max3A_109 = arith.xori %reduce_max3A_108, %reduce_max3A_106 : vector<16xi32>
        %reduce_max3A_110 = vector.extract %reduce_max3A_109[15] : i32 from vector<16xi32>
        %add3A_111 = arith.addi %scan3A_75, %reduce_max3A_110 : i32
        scf.yield %add3A_111 : i32
      }
      %scan3A_14 = arith.constant 80 : i32
      %add3A = arith.constant 63 : i32
      %add3A_15 = arith.addi %scan3A_13, %add3A : i32
      %jit3A = arith.constant 64 : i32
      %div3A = arith.divsi %add3A_15, %jit3A : i32
      %sign3A = arith.constant 0 : i32
      %sign3A_16 = arith.cmpi sgt, %add3A_15, %sign3A : i32
      %sign3A_17 = arith.extui %sign3A_16 : i1 to i32
      %sign3A_18 = arith.constant 0 : i32
      %sign3A_19 = arith.cmpi slt, %add3A_15, %sign3A_18 : i32
      %sign3A_20 = arith.extui %sign3A_19 : i1 to i32
      %sign3A_21 = arith.subi %sign3A_17, %sign3A_20 : i32
      %sign3A_22 = arith.constant 0 : i32
      %sign3A_23 = arith.cmpi sgt, %jit3A, %sign3A_22 : i32
      %sign3A_24 = arith.extui %sign3A_23 : i1 to i32
      %sign3A_25 = arith.constant 0 : i32
      %sign3A_26 = arith.cmpi slt, %jit3A, %sign3A_25 : i32
      %sign3A_27 = arith.extui %sign3A_26 : i1 to i32
      %sign3A_28 = arith.subi %sign3A_24, %sign3A_27 : i32
      %ne3A = arith.cmpi ne, %sign3A_21, %sign3A_28 : i32
      %rem3A = arith.remsi %add3A_15, %jit3A : i32
      %ne3A_29 = arith.constant 0 : i32
      %ne3A_30 = arith.cmpi ne, %rem3A, %ne3A_29 : i32
      %and3A = arith.andi %ne3A, %ne3A_30 : i1
      %sub3A = arith.constant 1 : i32
      %sub3A_31 = arith.subi %div3A, %sub3A : i32
      %select_n3A = arith.select %and3A, %sub3A_31, %div3A : i32
      %sub3A_32 = arith.constant -9.000000e+00 : f32
      %sub3A_33 = arith.constant -1.000000e+01 : f32
      %sub3A_34 = arith.subf %sub3A_32, %sub3A_33 : f32
      %sub3A_35 = arith.constant -9.000000e+00 : f32
      %sub3A_36 = arith.constant -1.000000e+01 : f32
      %sub3A_37 = arith.subf %sub3A_35, %sub3A_36 : f32
      %mul3A_38 = arith.mulf %sub3A_34, %sub3A_37 : f32
      %broadcast_in_dim3A = arith.constant -2.000000e+00 : f32
      %broadcast_in_dim3A_39 = vector.broadcast %broadcast_in_dim3A : f32 to vector<16xf32>
      %broadcast_in_dim3A_40 = arith.constant 1073741824 : i32
      %broadcast_in_dim3A_41 = vector.broadcast %broadcast_in_dim3A_40 : i32 to vector<16xi32>
      %parallel_loop3A = arith.constant 0 : i32
      %parallel_loop3A_42 = arith.constant 1 : i32
      %parallel_loop3A_43 = arith.constant -1.000000e+01 : f32
      %parallel_loop3A_44 = arith.constant -1.000000e+01 : f32
      %parallel_loop3A_45 = arith.constant -9.000000e+00 : f32
      %parallel_loop3A_46 = arith.constant -9.000000e+00 : f32
      %parallel_loop3A_47:2 = scf.for %parallel_loop3A_74 = %parallel_loop3A to %select_n3A step %parallel_loop3A_42 iter_args(%parallel_loop3A_75 = %broadcast_in_dim3A_39, %parallel_loop3A_76 = %broadcast_in_dim3A_41) -> (vector<16xf32>, vector<16xi32>)  : i32 {
        %parallel_loop3A_77 = arith.constant 64 : i32
        %parallel_loop3A_78 = arith.muli %parallel_loop3A_74, %parallel_loop3A_77 : i32
        %parallel_loop3A_79 = arith.constant 0 : i32
        %parallel_loop3A_80 = arith.addi %parallel_loop3A_78, %parallel_loop3A_79 : i32
        %parallel_loop3A_81 = arith.index_cast %parallel_loop3A_80 : i32 to index
        %parallel_loop3A_82 = tpu.vector_load %arg13[%parallel_loop3A_81] {strides = array<i32>} : memref<1296xf32, #tpu.memory_space<vmem>>, vector<16xf32>,
        %parallel_loop3A_83 = arith.index_cast %parallel_loop3A_80 : i32 to index
        %parallel_loop3A_84 = tpu.vector_load %arg14[%parallel_loop3A_83] {strides = array<i32>} : memref<1296xf32, #tpu.memory_space<vmem>>, vector<16xf32>,
        %parallel_loop3A_85 = arith.index_cast %parallel_loop3A_80 : i32 to index
        %parallel_loop3A_86 = tpu.vector_load %arg15[%parallel_loop3A_85] {strides = array<i32>} : memref<1296xf32, #tpu.memory_space<vmem>>, vector<16xf32>,
        %parallel_loop3A_87 = arith.index_cast %parallel_loop3A_80 : i32 to index
        %parallel_loop3A_88 = tpu.vector_load %arg16[%parallel_loop3A_87] {strides = array<i32>} : memref<1296xf32, #tpu.memory_space<vmem>>, vector<16xf32>,
        %parallel_loop3A_89 = arith.index_cast %parallel_loop3A_80 : i32 to index
        %parallel_loop3A_90 = tpu.vector_load %arg17[%parallel_loop3A_89] {strides = array<i32>} : memref<1296xf32, #tpu.memory_space<vmem>>, vector<16xf32>,
        %parallel_loop3A_91 = vector.broadcast %parallel_loop3A_43 : f32 to vector<16xf32>
        %parallel_loop3A_92 = arith.maximumf %parallel_loop3A_91, %parallel_loop3A_82 : vector<16xf32>
        %parallel_loop3A_93 = vector.broadcast %parallel_loop3A_44 : f32 to vector<16xf32>
        %parallel_loop3A_94 = arith.maximumf %parallel_loop3A_93, %parallel_loop3A_84 : vector<16xf32>
        %parallel_loop3A_95 = vector.broadcast %parallel_loop3A_45 : f32 to vector<16xf32>
        %parallel_loop3A_96 = arith.minimumf %parallel_loop3A_95, %parallel_loop3A_86 : vector<16xf32>
        %parallel_loop3A_97 = vector.broadcast %parallel_loop3A_46 : f32 to vector<16xf32>
        %parallel_loop3A_98 = arith.minimumf %parallel_loop3A_97, %parallel_loop3A_88 : vector<16xf32>
        %parallel_loop3A_99 = arith.subf %parallel_loop3A_96, %parallel_loop3A_92 : vector<16xf32>
        %parallel_loop3A_100 = arith.constant 0.000000e+00 : f32
        %parallel_loop3A_101 = vector.broadcast %parallel_loop3A_100 : f32 to vector<16xf32>
        %parallel_loop3A_102 = arith.maximumf %parallel_loop3A_99, %parallel_loop3A_101 : vector<16xf32>
        %parallel_loop3A_103 = arith.subf %parallel_loop3A_98, %parallel_loop3A_94 : vector<16xf32>
        %parallel_loop3A_104 = arith.constant 0.000000e+00 : f32
        %parallel_loop3A_105 = vector.broadcast %parallel_loop3A_104 : f32 to vector<16xf32>
        %parallel_loop3A_106 = arith.maximumf %parallel_loop3A_103, %parallel_loop3A_105 : vector<16xf32>
        %parallel_loop3A_107 = arith.mulf %parallel_loop3A_102, %parallel_loop3A_106 : vector<16xf32>
        %parallel_loop3A_108 = arith.subf %parallel_loop3A_86, %parallel_loop3A_82 : vector<16xf32>
        %parallel_loop3A_109 = arith.subf %parallel_loop3A_88, %parallel_loop3A_84 : vector<16xf32>
        %parallel_loop3A_110 = arith.mulf %parallel_loop3A_108, %parallel_loop3A_109 : vector<16xf32>
        %parallel_loop3A_111 = vector.broadcast %mul3A_38 : f32 to vector<16xf32>
        %parallel_loop3A_112 = arith.addf %parallel_loop3A_111, %parallel_loop3A_110 : vector<16xf32>
        %parallel_loop3A_113 = arith.subf %parallel_loop3A_112, %parallel_loop3A_107 : vector<16xf32>
        %parallel_loop3A_114 = arith.constant 9.99999971E-10 : f32
        %parallel_loop3A_115 = vector.broadcast %parallel_loop3A_114 : f32 to vector<16xf32>
        %parallel_loop3A_116 = arith.addf %parallel_loop3A_113, %parallel_loop3A_115 : vector<16xf32>
        %parallel_loop3A_117 = arith.divf %parallel_loop3A_107, %parallel_loop3A_116 : vector<16xf32>
        %parallel_loop3A_118 = arith.constant 5.000000e-01 : f32
        %parallel_loop3A_119 = vector.broadcast %parallel_loop3A_118 : f32 to vector<16xf32>
        %parallel_loop3A_120 = arith.cmpf ogt, %parallel_loop3A_117, %parallel_loop3A_119 : vector<16xf32>
        %parallel_loop3A_121 = arith.constant -1.000000e+00 : f32
        %parallel_loop3A_122 = vector.broadcast %parallel_loop3A_121 : f32 to vector<16xf32>
        %parallel_loop3A_123 = arith.select %parallel_loop3A_120, %parallel_loop3A_122, %parallel_loop3A_90 : vector<16xi1>, vector<16xf32>
        %parallel_loop3A_124 = arith.index_cast %parallel_loop3A_80 : i32 to index
        %parallel_loop3A_125 = tpu.vector_load %arg17[%parallel_loop3A_124] {strides = array<i32>} : memref<1296xf32, #tpu.memory_space<vmem>>, vector<16xf32>,
        tpu.vector_store %arg17[%parallel_loop3A_124], %parallel_loop3A_123 {strides = array<i32>} : memref<1296xf32, #tpu.memory_space<vmem>>, vector<16xf32>,
        %parallel_loop3A_126 = arith.cmpf ogt, %parallel_loop3A_123, %parallel_loop3A_75 : vector<16xf32>
        %parallel_loop3A_127 = arith.select %parallel_loop3A_126, %parallel_loop3A_123, %parallel_loop3A_75 : vector<16xi1>, vector<16xf32>
        %parallel_loop3A_128 = vector.broadcast %parallel_loop3A_80 : i32 to vector<16xi32>
        %parallel_loop3A_129 = arith.addi %parallel_loop3A_128, %iota3A : vector<16xi32>
        %parallel_loop3A_130 = arith.select %parallel_loop3A_126, %parallel_loop3A_129, %parallel_loop3A_76 : vector<16xi1>, vector<16xi32>
        %parallel_loop3A_131 = arith.constant 64 : i32
        %parallel_loop3A_132 = arith.muli %parallel_loop3A_74, %parallel_loop3A_131 : i32
        %parallel_loop3A_133 = arith.constant 16 : i32
        %parallel_loop3A_134 = arith.addi %parallel_loop3A_132, %parallel_loop3A_133 : i32
        %parallel_loop3A_135 = arith.index_cast %parallel_loop3A_134 : i32 to index
        %parallel_loop3A_136 = tpu.vector_load %arg13[%parallel_loop3A_135] {strides = array<i32>} : memref<1296xf32, #tpu.memory_space<vmem>>, vector<16xf32>,
        %parallel_loop3A_137 = arith.index_cast %parallel_loop3A_134 : i32 to index
        %parallel_loop3A_138 = tpu.vector_load %arg14[%parallel_loop3A_137] {strides = array<i32>} : memref<1296xf32, #tpu.memory_space<vmem>>, vector<16xf32>,
        %parallel_loop3A_139 = arith.index_cast %parallel_loop3A_134 : i32 to index
        %parallel_loop3A_140 = tpu.vector_load %arg15[%parallel_loop3A_139] {strides = array<i32>} : memref<1296xf32, #tpu.memory_space<vmem>>, vector<16xf32>,
        %parallel_loop3A_141 = arith.index_cast %parallel_loop3A_134 : i32 to index
        %parallel_loop3A_142 = tpu.vector_load %arg16[%parallel_loop3A_141] {strides = array<i32>} : memref<1296xf32, #tpu.memory_space<vmem>>, vector<16xf32>,
        %parallel_loop3A_143 = arith.index_cast %parallel_loop3A_134 : i32 to index
        %parallel_loop3A_144 = tpu.vector_load %arg17[%parallel_loop3A_143] {strides = array<i32>} : memref<1296xf32, #tpu.memory_space<vmem>>, vector<16xf32>,
        %parallel_loop3A_145 = vector.broadcast %parallel_loop3A_43 : f32 to vector<16xf32>
        %parallel_loop3A_146 = arith.maximumf %parallel_loop3A_145, %parallel_loop3A_136 : vector<16xf32>
        %parallel_loop3A_147 = vector.broadcast %parallel_loop3A_44 : f32 to vector<16xf32>
        %parallel_loop3A_148 = arith.maximumf %parallel_loop3A_147, %parallel_loop3A_138 : vector<16xf32>
        %parallel_loop3A_149 = vector.broadcast %parallel_loop3A_45 : f32 to vector<16xf32>
        %parallel_loop3A_150 = arith.minimumf %parallel_loop3A_149, %parallel_loop3A_140 : vector<16xf32>
        %parallel_loop3A_151 = vector.broadcast %parallel_loop3A_46 : f32 to vector<16xf32>
        %parallel_loop3A_152 = arith.minimumf %parallel_loop3A_151, %parallel_loop3A_142 : vector<16xf32>
        %parallel_loop3A_153 = arith.subf %parallel_loop3A_150, %parallel_loop3A_146 : vector<16xf32>
        %parallel_loop3A_154 = arith.constant 0.000000e+00 : f32
        %parallel_loop3A_155 = vector.broadcast %parallel_loop3A_154 : f32 to vector<16xf32>
        %parallel_loop3A_156 = arith.maximumf %parallel_loop3A_153, %parallel_loop3A_155 : vector<16xf32>
        %parallel_loop3A_157 = arith.subf %parallel_loop3A_152, %parallel_loop3A_148 : vector<16xf32>
        %parallel_loop3A_158 = arith.constant 0.000000e+00 : f32
        %parallel_loop3A_159 = vector.broadcast %parallel_loop3A_158 : f32 to vector<16xf32>
        %parallel_loop3A_160 = arith.maximumf %parallel_loop3A_157, %parallel_loop3A_159 : vector<16xf32>
        %parallel_loop3A_161 = arith.mulf %parallel_loop3A_156, %parallel_loop3A_160 : vector<16xf32>
        %parallel_loop3A_162 = arith.subf %parallel_loop3A_140, %parallel_loop3A_136 : vector<16xf32>
        %parallel_loop3A_163 = arith.subf %parallel_loop3A_142, %parallel_loop3A_138 : vector<16xf32>
        %parallel_loop3A_164 = arith.mulf %parallel_loop3A_162, %parallel_loop3A_163 : vector<16xf32>
        %parallel_loop3A_165 = vector.broadcast %mul3A_38 : f32 to vector<16xf32>
        %parallel_loop3A_166 = arith.addf %parallel_loop3A_165, %parallel_loop3A_164 : vector<16xf32>
        %parallel_loop3A_167 = arith.subf %parallel_loop3A_166, %parallel_loop3A_161 : vector<16xf32>
        %parallel_loop3A_168 = arith.constant 9.99999971E-10 : f32
        %parallel_loop3A_169 = vector.broadcast %parallel_loop3A_168 : f32 to vector<16xf32>
        %parallel_loop3A_170 = arith.addf %parallel_loop3A_167, %parallel_loop3A_169 : vector<16xf32>
        %parallel_loop3A_171 = arith.divf %parallel_loop3A_161, %parallel_loop3A_170 : vector<16xf32>
        %parallel_loop3A_172 = arith.constant 5.000000e-01 : f32
        %parallel_loop3A_173 = vector.broadcast %parallel_loop3A_172 : f32 to vector<16xf32>
        %parallel_loop3A_174 = arith.cmpf ogt, %parallel_loop3A_171, %parallel_loop3A_173 : vector<16xf32>
        %parallel_loop3A_175 = arith.constant -1.000000e+00 : f32
        %parallel_loop3A_176 = vector.broadcast %parallel_loop3A_175 : f32 to vector<16xf32>
        %parallel_loop3A_177 = arith.select %parallel_loop3A_174, %parallel_loop3A_176, %parallel_loop3A_144 : vector<16xi1>, vector<16xf32>
        %parallel_loop3A_178 = arith.index_cast %parallel_loop3A_134 : i32 to index
        %parallel_loop3A_179 = tpu.vector_load %arg17[%parallel_loop3A_178] {strides = array<i32>} : memref<1296xf32, #tpu.memory_space<vmem>>, vector<16xf32>,
        tpu.vector_store %arg17[%parallel_loop3A_178], %parallel_loop3A_177 {strides = array<i32>} : memref<1296xf32, #tpu.memory_space<vmem>>, vector<16xf32>,
        %parallel_loop3A_180 = arith.cmpf ogt, %parallel_loop3A_177, %parallel_loop3A_127 : vector<16xf32>
        %parallel_loop3A_181 = arith.select %parallel_loop3A_180, %parallel_loop3A_177, %parallel_loop3A_127 : vector<16xi1>, vector<16xf32>
        %parallel_loop3A_182 = vector.broadcast %parallel_loop3A_134 : i32 to vector<16xi32>
        %parallel_loop3A_183 = arith.addi %parallel_loop3A_182, %iota3A : vector<16xi32>
        %parallel_loop3A_184 = arith.select %parallel_loop3A_180, %parallel_loop3A_183, %parallel_loop3A_130 : vector<16xi1>, vector<16xi32>
        %parallel_loop3A_185 = arith.constant 64 : i32
        %parallel_loop3A_186 = arith.muli %parallel_loop3A_74, %parallel_loop3A_185 : i32
        %parallel_loop3A_187 = arith.constant 32 : i32
        %parallel_loop3A_188 = arith.addi %parallel_loop3A_186, %parallel_loop3A_187 : i32
        %parallel_loop3A_189 = arith.index_cast %parallel_loop3A_188 : i32 to index
        %parallel_loop3A_190 = tpu.vector_load %arg13[%parallel_loop3A_189] {strides = array<i32>} : memref<1296xf32, #tpu.memory_space<vmem>>, vector<16xf32>,
        %parallel_loop3A_191 = arith.index_cast %parallel_loop3A_188 : i32 to index
        %parallel_loop3A_192 = tpu.vector_load %arg14[%parallel_loop3A_191] {strides = array<i32>} : memref<1296xf32, #tpu.memory_space<vmem>>, vector<16xf32>,
        %parallel_loop3A_193 = arith.index_cast %parallel_loop3A_188 : i32 to index
        %parallel_loop3A_194 = tpu.vector_load %arg15[%parallel_loop3A_193] {strides = array<i32>} : memref<1296xf32, #tpu.memory_space<vmem>>, vector<16xf32>,
        %parallel_loop3A_195 = arith.index_cast %parallel_loop3A_188 : i32 to index
        %parallel_loop3A_196 = tpu.vector_load %arg16[%parallel_loop3A_195] {strides = array<i32>} : memref<1296xf32, #tpu.memory_space<vmem>>, vector<16xf32>,
        %parallel_loop3A_197 = arith.index_cast %parallel_loop3A_188 : i32 to index
        %parallel_loop3A_198 = tpu.vector_load %arg17[%parallel_loop3A_197] {strides = array<i32>} : memref<1296xf32, #tpu.memory_space<vmem>>, vector<16xf32>,
        %parallel_loop3A_199 = vector.broadcast %parallel_loop3A_43 : f32 to vector<16xf32>
        %parallel_loop3A_200 = arith.maximumf %parallel_loop3A_199, %parallel_loop3A_190 : vector<16xf32>
        %parallel_loop3A_201 = vector.broadcast %parallel_loop3A_44 : f32 to vector<16xf32>
        %parallel_loop3A_202 = arith.maximumf %parallel_loop3A_201, %parallel_loop3A_192 : vector<16xf32>
        %parallel_loop3A_203 = vector.broadcast %parallel_loop3A_45 : f32 to vector<16xf32>
        %parallel_loop3A_204 = arith.minimumf %parallel_loop3A_203, %parallel_loop3A_194 : vector<16xf32>
        %parallel_loop3A_205 = vector.broadcast %parallel_loop3A_46 : f32 to vector<16xf32>
        %parallel_loop3A_206 = arith.minimumf %parallel_loop3A_205, %parallel_loop3A_196 : vector<16xf32>
        %parallel_loop3A_207 = arith.subf %parallel_loop3A_204, %parallel_loop3A_200 : vector<16xf32>
        %parallel_loop3A_208 = arith.constant 0.000000e+00 : f32
        %parallel_loop3A_209 = vector.broadcast %parallel_loop3A_208 : f32 to vector<16xf32>
        %parallel_loop3A_210 = arith.maximumf %parallel_loop3A_207, %parallel_loop3A_209 : vector<16xf32>
        %parallel_loop3A_211 = arith.subf %parallel_loop3A_206, %parallel_loop3A_202 : vector<16xf32>
        %parallel_loop3A_212 = arith.constant 0.000000e+00 : f32
        %parallel_loop3A_213 = vector.broadcast %parallel_loop3A_212 : f32 to vector<16xf32>
        %parallel_loop3A_214 = arith.maximumf %parallel_loop3A_211, %parallel_loop3A_213 : vector<16xf32>
        %parallel_loop3A_215 = arith.mulf %parallel_loop3A_210, %parallel_loop3A_214 : vector<16xf32>
        %parallel_loop3A_216 = arith.subf %parallel_loop3A_194, %parallel_loop3A_190 : vector<16xf32>
        %parallel_loop3A_217 = arith.subf %parallel_loop3A_196, %parallel_loop3A_192 : vector<16xf32>
        %parallel_loop3A_218 = arith.mulf %parallel_loop3A_216, %parallel_loop3A_217 : vector<16xf32>
        %parallel_loop3A_219 = vector.broadcast %mul3A_38 : f32 to vector<16xf32>
        %parallel_loop3A_220 = arith.addf %parallel_loop3A_219, %parallel_loop3A_218 : vector<16xf32>
        %parallel_loop3A_221 = arith.subf %parallel_loop3A_220, %parallel_loop3A_215 : vector<16xf32>
        %parallel_loop3A_222 = arith.constant 9.99999971E-10 : f32
        %parallel_loop3A_223 = vector.broadcast %parallel_loop3A_222 : f32 to vector<16xf32>
        %parallel_loop3A_224 = arith.addf %parallel_loop3A_221, %parallel_loop3A_223 : vector<16xf32>
        %parallel_loop3A_225 = arith.divf %parallel_loop3A_215, %parallel_loop3A_224 : vector<16xf32>
        %parallel_loop3A_226 = arith.constant 5.000000e-01 : f32
        %parallel_loop3A_227 = vector.broadcast %parallel_loop3A_226 : f32 to vector<16xf32>
        %parallel_loop3A_228 = arith.cmpf ogt, %parallel_loop3A_225, %parallel_loop3A_227 : vector<16xf32>
        %parallel_loop3A_229 = arith.constant -1.000000e+00 : f32
        %parallel_loop3A_230 = vector.broadcast %parallel_loop3A_229 : f32 to vector<16xf32>
        %parallel_loop3A_231 = arith.select %parallel_loop3A_228, %parallel_loop3A_230, %parallel_loop3A_198 : vector<16xi1>, vector<16xf32>
        %parallel_loop3A_232 = arith.index_cast %parallel_loop3A_188 : i32 to index
        %parallel_loop3A_233 = tpu.vector_load %arg17[%parallel_loop3A_232] {strides = array<i32>} : memref<1296xf32, #tpu.memory_space<vmem>>, vector<16xf32>,
        tpu.vector_store %arg17[%parallel_loop3A_232], %parallel_loop3A_231 {strides = array<i32>} : memref<1296xf32, #tpu.memory_space<vmem>>, vector<16xf32>,
        %parallel_loop3A_234 = arith.cmpf ogt, %parallel_loop3A_231, %parallel_loop3A_181 : vector<16xf32>
        %parallel_loop3A_235 = arith.select %parallel_loop3A_234, %parallel_loop3A_231, %parallel_loop3A_181 : vector<16xi1>, vector<16xf32>
        %parallel_loop3A_236 = vector.broadcast %parallel_loop3A_188 : i32 to vector<16xi32>
        %parallel_loop3A_237 = arith.addi %parallel_loop3A_236, %iota3A : vector<16xi32>
        %parallel_loop3A_238 = arith.select %parallel_loop3A_234, %parallel_loop3A_237, %parallel_loop3A_184 : vector<16xi1>, vector<16xi32>
        %parallel_loop3A_239 = arith.constant 64 : i32
        %parallel_loop3A_240 = arith.muli %parallel_loop3A_74, %parallel_loop3A_239 : i32
        %parallel_loop3A_241 = arith.constant 48 : i32
        %parallel_loop3A_242 = arith.addi %parallel_loop3A_240, %parallel_loop3A_241 : i32
        %parallel_loop3A_243 = arith.index_cast %parallel_loop3A_242 : i32 to index
        %parallel_loop3A_244 = tpu.vector_load %arg13[%parallel_loop3A_243] {strides = array<i32>} : memref<1296xf32, #tpu.memory_space<vmem>>, vector<16xf32>,
        %parallel_loop3A_245 = arith.index_cast %parallel_loop3A_242 : i32 to index
        %parallel_loop3A_246 = tpu.vector_load %arg14[%parallel_loop3A_245] {strides = array<i32>} : memref<1296xf32, #tpu.memory_space<vmem>>, vector<16xf32>,
        %parallel_loop3A_247 = arith.index_cast %parallel_loop3A_242 : i32 to index
        %parallel_loop3A_248 = tpu.vector_load %arg15[%parallel_loop3A_247] {strides = array<i32>} : memref<1296xf32, #tpu.memory_space<vmem>>, vector<16xf32>,
        %parallel_loop3A_249 = arith.index_cast %parallel_loop3A_242 : i32 to index
        %parallel_loop3A_250 = tpu.vector_load %arg16[%parallel_loop3A_249] {strides = array<i32>} : memref<1296xf32, #tpu.memory_space<vmem>>, vector<16xf32>,
        %parallel_loop3A_251 = arith.index_cast %parallel_loop3A_242 : i32 to index
        %parallel_loop3A_252 = tpu.vector_load %arg17[%parallel_loop3A_251] {strides = array<i32>} : memref<1296xf32, #tpu.memory_space<vmem>>, vector<16xf32>,
        %parallel_loop3A_253 = vector.broadcast %parallel_loop3A_43 : f32 to vector<16xf32>
        %parallel_loop3A_254 = arith.maximumf %parallel_loop3A_253, %parallel_loop3A_244 : vector<16xf32>
        %parallel_loop3A_255 = vector.broadcast %parallel_loop3A_44 : f32 to vector<16xf32>
        %parallel_loop3A_256 = arith.maximumf %parallel_loop3A_255, %parallel_loop3A_246 : vector<16xf32>
        %parallel_loop3A_257 = vector.broadcast %parallel_loop3A_45 : f32 to vector<16xf32>
        %parallel_loop3A_258 = arith.minimumf %parallel_loop3A_257, %parallel_loop3A_248 : vector<16xf32>
        %parallel_loop3A_259 = vector.broadcast %parallel_loop3A_46 : f32 to vector<16xf32>
        %parallel_loop3A_260 = arith.minimumf %parallel_loop3A_259, %parallel_loop3A_250 : vector<16xf32>
        %parallel_loop3A_261 = arith.subf %parallel_loop3A_258, %parallel_loop3A_254 : vector<16xf32>
        %parallel_loop3A_262 = arith.constant 0.000000e+00 : f32
        %parallel_loop3A_263 = vector.broadcast %parallel_loop3A_262 : f32 to vector<16xf32>
        %parallel_loop3A_264 = arith.maximumf %parallel_loop3A_261, %parallel_loop3A_263 : vector<16xf32>
        %parallel_loop3A_265 = arith.subf %parallel_loop3A_260, %parallel_loop3A_256 : vector<16xf32>
        %parallel_loop3A_266 = arith.constant 0.000000e+00 : f32
        %parallel_loop3A_267 = vector.broadcast %parallel_loop3A_266 : f32 to vector<16xf32>
        %parallel_loop3A_268 = arith.maximumf %parallel_loop3A_265, %parallel_loop3A_267 : vector<16xf32>
        %parallel_loop3A_269 = arith.mulf %parallel_loop3A_264, %parallel_loop3A_268 : vector<16xf32>
        %parallel_loop3A_270 = arith.subf %parallel_loop3A_248, %parallel_loop3A_244 : vector<16xf32>
        %parallel_loop3A_271 = arith.subf %parallel_loop3A_250, %parallel_loop3A_246 : vector<16xf32>
        %parallel_loop3A_272 = arith.mulf %parallel_loop3A_270, %parallel_loop3A_271 : vector<16xf32>
        %parallel_loop3A_273 = vector.broadcast %mul3A_38 : f32 to vector<16xf32>
        %parallel_loop3A_274 = arith.addf %parallel_loop3A_273, %parallel_loop3A_272 : vector<16xf32>
        %parallel_loop3A_275 = arith.subf %parallel_loop3A_274, %parallel_loop3A_269 : vector<16xf32>
        %parallel_loop3A_276 = arith.constant 9.99999971E-10 : f32
        %parallel_loop3A_277 = vector.broadcast %parallel_loop3A_276 : f32 to vector<16xf32>
        %parallel_loop3A_278 = arith.addf %parallel_loop3A_275, %parallel_loop3A_277 : vector<16xf32>
        %parallel_loop3A_279 = arith.divf %parallel_loop3A_269, %parallel_loop3A_278 : vector<16xf32>
        %parallel_loop3A_280 = arith.constant 5.000000e-01 : f32
        %parallel_loop3A_281 = vector.broadcast %parallel_loop3A_280 : f32 to vector<16xf32>
        %parallel_loop3A_282 = arith.cmpf ogt, %parallel_loop3A_279, %parallel_loop3A_281 : vector<16xf32>
        %parallel_loop3A_283 = arith.constant -1.000000e+00 : f32
        %parallel_loop3A_284 = vector.broadcast %parallel_loop3A_283 : f32 to vector<16xf32>
        %parallel_loop3A_285 = arith.select %parallel_loop3A_282, %parallel_loop3A_284, %parallel_loop3A_252 : vector<16xi1>, vector<16xf32>
        %parallel_loop3A_286 = arith.index_cast %parallel_loop3A_242 : i32 to index
        %parallel_loop3A_287 = tpu.vector_load %arg17[%parallel_loop3A_286] {strides = array<i32>} : memref<1296xf32, #tpu.memory_space<vmem>>, vector<16xf32>,
        tpu.vector_store %arg17[%parallel_loop3A_286], %parallel_loop3A_285 {strides = array<i32>} : memref<1296xf32, #tpu.memory_space<vmem>>, vector<16xf32>,
        %parallel_loop3A_288 = arith.cmpf ogt, %parallel_loop3A_285, %parallel_loop3A_235 : vector<16xf32>
        %parallel_loop3A_289 = arith.select %parallel_loop3A_288, %parallel_loop3A_285, %parallel_loop3A_235 : vector<16xi1>, vector<16xf32>
        %parallel_loop3A_290 = vector.broadcast %parallel_loop3A_242 : i32 to vector<16xi32>
        %parallel_loop3A_291 = arith.addi %parallel_loop3A_290, %iota3A : vector<16xi32>
        %parallel_loop3A_292 = arith.select %parallel_loop3A_288, %parallel_loop3A_291, %parallel_loop3A_238 : vector<16xi1>, vector<16xi32>
        scf.yield %parallel_loop3A_289, %parallel_loop3A_292 : vector<16xf32>, vector<16xi32>
      } {sc.loop_unroll_factor = 2 : i64, sc.parallel_access}
      %reduce_max3A = arith.constant true
      %reduce_max3A_48 = vector.broadcast %reduce_max3A : i1 to vector<16xi1>
      %reduce_max3A_49 = tpu.scan <max>, %parallel_loop3A_47#0 masked %reduce_max3A_48 : vector<16xf32>, vector<16xi1> -> vector<16xf32>
      %reduce_max3A_50 = vector.extract %reduce_max3A_49[15] : f32 from vector<16xf32>
      %broadcast_in_dim3A_51 = vector.broadcast %reduce_max3A_50 : f32 to vector<16xf32>
      %eq3A_52 = arith.cmpf oeq, %parallel_loop3A_47#0, %broadcast_in_dim3A_51 : vector<16xf32>
      %broadcast_in_dim3A_53 = arith.constant 1073741824 : i32
      %broadcast_in_dim3A_54 = vector.broadcast %broadcast_in_dim3A_53 : i32 to vector<16xi32>
      %select_n3A_55 = arith.select %eq3A_52, %parallel_loop3A_47#1, %broadcast_in_dim3A_54 : vector<16xi1>, vector<16xi32>
      %reduce_min3A = arith.constant true
      %reduce_min3A_56 = vector.broadcast %reduce_min3A : i1 to vector<16xi1>
      %reduce_min3A_57 = arith.constant -2147483648 : i32
      %reduce_min3A_58 = vector.broadcast %reduce_min3A_57 : i32 to vector<16xi32>
      %reduce_min3A_59 = arith.xori %select_n3A_55, %reduce_min3A_58 : vector<16xi32>
      %reduce_min3A_60 = tpu.scan <min>, %reduce_min3A_59 masked %reduce_min3A_56 : vector<16xi32>, vector<16xi1> -> vector<16xi32>
      %reduce_min3A_61 = arith.xori %reduce_min3A_60, %reduce_min3A_58 : vector<16xi32>
      %reduce_min3A_62 = vector.extract %reduce_min3A_61[15] : i32 from vector<16xi32>
      %scan3A_63 = arith.constant 0 : i32
      %scan3A_64 = arith.constant 100 : i32
      %scan3A_65 = arith.addi %scan3A_63, %scan3A_64 : i32
      %scan3A_66 = arith.constant 1 : i32
      %scan3A_67:2 = scf.for %scan3A_74 = %scan3A_63 to %scan3A_65 step %scan3A_66 iter_args(%scan3A_75 = %reduce_max3A_50, %scan3A_76 = %reduce_min3A_62) -> (f32, i32)  : i32 {
        %min3A = arith.constant 1295 : i32
        %min3A_77 = arith.minsi %scan3A_76, %min3A : i32
        %broadcast_in_dim3A_78 = vector.broadcast %min3A_77 : i32 to vector<16xi32>
        %gather3A = tpu.vector_load_idx %arg18[%broadcast_in_dim3A_78] : memref<1296xi32, #tpu.memory_space<vmem>>[vector<16xi32>], vector<16xi32>,
        %gather3A_79 = tpu.vector_load_idx %arg13[%broadcast_in_dim3A_78] : memref<1296xf32, #tpu.memory_space<vmem>>[vector<16xi32>], vector<16xf32>,
        %gather3A_80 = tpu.vector_load_idx %arg14[%broadcast_in_dim3A_78] : memref<1296xf32, #tpu.memory_space<vmem>>[vector<16xi32>], vector<16xf32>,
        %gather3A_81 = tpu.vector_load_idx %arg15[%broadcast_in_dim3A_78] : memref<1296xf32, #tpu.memory_space<vmem>>[vector<16xi32>], vector<16xf32>,
        %gather3A_82 = tpu.vector_load_idx %arg16[%broadcast_in_dim3A_78] : memref<1296xf32, #tpu.memory_space<vmem>>[vector<16xi32>], vector<16xf32>,
        %broadcast_in_dim3A_83 = arith.constant 0 : i32
        %broadcast_in_dim3A_84 = vector.broadcast %broadcast_in_dim3A_83 : i32 to vector<16xi32>
        %eq3A_85 = arith.cmpi eq, %iota3A, %broadcast_in_dim3A_84 : vector<16xi32>
        %broadcast_in_dim3A_86 = vector.broadcast %scan3A_75 : f32 to vector<16xf32>
        %broadcast_in_dim3A_87 = arith.constant 0.000000e+00 : f32
        %broadcast_in_dim3A_88 = vector.broadcast %broadcast_in_dim3A_87 : f32 to vector<16xf32>
        %select_n3A_89 = arith.select %eq3A_85, %broadcast_in_dim3A_86, %broadcast_in_dim3A_88 : vector<16xi1>, vector<16xf32>
        %broadcast_in_dim3A_90 = arith.constant 1 : i32
        %broadcast_in_dim3A_91 = vector.broadcast %broadcast_in_dim3A_90 : i32 to vector<16xi32>
        %eq3A_92 = arith.cmpi eq, %iota3A, %broadcast_in_dim3A_91 : vector<16xi32>
        %convert_element_type3A_93 = arith.sitofp %gather3A : vector<16xi32> to vector<16xf32>
        %select_n3A_94 = arith.select %eq3A_92, %convert_element_type3A_93, %select_n3A_89 : vector<16xi1>, vector<16xf32>
        %broadcast_in_dim3A_95 = arith.constant 2 : i32
        %broadcast_in_dim3A_96 = vector.broadcast %broadcast_in_dim3A_95 : i32 to vector<16xi32>
        %eq3A_97 = arith.cmpi eq, %iota3A, %broadcast_in_dim3A_96 : vector<16xi32>
        %select_n3A_98 = arith.select %eq3A_97, %gather3A_79, %select_n3A_94 : vector<16xi1>, vector<16xf32>
        %broadcast_in_dim3A_99 = arith.constant 3 : i32
        %broadcast_in_dim3A_100 = vector.broadcast %broadcast_in_dim3A_99 : i32 to vector<16xi32>
        %eq3A_101 = arith.cmpi eq, %iota3A, %broadcast_in_dim3A_100 : vector<16xi32>
        %select_n3A_102 = arith.select %eq3A_101, %gather3A_80, %select_n3A_98 : vector<16xi1>, vector<16xf32>
        %broadcast_in_dim3A_103 = arith.constant 4 : i32
        %broadcast_in_dim3A_104 = vector.broadcast %broadcast_in_dim3A_103 : i32 to vector<16xi32>
        %eq3A_105 = arith.cmpi eq, %iota3A, %broadcast_in_dim3A_104 : vector<16xi32>
        %select_n3A_106 = arith.select %eq3A_105, %gather3A_81, %select_n3A_102 : vector<16xi1>, vector<16xf32>
        %broadcast_in_dim3A_107 = arith.constant 5 : i32
        %broadcast_in_dim3A_108 = vector.broadcast %broadcast_in_dim3A_107 : i32 to vector<16xi32>
        %eq3A_109 = arith.cmpi eq, %iota3A, %broadcast_in_dim3A_108 : vector<16xi32>
        %select_n3A_110 = arith.select %eq3A_109, %gather3A_82, %select_n3A_106 : vector<16xi1>, vector<16xf32>
        %swap3A = arith.constant 0 : index
        %swap3A_111 = tpu.vector_load %arg19[%swap3A] {strides = array<i32>} : memref<16xf32, #tpu.memory_space<vmem>>, vector<16xf32>,
        tpu.vector_store %arg19[%swap3A], %select_n3A_110 {strides = array<i32>} : memref<16xf32, #tpu.memory_space<vmem>>, vector<16xf32>,
        %rem3A_112 = arith.constant 2 : i32
        %rem3A_113 = arith.remsi %scan3A_74, %rem3A_112 : i32
        "tpu.region"() ({
          %run_scoped3A = tpu.sem_alloc : memref<!tpu.dma_semaphore, #tpu.memory_space<semaphore_mem>>
          %dma_start3A = arith.constant 0 : i32
          %dma_start3A_211 = tpu.memref_slice %arg22[%rem3A_113, %arg1, %dma_start3A] : memref<2x16x16xf32, #tpu.memory_space<hbm>> -> memref<1x1x16xf32, #tpu.memory_space<hbm>>
          %dma_start3A_212 = tpu.memref_squeeze %dma_start3A_211 : memref<1x1x16xf32, #tpu.memory_space<hbm>> -> memref<16xf32, #tpu.memory_space<hbm>>
          %dma_start3A_213 = arith.constant 0 : i32
          %dma_start3A_214 = tpu.memref_slice %arg22[%rem3A_113, %arg1, %dma_start3A_213] : memref<2x16x16xf32, #tpu.memory_space<hbm>> -> memref<1x1x16xf32, #tpu.memory_space<hbm>>
          %dma_start3A_215 = tpu.memref_squeeze %dma_start3A_214 : memref<1x1x16xf32, #tpu.memory_space<hbm>> -> memref<16xf32, #tpu.memory_space<hbm>>
          tpu.enqueue_dma source(%arg19 : memref<16xf32, #tpu.memory_space<vmem>>) target(%dma_start3A_215 : memref<16xf32, #tpu.memory_space<hbm>>) target_semaphore(%run_scoped3A : memref<!tpu.dma_semaphore, #tpu.memory_space<semaphore_mem>>)
          %dma_wait3A = arith.constant 0 : i32
          %dma_wait3A_216 = tpu.memref_slice %arg22[%rem3A_113, %arg1, %dma_wait3A] : memref<2x16x16xf32, #tpu.memory_space<hbm>> -> memref<1x1x16xf32, #tpu.memory_space<hbm>>
          %dma_wait3A_217 = tpu.memref_squeeze %dma_wait3A_216 : memref<1x1x16xf32, #tpu.memory_space<hbm>> -> memref<16xf32, #tpu.memory_space<hbm>>
          %dma_wait3A_218 = arith.constant 0 : i32
          %dma_wait3A_219 = tpu.memref_slice %arg22[%rem3A_113, %arg1, %dma_wait3A_218] : memref<2x16x16xf32, #tpu.memory_space<hbm>> -> memref<1x1x16xf32, #tpu.memory_space<hbm>>
          %dma_wait3A_220 = tpu.memref_squeeze %dma_wait3A_219 : memref<1x1x16xf32, #tpu.memory_space<hbm>> -> memref<16xf32, #tpu.memory_space<hbm>>
          tpu.wait_dma2 semaphore(%run_scoped3A : memref<!tpu.dma_semaphore, #tpu.memory_space<semaphore_mem>>) src(%arg19 : memref<16xf32, #tpu.memory_space<vmem>>) dst(%dma_wait3A_220 : memref<16xf32, #tpu.memory_space<hbm>>)
          tpu.yield
        }) : () -> ()
        %barrier3A = arith.constant 0 : index
        tpu.barrier barrier_id(%barrier3A)
        "tpu.region"() ({
          %run_scoped3A = tpu.sem_alloc : memref<!tpu.dma_semaphore, #tpu.memory_space<semaphore_mem>>
          %dma_start3A = arith.constant 0 : i32
          %dma_start3A_211 = arith.constant 0 : i32
          %dma_start3A_212 = tpu.memref_slice %arg22[%rem3A_113, %dma_start3A, %dma_start3A_211] : memref<2x16x16xf32, #tpu.memory_space<hbm>> -> memref<1x16x16xf32, #tpu.memory_space<hbm>>
          %dma_start3A_213 = tpu.memref_squeeze %dma_start3A_212 : memref<1x16x16xf32, #tpu.memory_space<hbm>> -> memref<16x16xf32, #tpu.memory_space<hbm>>
          %dma_start3A_214 = arith.constant 0 : i32
          %dma_start3A_215 = arith.constant 0 : i32
          %dma_start3A_216 = tpu.memref_slice %arg22[%rem3A_113, %dma_start3A_214, %dma_start3A_215] : memref<2x16x16xf32, #tpu.memory_space<hbm>> -> memref<1x16x16xf32, #tpu.memory_space<hbm>>
          %dma_start3A_217 = tpu.memref_squeeze %dma_start3A_216 : memref<1x16x16xf32, #tpu.memory_space<hbm>> -> memref<16x16xf32, #tpu.memory_space<hbm>>
          tpu.enqueue_dma source(%dma_start3A_217 : memref<16x16xf32, #tpu.memory_space<hbm>>) target(%arg20 : memref<16x16xf32, #tpu.memory_space<vmem>>) target_semaphore(%run_scoped3A : memref<!tpu.dma_semaphore, #tpu.memory_space<semaphore_mem>>)
          %dma_wait3A = arith.constant 0 : i32
          %dma_wait3A_218 = arith.constant 0 : i32
          %dma_wait3A_219 = tpu.memref_slice %arg22[%rem3A_113, %dma_wait3A, %dma_wait3A_218] : memref<2x16x16xf32, #tpu.memory_space<hbm>> -> memref<1x16x16xf32, #tpu.memory_space<hbm>>
          %dma_wait3A_220 = tpu.memref_squeeze %dma_wait3A_219 : memref<1x16x16xf32, #tpu.memory_space<hbm>> -> memref<16x16xf32, #tpu.memory_space<hbm>>
          %dma_wait3A_221 = arith.constant 0 : i32
          %dma_wait3A_222 = arith.constant 0 : i32
          %dma_wait3A_223 = tpu.memref_slice %arg22[%rem3A_113, %dma_wait3A_221, %dma_wait3A_222] : memref<2x16x16xf32, #tpu.memory_space<hbm>> -> memref<1x16x16xf32, #tpu.memory_space<hbm>>
          %dma_wait3A_224 = tpu.memref_squeeze %dma_wait3A_223 : memref<1x16x16xf32, #tpu.memory_space<hbm>> -> memref<16x16xf32, #tpu.memory_space<hbm>>
          tpu.wait_dma2 semaphore(%run_scoped3A : memref<!tpu.dma_semaphore, #tpu.memory_space<semaphore_mem>>) src(%dma_wait3A_224 : memref<16x16xf32, #tpu.memory_space<hbm>>) dst(%arg20 : memref<16x16xf32, #tpu.memory_space<vmem>>)
          tpu.yield
        }) : () -> ()
        %broadcast_in_dim3A_114 = arith.constant 0 : i32
        %broadcast_in_dim3A_115 = vector.broadcast %broadcast_in_dim3A_114 : i32 to vector<16xi32>
        %gather3A_116 = tpu.vector_load_idx %arg20[%iota3A, %broadcast_in_dim3A_115] : memref<16x16xf32, #tpu.memory_space<vmem>>[vector<16xi32>, vector<16xi32>], vector<16xf32>,
        %broadcast_in_dim3A_117 = arith.constant 1 : i32
        %broadcast_in_dim3A_118 = vector.broadcast %broadcast_in_dim3A_117 : i32 to vector<16xi32>
        %gather3A_119 = tpu.vector_load_idx %arg20[%iota3A, %broadcast_in_dim3A_118] : memref<16x16xf32, #tpu.memory_space<vmem>>[vector<16xi32>, vector<16xi32>], vector<16xf32>,
        %reduce_max3A_120 = arith.constant true
        %reduce_max3A_121 = vector.broadcast %reduce_max3A_120 : i1 to vector<16xi1>
        %reduce_max3A_122 = tpu.scan <max>, %gather3A_116 masked %reduce_max3A_121 : vector<16xf32>, vector<16xi1> -> vector<16xf32>
        %reduce_max3A_123 = vector.extract %reduce_max3A_122[15] : f32 from vector<16xf32>
        %broadcast_in_dim3A_124 = vector.broadcast %reduce_max3A_123 : f32 to vector<16xf32>
        %eq3A_125 = arith.cmpf oeq, %gather3A_116, %broadcast_in_dim3A_124 : vector<16xf32>
        %broadcast_in_dim3A_126 = arith.constant 3.000000e+07 : f32
        %broadcast_in_dim3A_127 = vector.broadcast %broadcast_in_dim3A_126 : f32 to vector<16xf32>
        %select_n3A_128 = arith.select %eq3A_125, %gather3A_119, %broadcast_in_dim3A_127 : vector<16xi1>, vector<16xf32>
        %reduce_min3A_129 = arith.constant true
        %reduce_min3A_130 = vector.broadcast %reduce_min3A_129 : i1 to vector<16xi1>
        %reduce_min3A_131 = tpu.scan <min>, %select_n3A_128 masked %reduce_min3A_130 : vector<16xf32>, vector<16xi1> -> vector<16xf32>
        %reduce_min3A_132 = vector.extract %reduce_min3A_131[15] : f32 from vector<16xf32>
        %broadcast_in_dim3A_133 = vector.broadcast %reduce_max3A_123 : f32 to vector<16xf32>
        %eq3A_134 = arith.cmpf oeq, %gather3A_116, %broadcast_in_dim3A_133 : vector<16xf32>
        %broadcast_in_dim3A_135 = vector.broadcast %reduce_min3A_132 : f32 to vector<16xf32>
        %eq3A_136 = arith.cmpf oeq, %gather3A_119, %broadcast_in_dim3A_135 : vector<16xf32>
        %and3A_137 = arith.andi %eq3A_134, %eq3A_136 : vector<16xi1>
        %broadcast_in_dim3A_138 = arith.constant 2 : i32
        %broadcast_in_dim3A_139 = vector.broadcast %broadcast_in_dim3A_138 : i32 to vector<16xi32>
        %gather3A_140 = tpu.vector_load_idx %arg20[%iota3A, %broadcast_in_dim3A_139] : memref<16x16xf32, #tpu.memory_space<vmem>>[vector<16xi32>, vector<16xi32>], vector<16xf32>,
        %broadcast_in_dim3A_141 = arith.constant -3.000000e+07 : f32
        %broadcast_in_dim3A_142 = vector.broadcast %broadcast_in_dim3A_141 : f32 to vector<16xf32>
        %select_n3A_143 = arith.select %and3A_137, %gather3A_140, %broadcast_in_dim3A_142 : vector<16xi1>, vector<16xf32>
        %reduce_max3A_144 = arith.constant true
        %reduce_max3A_145 = vector.broadcast %reduce_max3A_144 : i1 to vector<16xi1>
        %reduce_max3A_146 = tpu.scan <max>, %select_n3A_143 masked %reduce_max3A_145 : vector<16xf32>, vector<16xi1> -> vector<16xf32>
        %reduce_max3A_147 = vector.extract %reduce_max3A_146[15] : f32 from vector<16xf32>
        %broadcast_in_dim3A_148 = arith.constant 3 : i32
        %broadcast_in_dim3A_149 = vector.broadcast %broadcast_in_dim3A_148 : i32 to vector<16xi32>
        %gather3A_150 = tpu.vector_load_idx %arg20[%iota3A, %broadcast_in_dim3A_149] : memref<16x16xf32, #tpu.memory_space<vmem>>[vector<16xi32>, vector<16xi32>], vector<16xf32>,
        %broadcast_in_dim3A_151 = arith.constant -3.000000e+07 : f32
        %broadcast_in_dim3A_152 = vector.broadcast %broadcast_in_dim3A_151 : f32 to vector<16xf32>
        %select_n3A_153 = arith.select %and3A_137, %gather3A_150, %broadcast_in_dim3A_152 : vector<16xi1>, vector<16xf32>
        %reduce_max3A_154 = arith.constant true
        %reduce_max3A_155 = vector.broadcast %reduce_max3A_154 : i1 to vector<16xi1>
        %reduce_max3A_156 = tpu.scan <max>, %select_n3A_153 masked %reduce_max3A_155 : vector<16xf32>, vector<16xi1> -> vector<16xf32>
        %reduce_max3A_157 = vector.extract %reduce_max3A_156[15] : f32 from vector<16xf32>
        %broadcast_in_dim3A_158 = arith.constant 4 : i32
        %broadcast_in_dim3A_159 = vector.broadcast %broadcast_in_dim3A_158 : i32 to vector<16xi32>
        %gather3A_160 = tpu.vector_load_idx %arg20[%iota3A, %broadcast_in_dim3A_159] : memref<16x16xf32, #tpu.memory_space<vmem>>[vector<16xi32>, vector<16xi32>], vector<16xf32>,
        %broadcast_in_dim3A_161 = arith.constant -3.000000e+07 : f32
        %broadcast_in_dim3A_162 = vector.broadcast %broadcast_in_dim3A_161 : f32 to vector<16xf32>
        %select_n3A_163 = arith.select %and3A_137, %gather3A_160, %broadcast_in_dim3A_162 : vector<16xi1>, vector<16xf32>
        %reduce_max3A_164 = arith.constant true
        %reduce_max3A_165 = vector.broadcast %reduce_max3A_164 : i1 to vector<16xi1>
        %reduce_max3A_166 = tpu.scan <max>, %select_n3A_163 masked %reduce_max3A_165 : vector<16xf32>, vector<16xi1> -> vector<16xf32>
        %reduce_max3A_167 = vector.extract %reduce_max3A_166[15] : f32 from vector<16xf32>
        %broadcast_in_dim3A_168 = arith.constant 5 : i32
        %broadcast_in_dim3A_169 = vector.broadcast %broadcast_in_dim3A_168 : i32 to vector<16xi32>
        %gather3A_170 = tpu.vector_load_idx %arg20[%iota3A, %broadcast_in_dim3A_169] : memref<16x16xf32, #tpu.memory_space<vmem>>[vector<16xi32>, vector<16xi32>], vector<16xf32>,
        %broadcast_in_dim3A_171 = arith.constant -3.000000e+07 : f32
        %broadcast_in_dim3A_172 = vector.broadcast %broadcast_in_dim3A_171 : f32 to vector<16xf32>
        %select_n3A_173 = arith.select %and3A_137, %gather3A_170, %broadcast_in_dim3A_172 : vector<16xi1>, vector<16xf32>
        %reduce_max3A_174 = arith.constant true
        %reduce_max3A_175 = vector.broadcast %reduce_max3A_174 : i1 to vector<16xi1>
        %reduce_max3A_176 = tpu.scan <max>, %select_n3A_173 masked %reduce_max3A_175 : vector<16xf32>, vector<16xi1> -> vector<16xf32>
        %reduce_max3A_177 = vector.extract %reduce_max3A_176[15] : f32 from vector<16xf32>
        %gt3A = arith.constant 0.000000e+00 : f32
        %gt3A_178 = arith.cmpf ogt, %reduce_max3A_123, %gt3A : f32
        %eq3A_179 = arith.constant 0 : i32
        %eq3A_180 = arith.cmpi eq, %arg1, %eq3A_179 : i32
        %convert_element_type3A_181 = arith.extui %eq3A_180 : i1 to i32
        %cond3A_182 = arith.constant 0 : i32
        %cond3A_183 = arith.cmpi ne, %convert_element_type3A_181, %cond3A_182 : i32
        scf.if %cond3A_183 {
          %broadcast_in_dim3A_211 = arith.constant 0 : i32
          %broadcast_in_dim3A_212 = vector.broadcast %broadcast_in_dim3A_211 : i32 to vector<16xi32>
          %eq3A_213 = arith.cmpi eq, %iota3A, %broadcast_in_dim3A_212 : vector<16xi32>
          %broadcast_in_dim3A_214 = vector.broadcast %reduce_max3A_147 : f32 to vector<16xf32>
          %broadcast_in_dim3A_215 = arith.constant 0.000000e+00 : f32
          %broadcast_in_dim3A_216 = vector.broadcast %broadcast_in_dim3A_215 : f32 to vector<16xf32>
          %select_n3A_217 = arith.select %eq3A_213, %broadcast_in_dim3A_214, %broadcast_in_dim3A_216 : vector<16xi1>, vector<16xf32>
          %broadcast_in_dim3A_218 = arith.constant 1 : i32
          %broadcast_in_dim3A_219 = vector.broadcast %broadcast_in_dim3A_218 : i32 to vector<16xi32>
          %eq3A_220 = arith.cmpi eq, %iota3A, %broadcast_in_dim3A_219 : vector<16xi32>
          %broadcast_in_dim3A_221 = vector.broadcast %reduce_max3A_157 : f32 to vector<16xf32>
          %select_n3A_222 = arith.select %eq3A_220, %broadcast_in_dim3A_221, %select_n3A_217 : vector<16xi1>, vector<16xf32>
          %broadcast_in_dim3A_223 = arith.constant 2 : i32
          %broadcast_in_dim3A_224 = vector.broadcast %broadcast_in_dim3A_223 : i32 to vector<16xi32>
          %eq3A_225 = arith.cmpi eq, %iota3A, %broadcast_in_dim3A_224 : vector<16xi32>
          %broadcast_in_dim3A_226 = vector.broadcast %reduce_max3A_167 : f32 to vector<16xf32>
          %select_n3A_227 = arith.select %eq3A_225, %broadcast_in_dim3A_226, %select_n3A_222 : vector<16xi1>, vector<16xf32>
          %broadcast_in_dim3A_228 = arith.constant 3 : i32
          %broadcast_in_dim3A_229 = vector.broadcast %broadcast_in_dim3A_228 : i32 to vector<16xi32>
          %eq3A_230 = arith.cmpi eq, %iota3A, %broadcast_in_dim3A_229 : vector<16xi32>
          %broadcast_in_dim3A_231 = vector.broadcast %reduce_max3A_177 : f32 to vector<16xf32>
          %select_n3A_232 = arith.select %eq3A_230, %broadcast_in_dim3A_231, %select_n3A_227 : vector<16xi1>, vector<16xf32>
          %broadcast_in_dim3A_233 = arith.constant 4 : i32
          %broadcast_in_dim3A_234 = vector.broadcast %broadcast_in_dim3A_233 : i32 to vector<16xi32>
          %eq3A_235 = arith.cmpi eq, %iota3A, %broadcast_in_dim3A_234 : vector<16xi32>
          %broadcast_in_dim3A_236 = vector.broadcast %reduce_max3A_123 : f32 to vector<16xf32>
          %select_n3A_237 = arith.select %eq3A_235, %broadcast_in_dim3A_236, %select_n3A_232 : vector<16xi1>, vector<16xf32>
          %broadcast_in_dim3A_238 = vector.broadcast %gt3A_178 : i1 to vector<16xi1>
          %broadcast_in_dim3A_239 = arith.constant 0.000000e+00 : f32
          %broadcast_in_dim3A_240 = vector.broadcast %broadcast_in_dim3A_239 : f32 to vector<16xf32>
          %select_n3A_241 = arith.select %broadcast_in_dim3A_238, %select_n3A_237, %broadcast_in_dim3A_240 : vector<16xi1>, vector<16xf32>
          %broadcast_in_dim3A_242 = vector.broadcast %scan3A_74 : i32 to vector<16xi32>
          tpu.vector_store_idx %arg21[%broadcast_in_dim3A_242, %iota3A], %select_n3A_241 : memref<100x16xf32, #tpu.memory_space<vmem>>[vector<16xi32>, vector<16xi32>], vector<16xf32>,
        } else {
        }
        %sub3A_184 = arith.subf %reduce_max3A_167, %reduce_max3A_147 : f32
        %sub3A_185 = arith.subf %reduce_max3A_177, %reduce_max3A_157 : f32
        %mul3A_186 = arith.mulf %sub3A_184, %sub3A_185 : f32
        %broadcast_in_dim3A_187 = arith.constant -2.000000e+00 : f32
        %broadcast_in_dim3A_188 = vector.broadcast %broadcast_in_dim3A_187 : f32 to vector<16xf32>
        %broadcast_in_dim3A_189 = arith.constant 1073741824 : i32
        %broadcast_in_dim3A_190 = vector.broadcast %broadcast_in_dim3A_189 : i32 to vector<16xi32>
        %parallel_loop3A_191 = arith.constant 0 : i32
        %parallel_loop3A_192 = arith.constant 1 : i32
        %parallel_loop3A_193:2 = scf.for %parallel_loop3A_211 = %parallel_loop3A_191 to %select_n3A step %parallel_loop3A_192 iter_args(%parallel_loop3A_212 = %broadcast_in_dim3A_188, %parallel_loop3A_213 = %broadcast_in_dim3A_190) -> (vector<16xf32>, vector<16xi32>)  : i32 {
          %parallel_loop3A_214 = arith.constant 64 : i32
          %parallel_loop3A_215 = arith.muli %parallel_loop3A_211, %parallel_loop3A_214 : i32
          %parallel_loop3A_216 = arith.constant 0 : i32
          %parallel_loop3A_217 = arith.addi %parallel_loop3A_215, %parallel_loop3A_216 : i32
          %parallel_loop3A_218 = arith.index_cast %parallel_loop3A_217 : i32 to index
          %parallel_loop3A_219 = tpu.vector_load %arg13[%parallel_loop3A_218] {strides = array<i32>} : memref<1296xf32, #tpu.memory_space<vmem>>, vector<16xf32>,
          %parallel_loop3A_220 = arith.index_cast %parallel_loop3A_217 : i32 to index
          %parallel_loop3A_221 = tpu.vector_load %arg14[%parallel_loop3A_220] {strides = array<i32>} : memref<1296xf32, #tpu.memory_space<vmem>>, vector<16xf32>,
          %parallel_loop3A_222 = arith.index_cast %parallel_loop3A_217 : i32 to index
          %parallel_loop3A_223 = tpu.vector_load %arg15[%parallel_loop3A_222] {strides = array<i32>} : memref<1296xf32, #tpu.memory_space<vmem>>, vector<16xf32>,
          %parallel_loop3A_224 = arith.index_cast %parallel_loop3A_217 : i32 to index
          %parallel_loop3A_225 = tpu.vector_load %arg16[%parallel_loop3A_224] {strides = array<i32>} : memref<1296xf32, #tpu.memory_space<vmem>>, vector<16xf32>,
          %parallel_loop3A_226 = arith.index_cast %parallel_loop3A_217 : i32 to index
          %parallel_loop3A_227 = tpu.vector_load %arg17[%parallel_loop3A_226] {strides = array<i32>} : memref<1296xf32, #tpu.memory_space<vmem>>, vector<16xf32>,
          %parallel_loop3A_228 = vector.broadcast %reduce_max3A_147 : f32 to vector<16xf32>
          %parallel_loop3A_229 = arith.maximumf %parallel_loop3A_228, %parallel_loop3A_219 : vector<16xf32>
          %parallel_loop3A_230 = vector.broadcast %reduce_max3A_157 : f32 to vector<16xf32>
          %parallel_loop3A_231 = arith.maximumf %parallel_loop3A_230, %parallel_loop3A_221 : vector<16xf32>
          %parallel_loop3A_232 = vector.broadcast %reduce_max3A_167 : f32 to vector<16xf32>
          %parallel_loop3A_233 = arith.minimumf %parallel_loop3A_232, %parallel_loop3A_223 : vector<16xf32>
          %parallel_loop3A_234 = vector.broadcast %reduce_max3A_177 : f32 to vector<16xf32>
          %parallel_loop3A_235 = arith.minimumf %parallel_loop3A_234, %parallel_loop3A_225 : vector<16xf32>
          %parallel_loop3A_236 = arith.subf %parallel_loop3A_233, %parallel_loop3A_229 : vector<16xf32>
          %parallel_loop3A_237 = arith.constant 0.000000e+00 : f32
          %parallel_loop3A_238 = vector.broadcast %parallel_loop3A_237 : f32 to vector<16xf32>
          %parallel_loop3A_239 = arith.maximumf %parallel_loop3A_236, %parallel_loop3A_238 : vector<16xf32>
          %parallel_loop3A_240 = arith.subf %parallel_loop3A_235, %parallel_loop3A_231 : vector<16xf32>
          %parallel_loop3A_241 = arith.constant 0.000000e+00 : f32
          %parallel_loop3A_242 = vector.broadcast %parallel_loop3A_241 : f32 to vector<16xf32>
          %parallel_loop3A_243 = arith.maximumf %parallel_loop3A_240, %parallel_loop3A_242 : vector<16xf32>
          %parallel_loop3A_244 = arith.mulf %parallel_loop3A_239, %parallel_loop3A_243 : vector<16xf32>
          %parallel_loop3A_245 = arith.subf %parallel_loop3A_223, %parallel_loop3A_219 : vector<16xf32>
          %parallel_loop3A_246 = arith.subf %parallel_loop3A_225, %parallel_loop3A_221 : vector<16xf32>
          %parallel_loop3A_247 = arith.mulf %parallel_loop3A_245, %parallel_loop3A_246 : vector<16xf32>
          %parallel_loop3A_248 = vector.broadcast %mul3A_186 : f32 to vector<16xf32>
          %parallel_loop3A_249 = arith.addf %parallel_loop3A_248, %parallel_loop3A_247 : vector<16xf32>
          %parallel_loop3A_250 = arith.subf %parallel_loop3A_249, %parallel_loop3A_244 : vector<16xf32>
          %parallel_loop3A_251 = arith.constant 9.99999971E-10 : f32
          %parallel_loop3A_252 = vector.broadcast %parallel_loop3A_251 : f32 to vector<16xf32>
          %parallel_loop3A_253 = arith.addf %parallel_loop3A_250, %parallel_loop3A_252 : vector<16xf32>
          %parallel_loop3A_254 = arith.divf %parallel_loop3A_244, %parallel_loop3A_253 : vector<16xf32>
          %parallel_loop3A_255 = arith.constant 5.000000e-01 : f32
          %parallel_loop3A_256 = vector.broadcast %parallel_loop3A_255 : f32 to vector<16xf32>
          %parallel_loop3A_257 = arith.cmpf ogt, %parallel_loop3A_254, %parallel_loop3A_256 : vector<16xf32>
          %parallel_loop3A_258 = arith.constant -1.000000e+00 : f32
          %parallel_loop3A_259 = vector.broadcast %parallel_loop3A_258 : f32 to vector<16xf32>
          %parallel_loop3A_260 = arith.select %parallel_loop3A_257, %parallel_loop3A_259, %parallel_loop3A_227 : vector<16xi1>, vector<16xf32>
          %parallel_loop3A_261 = arith.index_cast %parallel_loop3A_217 : i32 to index
          %parallel_loop3A_262 = tpu.vector_load %arg17[%parallel_loop3A_261] {strides = array<i32>} : memref<1296xf32, #tpu.memory_space<vmem>>, vector<16xf32>,
          tpu.vector_store %arg17[%parallel_loop3A_261], %parallel_loop3A_260 {strides = array<i32>} : memref<1296xf32, #tpu.memory_space<vmem>>, vector<16xf32>,
          %parallel_loop3A_263 = arith.cmpf ogt, %parallel_loop3A_260, %parallel_loop3A_212 : vector<16xf32>
          %parallel_loop3A_264 = arith.select %parallel_loop3A_263, %parallel_loop3A_260, %parallel_loop3A_212 : vector<16xi1>, vector<16xf32>
          %parallel_loop3A_265 = vector.broadcast %parallel_loop3A_217 : i32 to vector<16xi32>
          %parallel_loop3A_266 = arith.addi %parallel_loop3A_265, %iota3A : vector<16xi32>
          %parallel_loop3A_267 = arith.select %parallel_loop3A_263, %parallel_loop3A_266, %parallel_loop3A_213 : vector<16xi1>, vector<16xi32>
          %parallel_loop3A_268 = arith.constant 64 : i32
          %parallel_loop3A_269 = arith.muli %parallel_loop3A_211, %parallel_loop3A_268 : i32
          %parallel_loop3A_270 = arith.constant 16 : i32
          %parallel_loop3A_271 = arith.addi %parallel_loop3A_269, %parallel_loop3A_270 : i32
          %parallel_loop3A_272 = arith.index_cast %parallel_loop3A_271 : i32 to index
          %parallel_loop3A_273 = tpu.vector_load %arg13[%parallel_loop3A_272] {strides = array<i32>} : memref<1296xf32, #tpu.memory_space<vmem>>, vector<16xf32>,
          %parallel_loop3A_274 = arith.index_cast %parallel_loop3A_271 : i32 to index
          %parallel_loop3A_275 = tpu.vector_load %arg14[%parallel_loop3A_274] {strides = array<i32>} : memref<1296xf32, #tpu.memory_space<vmem>>, vector<16xf32>,
          %parallel_loop3A_276 = arith.index_cast %parallel_loop3A_271 : i32 to index
          %parallel_loop3A_277 = tpu.vector_load %arg15[%parallel_loop3A_276] {strides = array<i32>} : memref<1296xf32, #tpu.memory_space<vmem>>, vector<16xf32>,
          %parallel_loop3A_278 = arith.index_cast %parallel_loop3A_271 : i32 to index
          %parallel_loop3A_279 = tpu.vector_load %arg16[%parallel_loop3A_278] {strides = array<i32>} : memref<1296xf32, #tpu.memory_space<vmem>>, vector<16xf32>,
          %parallel_loop3A_280 = arith.index_cast %parallel_loop3A_271 : i32 to index
          %parallel_loop3A_281 = tpu.vector_load %arg17[%parallel_loop3A_280] {strides = array<i32>} : memref<1296xf32, #tpu.memory_space<vmem>>, vector<16xf32>,
          %parallel_loop3A_282 = vector.broadcast %reduce_max3A_147 : f32 to vector<16xf32>
          %parallel_loop3A_283 = arith.maximumf %parallel_loop3A_282, %parallel_loop3A_273 : vector<16xf32>
          %parallel_loop3A_284 = vector.broadcast %reduce_max3A_157 : f32 to vector<16xf32>
          %parallel_loop3A_285 = arith.maximumf %parallel_loop3A_284, %parallel_loop3A_275 : vector<16xf32>
          %parallel_loop3A_286 = vector.broadcast %reduce_max3A_167 : f32 to vector<16xf32>
          %parallel_loop3A_287 = arith.minimumf %parallel_loop3A_286, %parallel_loop3A_277 : vector<16xf32>
          %parallel_loop3A_288 = vector.broadcast %reduce_max3A_177 : f32 to vector<16xf32>
          %parallel_loop3A_289 = arith.minimumf %parallel_loop3A_288, %parallel_loop3A_279 : vector<16xf32>
          %parallel_loop3A_290 = arith.subf %parallel_loop3A_287, %parallel_loop3A_283 : vector<16xf32>
          %parallel_loop3A_291 = arith.constant 0.000000e+00 : f32
          %parallel_loop3A_292 = vector.broadcast %parallel_loop3A_291 : f32 to vector<16xf32>
          %parallel_loop3A_293 = arith.maximumf %parallel_loop3A_290, %parallel_loop3A_292 : vector<16xf32>
          %parallel_loop3A_294 = arith.subf %parallel_loop3A_289, %parallel_loop3A_285 : vector<16xf32>
          %parallel_loop3A_295 = arith.constant 0.000000e+00 : f32
          %parallel_loop3A_296 = vector.broadcast %parallel_loop3A_295 : f32 to vector<16xf32>
          %parallel_loop3A_297 = arith.maximumf %parallel_loop3A_294, %parallel_loop3A_296 : vector<16xf32>
          %parallel_loop3A_298 = arith.mulf %parallel_loop3A_293, %parallel_loop3A_297 : vector<16xf32>
          %parallel_loop3A_299 = arith.subf %parallel_loop3A_277, %parallel_loop3A_273 : vector<16xf32>
          %parallel_loop3A_300 = arith.subf %parallel_loop3A_279, %parallel_loop3A_275 : vector<16xf32>
          %parallel_loop3A_301 = arith.mulf %parallel_loop3A_299, %parallel_loop3A_300 : vector<16xf32>
          %parallel_loop3A_302 = vector.broadcast %mul3A_186 : f32 to vector<16xf32>
          %parallel_loop3A_303 = arith.addf %parallel_loop3A_302, %parallel_loop3A_301 : vector<16xf32>
          %parallel_loop3A_304 = arith.subf %parallel_loop3A_303, %parallel_loop3A_298 : vector<16xf32>
          %parallel_loop3A_305 = arith.constant 9.99999971E-10 : f32
          %parallel_loop3A_306 = vector.broadcast %parallel_loop3A_305 : f32 to vector<16xf32>
          %parallel_loop3A_307 = arith.addf %parallel_loop3A_304, %parallel_loop3A_306 : vector<16xf32>
          %parallel_loop3A_308 = arith.divf %parallel_loop3A_298, %parallel_loop3A_307 : vector<16xf32>
          %parallel_loop3A_309 = arith.constant 5.000000e-01 : f32
          %parallel_loop3A_310 = vector.broadcast %parallel_loop3A_309 : f32 to vector<16xf32>
          %parallel_loop3A_311 = arith.cmpf ogt, %parallel_loop3A_308, %parallel_loop3A_310 : vector<16xf32>
          %parallel_loop3A_312 = arith.constant -1.000000e+00 : f32
          %parallel_loop3A_313 = vector.broadcast %parallel_loop3A_312 : f32 to vector<16xf32>
          %parallel_loop3A_314 = arith.select %parallel_loop3A_311, %parallel_loop3A_313, %parallel_loop3A_281 : vector<16xi1>, vector<16xf32>
          %parallel_loop3A_315 = arith.index_cast %parallel_loop3A_271 : i32 to index
          %parallel_loop3A_316 = tpu.vector_load %arg17[%parallel_loop3A_315] {strides = array<i32>} : memref<1296xf32, #tpu.memory_space<vmem>>, vector<16xf32>,
          tpu.vector_store %arg17[%parallel_loop3A_315], %parallel_loop3A_314 {strides = array<i32>} : memref<1296xf32, #tpu.memory_space<vmem>>, vector<16xf32>,
          %parallel_loop3A_317 = arith.cmpf ogt, %parallel_loop3A_314, %parallel_loop3A_264 : vector<16xf32>
          %parallel_loop3A_318 = arith.select %parallel_loop3A_317, %parallel_loop3A_314, %parallel_loop3A_264 : vector<16xi1>, vector<16xf32>
          %parallel_loop3A_319 = vector.broadcast %parallel_loop3A_271 : i32 to vector<16xi32>
          %parallel_loop3A_320 = arith.addi %parallel_loop3A_319, %iota3A : vector<16xi32>
          %parallel_loop3A_321 = arith.select %parallel_loop3A_317, %parallel_loop3A_320, %parallel_loop3A_267 : vector<16xi1>, vector<16xi32>
          %parallel_loop3A_322 = arith.constant 64 : i32
          %parallel_loop3A_323 = arith.muli %parallel_loop3A_211, %parallel_loop3A_322 : i32
          %parallel_loop3A_324 = arith.constant 32 : i32
          %parallel_loop3A_325 = arith.addi %parallel_loop3A_323, %parallel_loop3A_324 : i32
          %parallel_loop3A_326 = arith.index_cast %parallel_loop3A_325 : i32 to index
          %parallel_loop3A_327 = tpu.vector_load %arg13[%parallel_loop3A_326] {strides = array<i32>} : memref<1296xf32, #tpu.memory_space<vmem>>, vector<16xf32>,
          %parallel_loop3A_328 = arith.index_cast %parallel_loop3A_325 : i32 to index
          %parallel_loop3A_329 = tpu.vector_load %arg14[%parallel_loop3A_328] {strides = array<i32>} : memref<1296xf32, #tpu.memory_space<vmem>>, vector<16xf32>,
          %parallel_loop3A_330 = arith.index_cast %parallel_loop3A_325 : i32 to index
          %parallel_loop3A_331 = tpu.vector_load %arg15[%parallel_loop3A_330] {strides = array<i32>} : memref<1296xf32, #tpu.memory_space<vmem>>, vector<16xf32>,
          %parallel_loop3A_332 = arith.index_cast %parallel_loop3A_325 : i32 to index
          %parallel_loop3A_333 = tpu.vector_load %arg16[%parallel_loop3A_332] {strides = array<i32>} : memref<1296xf32, #tpu.memory_space<vmem>>, vector<16xf32>,
          %parallel_loop3A_334 = arith.index_cast %parallel_loop3A_325 : i32 to index
          %parallel_loop3A_335 = tpu.vector_load %arg17[%parallel_loop3A_334] {strides = array<i32>} : memref<1296xf32, #tpu.memory_space<vmem>>, vector<16xf32>,
          %parallel_loop3A_336 = vector.broadcast %reduce_max3A_147 : f32 to vector<16xf32>
          %parallel_loop3A_337 = arith.maximumf %parallel_loop3A_336, %parallel_loop3A_327 : vector<16xf32>
          %parallel_loop3A_338 = vector.broadcast %reduce_max3A_157 : f32 to vector<16xf32>
          %parallel_loop3A_339 = arith.maximumf %parallel_loop3A_338, %parallel_loop3A_329 : vector<16xf32>
          %parallel_loop3A_340 = vector.broadcast %reduce_max3A_167 : f32 to vector<16xf32>
          %parallel_loop3A_341 = arith.minimumf %parallel_loop3A_340, %parallel_loop3A_331 : vector<16xf32>
          %parallel_loop3A_342 = vector.broadcast %reduce_max3A_177 : f32 to vector<16xf32>
          %parallel_loop3A_343 = arith.minimumf %parallel_loop3A_342, %parallel_loop3A_333 : vector<16xf32>
          %parallel_loop3A_344 = arith.subf %parallel_loop3A_341, %parallel_loop3A_337 : vector<16xf32>
          %parallel_loop3A_345 = arith.constant 0.000000e+00 : f32
          %parallel_loop3A_346 = vector.broadcast %parallel_loop3A_345 : f32 to vector<16xf32>
          %parallel_loop3A_347 = arith.maximumf %parallel_loop3A_344, %parallel_loop3A_346 : vector<16xf32>
          %parallel_loop3A_348 = arith.subf %parallel_loop3A_343, %parallel_loop3A_339 : vector<16xf32>
          %parallel_loop3A_349 = arith.constant 0.000000e+00 : f32
          %parallel_loop3A_350 = vector.broadcast %parallel_loop3A_349 : f32 to vector<16xf32>
          %parallel_loop3A_351 = arith.maximumf %parallel_loop3A_348, %parallel_loop3A_350 : vector<16xf32>
          %parallel_loop3A_352 = arith.mulf %parallel_loop3A_347, %parallel_loop3A_351 : vector<16xf32>
          %parallel_loop3A_353 = arith.subf %parallel_loop3A_331, %parallel_loop3A_327 : vector<16xf32>
          %parallel_loop3A_354 = arith.subf %parallel_loop3A_333, %parallel_loop3A_329 : vector<16xf32>
          %parallel_loop3A_355 = arith.mulf %parallel_loop3A_353, %parallel_loop3A_354 : vector<16xf32>
          %parallel_loop3A_356 = vector.broadcast %mul3A_186 : f32 to vector<16xf32>
          %parallel_loop3A_357 = arith.addf %parallel_loop3A_356, %parallel_loop3A_355 : vector<16xf32>
          %parallel_loop3A_358 = arith.subf %parallel_loop3A_357, %parallel_loop3A_352 : vector<16xf32>
          %parallel_loop3A_359 = arith.constant 9.99999971E-10 : f32
          %parallel_loop3A_360 = vector.broadcast %parallel_loop3A_359 : f32 to vector<16xf32>
          %parallel_loop3A_361 = arith.addf %parallel_loop3A_358, %parallel_loop3A_360 : vector<16xf32>
          %parallel_loop3A_362 = arith.divf %parallel_loop3A_352, %parallel_loop3A_361 : vector<16xf32>
          %parallel_loop3A_363 = arith.constant 5.000000e-01 : f32
          %parallel_loop3A_364 = vector.broadcast %parallel_loop3A_363 : f32 to vector<16xf32>
          %parallel_loop3A_365 = arith.cmpf ogt, %parallel_loop3A_362, %parallel_loop3A_364 : vector<16xf32>
          %parallel_loop3A_366 = arith.constant -1.000000e+00 : f32
          %parallel_loop3A_367 = vector.broadcast %parallel_loop3A_366 : f32 to vector<16xf32>
          %parallel_loop3A_368 = arith.select %parallel_loop3A_365, %parallel_loop3A_367, %parallel_loop3A_335 : vector<16xi1>, vector<16xf32>
          %parallel_loop3A_369 = arith.index_cast %parallel_loop3A_325 : i32 to index
          %parallel_loop3A_370 = tpu.vector_load %arg17[%parallel_loop3A_369] {strides = array<i32>} : memref<1296xf32, #tpu.memory_space<vmem>>, vector<16xf32>,
          tpu.vector_store %arg17[%parallel_loop3A_369], %parallel_loop3A_368 {strides = array<i32>} : memref<1296xf32, #tpu.memory_space<vmem>>, vector<16xf32>,
          %parallel_loop3A_371 = arith.cmpf ogt, %parallel_loop3A_368, %parallel_loop3A_318 : vector<16xf32>
          %parallel_loop3A_372 = arith.select %parallel_loop3A_371, %parallel_loop3A_368, %parallel_loop3A_318 : vector<16xi1>, vector<16xf32>
          %parallel_loop3A_373 = vector.broadcast %parallel_loop3A_325 : i32 to vector<16xi32>
          %parallel_loop3A_374 = arith.addi %parallel_loop3A_373, %iota3A : vector<16xi32>
          %parallel_loop3A_375 = arith.select %parallel_loop3A_371, %parallel_loop3A_374, %parallel_loop3A_321 : vector<16xi1>, vector<16xi32>
          %parallel_loop3A_376 = arith.constant 64 : i32
          %parallel_loop3A_377 = arith.muli %parallel_loop3A_211, %parallel_loop3A_376 : i32
          %parallel_loop3A_378 = arith.constant 48 : i32
          %parallel_loop3A_379 = arith.addi %parallel_loop3A_377, %parallel_loop3A_378 : i32
          %parallel_loop3A_380 = arith.index_cast %parallel_loop3A_379 : i32 to index
          %parallel_loop3A_381 = tpu.vector_load %arg13[%parallel_loop3A_380] {strides = array<i32>} : memref<1296xf32, #tpu.memory_space<vmem>>, vector<16xf32>,
          %parallel_loop3A_382 = arith.index_cast %parallel_loop3A_379 : i32 to index
          %parallel_loop3A_383 = tpu.vector_load %arg14[%parallel_loop3A_382] {strides = array<i32>} : memref<1296xf32, #tpu.memory_space<vmem>>, vector<16xf32>,
          %parallel_loop3A_384 = arith.index_cast %parallel_loop3A_379 : i32 to index
          %parallel_loop3A_385 = tpu.vector_load %arg15[%parallel_loop3A_384] {strides = array<i32>} : memref<1296xf32, #tpu.memory_space<vmem>>, vector<16xf32>,
          %parallel_loop3A_386 = arith.index_cast %parallel_loop3A_379 : i32 to index
          %parallel_loop3A_387 = tpu.vector_load %arg16[%parallel_loop3A_386] {strides = array<i32>} : memref<1296xf32, #tpu.memory_space<vmem>>, vector<16xf32>,
          %parallel_loop3A_388 = arith.index_cast %parallel_loop3A_379 : i32 to index
          %parallel_loop3A_389 = tpu.vector_load %arg17[%parallel_loop3A_388] {strides = array<i32>} : memref<1296xf32, #tpu.memory_space<vmem>>, vector<16xf32>,
          %parallel_loop3A_390 = vector.broadcast %reduce_max3A_147 : f32 to vector<16xf32>
          %parallel_loop3A_391 = arith.maximumf %parallel_loop3A_390, %parallel_loop3A_381 : vector<16xf32>
          %parallel_loop3A_392 = vector.broadcast %reduce_max3A_157 : f32 to vector<16xf32>
          %parallel_loop3A_393 = arith.maximumf %parallel_loop3A_392, %parallel_loop3A_383 : vector<16xf32>
          %parallel_loop3A_394 = vector.broadcast %reduce_max3A_167 : f32 to vector<16xf32>
          %parallel_loop3A_395 = arith.minimumf %parallel_loop3A_394, %parallel_loop3A_385 : vector<16xf32>
          %parallel_loop3A_396 = vector.broadcast %reduce_max3A_177 : f32 to vector<16xf32>
          %parallel_loop3A_397 = arith.minimumf %parallel_loop3A_396, %parallel_loop3A_387 : vector<16xf32>
          %parallel_loop3A_398 = arith.subf %parallel_loop3A_395, %parallel_loop3A_391 : vector<16xf32>
          %parallel_loop3A_399 = arith.constant 0.000000e+00 : f32
          %parallel_loop3A_400 = vector.broadcast %parallel_loop3A_399 : f32 to vector<16xf32>
          %parallel_loop3A_401 = arith.maximumf %parallel_loop3A_398, %parallel_loop3A_400 : vector<16xf32>
          %parallel_loop3A_402 = arith.subf %parallel_loop3A_397, %parallel_loop3A_393 : vector<16xf32>
          %parallel_loop3A_403 = arith.constant 0.000000e+00 : f32
          %parallel_loop3A_404 = vector.broadcast %parallel_loop3A_403 : f32 to vector<16xf32>
          %parallel_loop3A_405 = arith.maximumf %parallel_loop3A_402, %parallel_loop3A_404 : vector<16xf32>
          %parallel_loop3A_406 = arith.mulf %parallel_loop3A_401, %parallel_loop3A_405 : vector<16xf32>
          %parallel_loop3A_407 = arith.subf %parallel_loop3A_385, %parallel_loop3A_381 : vector<16xf32>
          %parallel_loop3A_408 = arith.subf %parallel_loop3A_387, %parallel_loop3A_383 : vector<16xf32>
          %parallel_loop3A_409 = arith.mulf %parallel_loop3A_407, %parallel_loop3A_408 : vector<16xf32>
          %parallel_loop3A_410 = vector.broadcast %mul3A_186 : f32 to vector<16xf32>
          %parallel_loop3A_411 = arith.addf %parallel_loop3A_410, %parallel_loop3A_409 : vector<16xf32>
          %parallel_loop3A_412 = arith.subf %parallel_loop3A_411, %parallel_loop3A_406 : vector<16xf32>
          %parallel_loop3A_413 = arith.constant 9.99999971E-10 : f32
          %parallel_loop3A_414 = vector.broadcast %parallel_loop3A_413 : f32 to vector<16xf32>
          %parallel_loop3A_415 = arith.addf %parallel_loop3A_412, %parallel_loop3A_414 : vector<16xf32>
          %parallel_loop3A_416 = arith.divf %parallel_loop3A_406, %parallel_loop3A_415 : vector<16xf32>
          %parallel_loop3A_417 = arith.constant 5.000000e-01 : f32
          %parallel_loop3A_418 = vector.broadcast %parallel_loop3A_417 : f32 to vector<16xf32>
          %parallel_loop3A_419 = arith.cmpf ogt, %parallel_loop3A_416, %parallel_loop3A_418 : vector<16xf32>
          %parallel_loop3A_420 = arith.constant -1.000000e+00 : f32
          %parallel_loop3A_421 = vector.broadcast %parallel_loop3A_420 : f32 to vector<16xf32>
          %parallel_loop3A_422 = arith.select %parallel_loop3A_419, %parallel_loop3A_421, %parallel_loop3A_389 : vector<16xi1>, vector<16xf32>
          %parallel_loop3A_423 = arith.index_cast %parallel_loop3A_379 : i32 to index
          %parallel_loop3A_424 = tpu.vector_load %arg17[%parallel_loop3A_423] {strides = array<i32>} : memref<1296xf32, #tpu.memory_space<vmem>>, vector<16xf32>,
          tpu.vector_store %arg17[%parallel_loop3A_423], %parallel_loop3A_422 {strides = array<i32>} : memref<1296xf32, #tpu.memory_space<vmem>>, vector<16xf32>,
          %parallel_loop3A_425 = arith.cmpf ogt, %parallel_loop3A_422, %parallel_loop3A_372 : vector<16xf32>
          %parallel_loop3A_426 = arith.select %parallel_loop3A_425, %parallel_loop3A_422, %parallel_loop3A_372 : vector<16xi1>, vector<16xf32>
          %parallel_loop3A_427 = vector.broadcast %parallel_loop3A_379 : i32 to vector<16xi32>
          %parallel_loop3A_428 = arith.addi %parallel_loop3A_427, %iota3A : vector<16xi32>
          %parallel_loop3A_429 = arith.select %parallel_loop3A_425, %parallel_loop3A_428, %parallel_loop3A_375 : vector<16xi1>, vector<16xi32>
          scf.yield %parallel_loop3A_426, %parallel_loop3A_429 : vector<16xf32>, vector<16xi32>
        } {sc.loop_unroll_factor = 2 : i64, sc.parallel_access}
        %reduce_max3A_194 = arith.constant true
        %reduce_max3A_195 = vector.broadcast %reduce_max3A_194 : i1 to vector<16xi1>
        %reduce_max3A_196 = tpu.scan <max>, %parallel_loop3A_193#0 masked %reduce_max3A_195 : vector<16xf32>, vector<16xi1> -> vector<16xf32>
        %reduce_max3A_197 = vector.extract %reduce_max3A_196[15] : f32 from vector<16xf32>
        %broadcast_in_dim3A_198 = vector.broadcast %reduce_max3A_197 : f32 to vector<16xf32>
        %eq3A_199 = arith.cmpf oeq, %parallel_loop3A_193#0, %broadcast_in_dim3A_198 : vector<16xf32>
        %broadcast_in_dim3A_200 = arith.constant 1073741824 : i32
        %broadcast_in_dim3A_201 = vector.broadcast %broadcast_in_dim3A_200 : i32 to vector<16xi32>
        %select_n3A_202 = arith.select %eq3A_199, %parallel_loop3A_193#1, %broadcast_in_dim3A_201 : vector<16xi1>, vector<16xi32>
        %reduce_min3A_203 = arith.constant true
        %reduce_min3A_204 = vector.broadcast %reduce_min3A_203 : i1 to vector<16xi1>
        %reduce_min3A_205 = arith.constant -2147483648 : i32
        %reduce_min3A_206 = vector.broadcast %reduce_min3A_205 : i32 to vector<16xi32>
        %reduce_min3A_207 = arith.xori %select_n3A_202, %reduce_min3A_206 : vector<16xi32>
        %reduce_min3A_208 = tpu.scan <min>, %reduce_min3A_207 masked %reduce_min3A_204 : vector<16xi32>, vector<16xi1> -> vector<16xi32>
        %reduce_min3A_209 = arith.xori %reduce_min3A_208, %reduce_min3A_206 : vector<16xi32>
        %reduce_min3A_210 = vector.extract %reduce_min3A_209[15] : i32 from vector<16xi32>
        scf.yield %reduce_max3A_197, %reduce_min3A_210 : f32, i32
      }
      %scan3A_68 = arith.constant 100 : i32
      %eq3A_69 = arith.constant 0 : i32
      %eq3A_70 = arith.cmpi eq, %arg1, %eq3A_69 : i32
      %convert_element_type3A_71 = arith.extui %eq3A_70 : i1 to i32
      %cond3A_72 = arith.constant 0 : i32
      %cond3A_73 = arith.cmpi ne, %convert_element_type3A_71, %cond3A_72 : i32
      scf.if %cond3A_73 {
        "tpu.region"() ({
          %run_scoped3A = tpu.sem_alloc : memref<!tpu.dma_semaphore, #tpu.memory_space<semaphore_mem>>
          tpu.enqueue_dma source(%arg21 : memref<100x16xf32, #tpu.memory_space<vmem>>) target(%arg7 : memref<100x16xf32, #tpu.memory_space<hbm>>) target_semaphore(%run_scoped3A : memref<!tpu.dma_semaphore, #tpu.memory_space<semaphore_mem>>)
          tpu.wait_dma2 semaphore(%run_scoped3A : memref<!tpu.dma_semaphore, #tpu.memory_space<semaphore_mem>>) src(%arg21 : memref<100x16xf32, #tpu.memory_space<vmem>>) dst(%arg7 : memref<100x16xf32, #tpu.memory_space<hbm>>)
          tpu.yield
        }) : () -> ()
      } else {
      }
    } else {
    }
    return
  }
}

</mosaic_0001>

<sc_bundles>
// kernel: kernel.3.cloned.1.call-start
scs
__scs_entry_jumppad:
0x0: {  	(pc) =	sbr.rel $0x88, $3  }
0x1: {  	(tag) =	ssettag $0x0;
	lr =	simm.s32 $0x1  }
0x2: {  	[smem:$0x3F9F] =	sst lr;
	_ =	strace $0xD0000000  }
0x3: {  	_ = 	snop  }
0x4: {  	_ = 	snop  }
0x5: {  	_ = 	snop  }
0x6: {  	_ = 	snop  }
0x7: {  	_ = 	snop  }
__scs_overlays_trampoline_lowered:
0x8: {  	[smem:$0x3FAE] =	sst s0  }
0x9: {  	[smem:$0x3FAF] =	sst s1  }
0xa: {  	[smem:$0x3FB0] =	sst s2  }
0xb: {  	[smem:$0x3FB1] =	sst s3  }
0xc: {  	[smem:$0x3FB2] =	sst s4  }
0xd: {  	[smem:$0x3FB3] =	sst s5  }
0xe: {  	[smem:$0x3FB4] =	sst s6  }
0xf: {  	[smem:$0x3FB5] =	sst s7  }
0x10: {  	[smem:$0x3FB6] =	sst s8  }
0x11: {  	[smem:$0x3FB7] =	sst s9;
	s0 =	simm.s32 @!p0 $0x0  }
0x12: {  	s1 =	sld [smem:$0x3F9D];
	s0 =	simm.s32 @p0 $0x1  }
0x13: {  	[smem:$0x3FB8] =	sst s0;
	s0 =	simm.s32 @!p1 $0x0  }
0x14: {  	s2 =	sld [smem:$0x3F9C];
	s0 =	simm.s32 @p1 $0x1  }
0x15: {  	[smem:$0x3FB9] =	sst s0;
	s0 =	simm.s32 @!p2 $0x0  }
0x16: {  	s3 =	sld [smem:$0x3FDB];
	s0 =	simm.s32 @p2 $0x1  }
0x17: {  	s4 =	simm.s32 $0x1BF5;
	[smem:$0x3FBB] =	sst s0  }
0x18: {  	s0 =	sld [smem:$0x3F9E];
	_ =	swait.ge [sflag:s4], $0x0  }
0x19: {  	s7 =	sld [smem:$0x3F9F]  }
0x1a: {  	s8 =	sadd.s32 $0xFFFFE003, lr  }
0x1b: {  	s9 =	sadd.s32 $0xFFFFFEF7, lr;
	s5 =	simm.s32 $0xFFFFFFFF;
	p2 =	slt.u32 s8, $0xFFFFF086  }
0x1c: {  	p1 =	slt.u32 s9, $0xF7A;
	s5 =	simm.s32 @!p2 $0x0  }
0x1d: {  	s5 =	simm.s32 @p1 $0x1;
	p0 =	seq.s32 s7, s2  }
0x1e: {  	s7 =	smul.u32 @!p0 $0xF7A, s2;
	p2 =	seq.s32 @!p0 s5, $0x0  }
0x1f: {  	s9 =	smul.u32 $0xF7A, s1;
	s8 =	simm.s32 @!p0 $0x1BF5;
	p2 =	por !p2, p0  }
0x20: {  	[sflag:s8] =	ssyncset.s32 @!p0 $0xFFFFF086;
	s6 =	sadd.s32 @!p0 s3, s7;
	s7 =	simm.s32 @!p0 $0x108  }
0x21: {  	s3 =	sadd.s32 s3, s9;
	s6 =	sadd.s32 @!p0 $0x88, s6;
	s7 =	simm.s32 @p2 $0x1082  }
0x22: {  	[simem:s7], [sflag:s8] =	dma.local @!p0 [hbm:s6], $0xF7A  }
0x23: {  	s9 =	sor.u32 $0xD0000000, s2;
	s6 =	simm.s32 $0x108;
	_ =	swait.ge @!p0 [sflag:s8], $0x0  }
0x24: {  	s3 =	sadd.s32 $0x88, s3;
	s6 =	simm.s32 @!p1 $0x1082;
	[sflag:s4] =	ssyncset.s32 $0xFFFFF086  }
0x25: {  	[simem:s6], [sflag:s4] =	dma.local [hbm:s3], $0xF7A  }
0x26: {  	[smem:$0x3F9F] =	sst s1;
	(tag) =	ssettag s2;
	_ =	strace s9  }
0x27: {  	s1 =	sld [smem:$0x3FAF]  }
0x28: {  	s2 =	sld [smem:$0x3FB0]  }
0x29: {  	s4 =	sld [smem:$0x3FB2]  }
0x2a: {  	p0 =	seq.s32 s5, $0x0;
	s5 =	sld [smem:$0x3FB3]  }
0x2b: {  	s6 =	sld [smem:$0x3FB4]  }
0x2c: {  	s7 =	sld [smem:$0x3FB5]  }
0x2d: {  	s3 =	simm.s32 $0x108;
	s8 =	sld [smem:$0x3FB6]  }
0x2e: {  	s3 =	simm.s32 @!p0 $0x1082;
	s9 =	sld [smem:$0x3FB7]  }
0x2f: {  	lr =	sadd.s32 s0, s3;
	s0 =	sld [smem:$0x3FAE]  }
0x30: {  	s3 =	sld [smem:$0x3FB1]  }
0x31: {  	[smem:$0x3FBA] =	sst s10  }
0x32: {  	s10 =	sld [smem:$0x3FB8];
	_ =	sdelay $0x3  }
0x33: {  	p0 =	seq.s32 s10, $0x1;
	s10 =	sld [smem:$0x3FBA];
	_ =	sdelay $0x3  }
0x34: {  	[smem:$0x3FBA] =	sst s10  }
0x35: {  	s10 =	sld [smem:$0x3FB9];
	_ =	sdelay $0x3  }
0x36: {  	p1 =	seq.s32 s10, $0x1;
	s10 =	sld [smem:$0x3FBA];
	_ =	sdelay $0x3  }
0x37: {  	[smem:$0x3FBA] =	sst s10  }
0x38: {  	s10 =	sld [smem:$0x3FBB]  }
0x39: {  	_ = 	snop;
	(pc) =	sbr.ind lr, $3  }
0x3a: {  	_ = 	snop  }
0x3b: {  	_ = 	snop  }
0x3c: {  	p2 =	seq.s32 s10, $0x1;
	s10 =	sld [smem:$0x3FBA]  }
0x3d: {  	_ =	shalt  }
0x3e: {  	_ =	shalt  }
0x3f: {  	_ =	shalt  }
0x40: {  	_ =	shalt  }
0x41: {  	_ =	shalt  }
0x42: {  	_ =	shalt  }
0x43: {  	_ =	shalt  }
0x44: {  	_ =	shalt  }
0x45: {  	_ =	shalt  }
0x46: {  	_ =	shalt  }
0x47: {  	_ =	shalt  }
0x48: {  	_ =	shalt  }
0x49: {  	_ =	shalt  }
0x4a: {  	_ =	shalt  }
0x4b: {  	_ =	shalt  }
0x4c: {  	_ =	shalt  }
0x4d: {  	_ =	shalt  }
0x4e: {  	_ =	shalt  }
0x4f: {  	_ =	shalt  }
0x50: {  	_ =	shalt  }
0x51: {  	_ =	shalt  }
0x52: {  	_ =	shalt  }
0x53: {  	_ =	shalt  }
0x54: {  	_ =	shalt  }
0x55: {  	_ =	shalt  }
0x56: {  	_ =	shalt  }
0x57: {  	_ =	shalt  }
0x58: {  	_ =	shalt  }
0x59: {  	_ =	shalt  }
0x5a: {  	_ =	shalt  }
0x5b: {  	_ =	shalt  }
0x5c: {  	_ =	shalt  }
0x5d: {  	_ =	shalt  }
0x5e: {  	_ =	shalt  }
0x5f: {  	_ =	shalt  }
0x60: {  	_ =	shalt  }
0x61: {  	_ =	shalt  }
0x62: {  	_ =	shalt  }
0x63: {  	_ =	shalt  }
0x64: {  	_ =	shalt  }
0x65: {  	_ =	shalt  }
0x66: {  	_ =	shalt  }
0x67: {  	_ =	shalt  }
0x68: {  	_ =	shalt  }
0x69: {  	_ =	shalt  }
0x6a: {  	_ =	shalt  }
0x6b: {  	_ =	shalt  }
0x6c: {  	_ =	shalt  }
0x6d: {  	_ =	shalt  }
0x6e: {  	_ =	shalt  }
0x6f: {  	_ =	shalt  }
0x70: {  	_ =	shalt  }
0x71: {  	_ =	shalt  }
0x72: {  	_ =	shalt  }
0x73: {  	_ =	shalt  }
0x74: {  	_ =	shalt  }
0x75: {  	_ =	shalt  }
0x76: {  	_ =	shalt  }
0x77: {  	_ =	shalt  }
0x78: {  	_ =	shalt  }
0x79: {  	_ =	shalt  }
0x7a: {  	_ =	shalt  }
0x7b: {  	_ =	shalt  }
0x7c: {  	_ =	shalt  }
0x7d: {  	_ =	shalt  }
0x7e: {  	_ =	shalt  }
0x7f: {  	_ =	shalt  }
0x80: {  	_ =	shalt  }
0x81: {  	_ =	shalt  }
0x82: {  	_ =	shalt  }
0x83: {  	_ =	shalt  }
0x84: {  	_ =	shalt  }
0x85: {  	_ =	shalt  }
0x86: {  	_ =	shalt  }
0x87: {  	_ =	shalt  }
.Lfunc_end0:
.L_simem_size_0:
called_computation_lowered:
.L_overlay_start_0:
0x88: {  	s2 =	sld [smem:$0x3FD9]  }
0x89: {  	s3 =	sld [smem:$0x3FFE];
	_ =	sdelay $0x1  }
0x8a: {  	s1 =	srdreg.scid  }
0x8b: {  	s0 =	sand.u32 $0x1, s1  }
0x8c: {  	s17 =	sshll.u32 s0, $0xA;
	s2 =	sadd.s32 s3, s2  }
0x8d: {  	s3 =	sadd.s32 s2, s17  }
0x8e: {  	[smem:$0x3FC6] =	sst s3  }
0x8f: {  	_ = 	snop  }
0x90: {  	(tm) =	ssettm $0x1  }
0x91: {  	s18 =	sld [smem:$0x3FFB];
	_ =	sdelay $0x3  }
0x92: {  	_ =	strace s18  }
0x93: {  	s3 =	sld [smem:$0x3FFC];
	_ =	sdelay $0x3  }
0x94: {  	_ =	strace s3  }
0x95: {  	s3 =	sld [smem:$0x3FFD];
	_ =	sdelay $0x3  }
0x96: {  	_ =	strace s3  }
0x97: {  	_ =	strace $0x8FFFFFFF  }
0x98: {  	s19 =	sld [smem:$0x3FDB];
	_ =	sdelay $0x1  }
0x99: {  	s4 =	simm.s32 $_scs_section_size  }
0x9a: {  	s5 =	simm.s32 $_size__tile_overlayer_lowered;
	s6 =	simm.s32 $_tile_overlayer_lowered  }
0x9b: {  	s22 =	simm.s32 $0x1BFF;
	s21 =	sshll.u32 s6, $0x1;
	s3 =	sadd.s32 s4, s19  }
0x9c: {  	s7 =	simm.s32 $0x0;
	s20 =	sshll.u32 s5, $0x1;
	s5 =	sadd.s32 s21, s3  }
0x9d: {  	[timem:s7], [sflag:s22] =	dma.local [hbm:s5], s20  }
0x9e: {  	_ =	swait.ge [sflag:s22], s20  }
0x9f: {  	s4 =	ssub.s32 $0x0, s20;
	[sflag:s22] =	ssyncset.done $0x0  }
0xa0: {  	[sflag:s22] =	ssyncadd.s32 s4;
	_ =	sdelay $0x1  }
0xa1: {  	s23 =	simm.s32 $0x1B8B  }
0xa2: {  	_ =	swait.ge [sflag:s23], $0x1  }
0xa3: {  	[sflag:s23] =	ssyncset.done $0x0  }
0xa4: {  	s25 =	simm.s32 $0x1B8E;
	s24 =	sld [smem:$0x3FFE];
	[sflag:s23] =	ssyncadd.s32 $0xFFFFFFFF  }
0xa5: {  	s26 =	simm.s32 $execute0_lowered;
	[smem:$0x3FD2] =	sst s25  }
0xa6: {  	s5 =	sshll.u32 s26, $0x1;
	_ =	strace $0x80000046;
	[dreg:$0x1] =	wrdreg $0xFFFFFFFF  }
0xa7: {  	s28 =	simm.s32 $_size_execute0_lowered;
	s3 =	sadd.s32 s3, s5;
	[dreg:$0x0] =	wrdreg $0x0  }
0xa8: {  	s5 =	sshll.u32 s28, $0x1;
	[dreg:$0x2] =	wrdreg s3  }
0xa9: {  	[dreg:$0x3] =	wrdreg s5  }
0xaa: {  	[dreg:$0x4] =	wrdreg $0xC0  }
0xab: {  	_ =	task [dreg:s7], $0x5FFFF  }
0xac: {  	[dreg:$0x1] =	wrdreg $0xFFFFFFFF  }
0xad: {  	[dreg:$0x0] =	wrdreg $0x60  }
0xae: {  	s2 =	sadd.s32 $0x800, s2;
	[dreg:$0x2] =	wrdreg s24  }
0xaf: {  	[dreg:$0x3] =	wrdreg s2  }
0xb0: {  	[dreg:$0x4] =	wrdreg $0x9  }
0xb1: {  	_ =	task.clear_ibuf [dreg:s7], $0x5FFFF;
	_ =	strace $0x90000046  }
0xb2: {  	s29 =	simm.s32 $0x9;
	_ =	strace $0x80000048  }
0xb3: {  	_ =	swait.ge [sflag:s29], $0x1  }
0xb4: {  	[sflag:s29] =	ssyncadd.s32 $0xFFFFFFFF  }
0xb5: {  	_ =	strace $0x90000048  }
0xb6: {  	_ =	sfence  }
0xb7: {  	s30 =	sld [smem:$0x0];
	_ =	sdelay $0x2  }
0xb8: {  	s31 =	sshll.u32 s1, $0xD;
	s1 =	sshrl.u32 s1, $0x2  }
0xb9: {  	s3 =	sand.u32 $0x4000, s31;
	s1 =	sadd.s32 s1, s30  }
0xba: {  	s0 =	sor.u32 s3, s0;
	s1 =	sshll.u32 s1, $0x11  }
0xbb: {  	s0 =	sor.u32 s1, s0  }
0xbc: {  	s0 =	sadd.s32 $0x8F2B, s0  }
0xbd: {  	[sflag:s0] =	ssyncadd.remote.s32 $0x1  }
0xbe: {  	_ =	sfence.sel $0xFFFF  }
0xbf: {  	[dreg:$0x0] =	wrdreg $0xFFFFFFFF;
	(pc) =	sbr.abs _section_cstart, $3  }
0xc0: {  	[dreg:$0x1] =	wrdreg $0xFFFFFFFF  }
0xc1: {  	_ =	task.clear_ibuf [dreg:s7], $0x2FFFF;
	_ =	strace $0x9FFFFFFF  }
0xc2: {  	(tm) =	ssettm $0x7FFFFFFF  }
0xc3: {  	_ =	shalt  }
tec
execute0_lowered:
.L_overlay_start_1:
0x0: {  	(tag) =	ssettag $0x1  }
0x1: {  	s0 =	srdreg.scid  }
0x2: {  	s0 =	sand.u32 $0x1, s0  }
0x3: {  	p0 =	seq.s32 s0, $0x1  }
.Ltmp0:
0x4: {  	_ = 	snop;
	(pc) =	sbr.rel @p0 .LBB2_16-.Ltmp0, $4  }
0x5: {  	_ = 	snop  }
0x6: {  	s1 =	rddreg [dreg:$0x0];
	s2 =	simm.s32 $0x0  }
0x7: {  	[smem:$0x7FF] =	sst s2  }
0x8: {  	s3 =	rddreg [dreg:$0x2];
	s19 =	stileid.u32;
	_ =	strace $0x80000047  }
0x9: {  	s0 =	smul.u32 $0x500, s19;
	_ =	sdelay $0x1  }
0xa: {  	s3 =	sadd.s32 $0x2600, s1;
	s4 =	sshrl.u32 s0, $0x3  }
0xb: {  	s22 =	simm.s32 $0x1;
	s3 =	sadd.s32 s3, s4  }
0xc: {  	[tilespmem:s2], [sflag:$0x1] =	stream.linear.gather [hbm4b:s3+s2], $0x500, $0x38;
	[tilespmem:$0x7680] =	vst v63  }
0xd: {  	_ =	swait.ge [sflag:s22], $0x500  }
0xe: {  	s5 =	sadd.s32 $0x1C00, s1;
	[sflag:s22] =	ssyncset.done $0x0  }
0xf: {  	s6 =	simm.s32 $0x500;
	s5 =	sadd.s32 s5, s4;
	[sflag:s22] =	ssyncadd.s32 $0xFFFFFB00  }
0x10: {  	[tilespmem:s6], [sflag:$0x1] =	stream.linear.gather [hbm4b:s5+s2], $0x500, $0x38;
	[tilespmem:$0x7680] =	vst v63  }
0x11: {  	_ =	swait.ge [sflag:s22], $0x500  }
0x12: {  	s23 =	sadd.s32 $0x1200, s1;
	[sflag:s22] =	ssyncset.done $0x0  }
0x13: {  	s24 =	simm.s32 $0xA00;
	s5 =	sadd.s32 s23, s4;
	[sflag:s22] =	ssyncadd.s32 $0xFFFFFB00  }
0x14: {  	[tilespmem:s24], [sflag:$0x1] =	stream.linear.gather [hbm4b:s5+s2], $0x500, $0x38;
	[tilespmem:$0x7680] =	vst v63  }
0x15: {  	_ =	swait.ge [sflag:s22], $0x500  }
0x16: {  	s25 =	sadd.s32 $0x800, s1;
	[sflag:s22] =	ssyncset.done $0x0  }
0x17: {  	s26 =	simm.s32 $0xF00;
	s5 =	sadd.s32 s25, s4;
	[sflag:s22] =	ssyncadd.s32 $0xFFFFFB00  }
0x18: {  	[tilespmem:s26], [sflag:$0x1] =	stream.linear.gather [hbm4b:s5+s2], $0x500, $0x38;
	[tilespmem:$0x7680] =	vst v63  }
0x19: {  	_ =	swait.ge [sflag:s22], $0x500  }
0x1a: {  	s28 =	sadd.s32 $0x3000, s1;
	[sflag:s22] =	ssyncset.done $0x0  }
0x1b: {  	s29 =	simm.s32 $0x1400;
	s4 =	sadd.s32 s28, s4;
	[sflag:s22] =	ssyncadd.s32 $0xFFFFFB00  }
0x1c: {  	[tilespmem:s29], [sflag:$0x1] =	stream.linear.gather [hbm4b:s4+s2], $0x500, $0x38;
	[tilespmem:$0x7680] =	vst v63  }
0x1d: {  	_ =	swait.ge [sflag:s22], $0x500  }
0x1e: {  	[sflag:s22] =	ssyncset.done $0x0  }
0x1f: {  	v0 =	vimm.s32 $0x0;
	s2 =	simm.s32 $0x0;
	[sflag:s22] =	ssyncadd.s32 $0xFFFFFB00  }
0x20: {  	v1 =	vimm.f32 $0.0e+00;
	[tilespmem:s2+$0x3480] =	vst v0  }
0x21: {  	[tilespmem:s2+$0x1900] =	vst v1  }
0x22: {  	s30 =	sadd.s32 $0x3A00, s1;
	[tilespmem:s2+$0x1E80] =	vst v1  }
0x23: {  	s31 =	sshll.u32 s19, $0x7;
	[dreg:$0x3] =	wrdreg s30;
	[tilespmem:s2+$0x2400] =	vst v1  }
0x24: {  	v2 =	vimm.f32 $-1.000000000e+00;
	s1 =	simm.s32 $0x40;
	[dreg:$0x4] =	wrdreg s31;
	[tilespmem:s2+$0x2980] =	vst v1  }
.LBB2_2:
0x25: {  	p0 =	sne.s32 s1, $0x1400;
	[tilespmem:s2+$0x2F00] =	vst v2;
	s2 =	sshra.s32 s1, $0x2;
	s1 =	sadd.s32 $0x40, s1  }
.Ltmp1:
0x26: {  	[tilespmem:s2+$0x3480] =	vst v0;
	(pc) =	sbr.rel @p0 .LBB2_2-.Ltmp1, $4  }
0x27: {  	[tilespmem:s2+$0x1900] =	vst v1  }
0x28: {  	[tilespmem:s2+$0x1E80] =	vst v1  }
0x29: {  	[tilespmem:s2+$0x2400] =	vst v1  }
0x2a: {  	[tilespmem:s2+$0x2980] =	vst v1  }
0x2b: {  	[tilespmem:s2+$0x2F00] =	vst v2;
	s31 =	simm.s32 $0x0  }
0x2c: {  	v1 =	vld [tilespmem:s31+$0x1400]  }
0x2d: {  	v0 =	vld [tilespmem:s31+$0x0];
	_ =	sdelay $0x3  }
0x2e: {  	s1 =	simm.s32 $0x0;
	vm0 =	vgt.f32 v1, $5.500000120e-01  }
0x2f: {  	[tilespmem:s1+$0x1900] =	vst.msk vm0, v0  }
0x30: {  	v0 =	vld [tilespmem:s31+$0x500];
	_ =	sdelay $0x4  }
0x31: {  	[tilespmem:s1+$0x1E80] =	vst.msk vm0, v0  }
0x32: {  	v0 =	vld [tilespmem:s31+$0xA00];
	_ =	sdelay $0x2  }
0x33: {  	v2 =	vmpcnt.ones.xlane vm0;
	_ =	sdelay $0x1  }
0x34: {  	[tilespmem:s1+$0x2400] =	vst.msk vm0, v0;
	v0 =	vxor.u32 $0x80000000, v2  }
0x35: {  	(xrf0) =	vmax.scan.msk.u32 $0xffff, v0  }
0x36: {  	v2 =	vld [tilespmem:s31+$0xF00];
	_ =	sdelay $0x4  }
0x37: {  	[tilespmem:s1+$0x2980] =	vst.msk vm0, v2;
	v2, _, _ =	vpop (xrf0)  }
0x38: {  	(v2sf) =	vpush v2, $0xF;
	_ =	sdelay $0x7  }
0x39: {  	v0 =	vlaneseq.u32  }
0x3a: {  	[tilespmem:s1+$0x2F00] =	vst.msk vm0, v1;
	v1 =	vor.u32 s0, v0  }
0x3b: {  	s2 =	simm.s32 $0x10;
	[tilespmem:s1+$0x3480] =	vst.msk vm0, v1  }
0x3c: {  	s3 =	simm.s32 $0x80;
	v1 =	vld [tilespmem:s2+$0x0]  }
.LBB2_4:
0x3d: {  	p0 =	sne.s32 s3, $0x13C0;
	v2 =	vld [tilespmem:s2+$0x1400];
	_ =	sdelay $0x2  }
0x3e: {  	s4 =	spop (v2sf)  }
0x3f: {  	s1 =	sadd.s32 s4, s1  }
0x40: {  	vm0 =	vgt.f32 v2, $5.500000120e-01;
	s1 =	sadd.s32 $0x80000000, s1  }
0x41: {  	[tilespmem:s1+$0x1900] =	vst.msk vm0, v1;
	v1 =	vmpcnt.ones.xlane vm0  }
0x42: {  	v3 =	vld [tilespmem:s2+$0x500]  }
0x43: {  	v1 =	vxor.u32 $0x80000000, v1  }
0x44: {  	(xrf0) =	vmax.scan.msk.u32 $0xffff, v1;
	_ =	sdelay $0x2  }
0x45: {  	[tilespmem:s1+$0x1E80] =	vst.msk vm0, v3  }
0x46: {  	v1 =	vld [tilespmem:s2+$0xA00];
	_ =	sdelay $0x1  }
0x47: {  	v3, _, _ =	vpop (xrf0)  }
0x48: {  	(v2sf) =	vpush v3, $0xF;
	_ =	sdelay $0x1  }
0x49: {  	[tilespmem:s1+$0x2400] =	vst.msk vm0, v1  }
0x4a: {  	v1 =	vld [tilespmem:s2+$0xF00];
	_ =	sdelay $0x3  }
.Ltmp2:
0x4b: {  	(pc) =	sbr.rel @p0 .LBB2_4-.Ltmp2, $4  }
0x4c: {  	s0 =	sadd.s32 $0x10, s0;
	[tilespmem:s1+$0x2980] =	vst.msk vm0, v1  }
0x4d: {  	v1 =	vor.u32 s0, v0;
	[tilespmem:s1+$0x2F00] =	vst.msk vm0, v2  }
0x4e: {  	s2 =	sshra.s32 s3, $0x2;
	[tilespmem:s1+$0x3480] =	vst.msk vm0, v1  }
0x4f: {  	s3 =	sadd.s32 $0x40, s3;
	v1 =	vld [tilespmem:s2+$0x0]  }
0x50: {  	v2 =	vld [tilespmem:s2+$0x1400];
	_ =	sdelay $0x4  }
0x51: {  	vm0 =	vgt.f32 v2, $5.500000120e-01  }
0x52: {  	v3 =	vmpcnt.ones.xlane vm0;
	_ =	sdelay $0x1  }
0x53: {  	v3 =	vxor.u32 $0x80000000, v3  }
0x54: {  	(xrf0) =	vmax.scan.msk.u32 $0xffff, v3;
	_ =	sdelay $0x5  }
0x55: {  	v3, _, _ =	vpop (xrf0)  }
0x56: {  	(v2sf) =	vpush v3, $0xF;
	_ =	sdelay $0x6  }
0x57: {  	s3 =	spop (v2sf)  }
0x58: {  	s1 =	sadd.s32 s3, s1  }
0x59: {  	s1 =	sadd.s32 $0x80000000, s1  }
0x5a: {  	[tilespmem:s1+$0x1900] =	vst.msk vm0, v1  }
0x5b: {  	v1 =	vld [tilespmem:s2+$0x500];
	_ =	sdelay $0x3  }
0x5c: {  	s29 =	spop (v2sf)  }
0x5d: {  	[tilespmem:s1+$0x1E80] =	vst.msk vm0, v1;
	s3 =	sadd.s32 s29, s1  }
0x5e: {  	v1 =	vld [tilespmem:s2+$0xA00];
	s3 =	sadd.s32 $0x80000000, s3  }
0x5f: {  	s3 =	sadd.s32 $0x3F, s3  }
0x60: {  	s4 =	sand.u32 $0x3F, s3  }
0x61: {  	s30 =	sshra.s32 s3, $0x1F;
	p1 =	slt.s32 s3, $0x1;
	p0 =	sne.s32 s4, $0x0  }
0x62: {  	s4 =	sshrl.u32 s30, $0x1A;
	p0 =	por !p1, !p0  }
0x63: {  	[tilespmem:s1+$0x2400] =	vst.msk vm0, v1;
	s31 =	sadd.s32 s4, s3;
	s3 =	simm.s32 $0x1;
	p0 =	por !p0, !p0  }
0x64: {  	v1 =	vld [tilespmem:s2+$0xF00];
	s2 =	sshra.s32 s31, $0x6;
	s3 =	simm.s32 @!p0 $0x0  }
0x65: {  	s2 =	ssub.s32 s2, s3  }
0x66: {  	s3 =	sshrl.u32 s2, $0x1F  }
0x67: {  	s3 =	sadd.s32 s3, s2  }
0x68: {  	s5 =	sand.u32 $0xFFFFFFFE, s3  }
0x69: {  	p0 =	slt.s32 s5, $0x1  }
.Ltmp3:
0x6a: {  	_ = 	snop;
	(pc) =	sbr.rel @p0 .LBB2_6-.Ltmp3, $4  }
0x6b: {  	_ = 	snop  }
0x6c: {  	s0 =	sadd.s32 $0x10, s0;
	[tilespmem:s1+$0x2980] =	vst.msk vm0, v1  }
0x6d: {  	v0 =	vor.u32 s0, v0;
	[tilespmem:s1+$0x2F00] =	vst.msk vm0, v2  }
0x6e: {  	[tilespmem:s1+$0x3480] =	vst.msk vm0, v0;
	s6 =	ssub.s32 s2, s5  }
0x6f: {  	s4 =	simm.s32 $0x1940  }
0x70: {  	s18 =	simm.s32 $0x1EC0;
	v3 =	vld [tilespmem:s4+$0xFFFFFFC0]  }
0x71: {  	s2 =	simm.s32 $0x2440;
	v4 =	vld [tilespmem:s18+$0xFFFFFFC0]  }
0x72: {  	s1 =	simm.s32 $0x29C0;
	v5 =	vld [tilespmem:s2+$0xFFFFFFC0]  }
0x73: {  	v6 =	vld [tilespmem:s1+$0xFFFFFFC0];
	_ =	sdelay $0x3  }
0x74: {  	v7 =	vmax.f32 v3, $-1.000000000e+01;
	v8 =	vmax.f32 v4, $-1.000000000e+01;
	v9 =	vmin.f32 v5, $-9.000000000e+00  }
0x75: {  	v3 =	vsub.f32 v5, v3;
	v4 =	vsub.f32 v6, v4;
	v56 =	vmin.f32 v6, $-9.000000000e+00  }
0x76: {  	v57 =	vld [tilespmem:s4+$0x0];
	v7 =	vsub.f32 v9, v7;
	v5 =	vsub.f32 v56, v8  }
0x77: {  	v58 =	vld [tilespmem:s2+$0x0];
	v3 =	vmul.f32 v4, v3  }
0x78: {  	v8 =	vld [tilespmem:s18+$0x0];
	v7 =	vmax.f32 v7, $0.0e+00;
	v5 =	vmax.f32 v5, $0.0e+00  }
0x79: {  	v9 =	vld [tilespmem:s1+$0x0];
	v14 =	vmul.f32 v5, v7;
	v3 =	vadd.f32 $1.000000000e+00, v3;
	_ =	sdelay $0x1  }
0x7a: {  	v3 =	vsub.f32 v3, v14  }
0x7b: {  	v59 =	vmax.f32 v57, $-1.000000000e+01  }
0x7c: {  	v10 =	vmin.f32 v58, $-9.000000000e+00;
	v4 =	vsub.f32 v58, v57;
	v3 =	vadd.f32 $9.999999710e-10, v3  }
0x7d: {  	v60 =	vmax.f32 v8, $-1.000000000e+01;
	v11 =	vmin.f32 v9, $-9.000000000e+00;
	v61 =	vsub.f32 v9, v8  }
0x7e: {  	v5 =	vsub.f32 v10, v59;
	v7 =	vsub.f32 v11, v60;
	(erf) = vrcp.f32 v3  }
0x7f: {  	v3 =	vmul.f32 v61, v4  }
0x80: {  	v62 =	vmax.f32 v5, $0.0e+00;
	v63 =	vmax.f32 v7, $0.0e+00  }
0x81: {  	v11 =	vmul.f32 v63, v62;
	v3 =	vadd.f32 $1.000000000e+00, v3  }
0x82: {  	p3 =	sgt.s32 s5, $0x2  }
.Ltmp4:
0x83: {  	v3 =	vsub.f32 v3, v11;
	(pc) =	sbr.rel @!p3 .LBB2_18-.Ltmp4, $4  }
0x84: {  	_ = 	snop  }
0x85: {  	s12 =	simm.s32 $0x2F40;
	v3 =	vadd.f32 $9.999999710e-10, v3  }
0x86: {  	s7 =	simm.s32 $0x40;
	v2 =	vimm.f32 $-2.000000000e+00;
	v16 =	vld [tilespmem:s12+$0x0]  }
0x87: {  	v1 =	vimm.s32 $0x40000000;
	v0 =	vlaneseq.u32;
	s14 =	simm.s32 $0x19C0;
	p1 =	por $0x0, $0x0;
	p2 =	por $0x0, $0x0;
	v20 =	vld [tilespmem:s12+$0xFFFFFFC0];
	v17 =	vpop (erf);
	(erf) = vrcp.f32 v3  }
0x88: {  	_ = 	snop  }
0x89: {  	v3 =	vmul.f32 v17, v14;
	_ =	sdelay $0x1  }
0x8a: {  	vm0 =	vgt.f32 v3, $5.000000000e-01  }
0x8b: {  	v6 =	vsel vm0, $0xBF800000, v20  }
0x8c: {  	[tilespmem:s12+$0xFFFFFFC0] =	vst v6  }
0x8d: {  	v4 =	vld [tilespmem:s4+$0xFFFFFFD0]  }
0x8e: {  	v5 =	vld [tilespmem:s18+$0xFFFFFFD0]  }
0x8f: {  	v7 =	vld [tilespmem:s2+$0xFFFFFFD0];
	v3 =	vpop (erf)  }
0x90: {  	v8 =	vld [tilespmem:s1+$0xFFFFFFD0];
	v3 =	vmul.f32 v3, v11;
	_ =	sdelay $0x1  }
0x91: {  	vm13 =	vgt.f32 v3, $5.000000000e-01  }
0x92: {  	v3 =	vsel vm13, $0xBF800000, v16  }
0x93: {  	v10 =	vmax.f32 v4, $-1.000000000e+01;
	v11 =	vmax.f32 v5, $-1.000000000e+01;
	v12 =	vmin.f32 v7, $-9.000000000e+00;
	[tilespmem:s12+$0x0] =	vst v3  }
0x94: {  	v14 =	vmin.f32 v8, $-9.000000000e+00;
	v4 =	vsub.f32 v7, v4;
	v5 =	vsub.f32 v8, v5;
	v9 =	vld [tilespmem:s4+$0x10]  }
0x95: {  	v8 =	vsub.f32 v12, v10;
	v10 =	vsub.f32 v14, v11;
	v13 =	vld [tilespmem:s18+$0x10]  }
0x96: {  	v4 =	vmul.f32 v5, v4;
	v7 =	vld [tilespmem:s2+$0x10]  }
0x97: {  	v11 =	vld [tilespmem:s1+$0x10];
	v5 =	vmax.f32 v8, $0.0e+00;
	v8 =	vmax.f32 v10, $0.0e+00  }
0x98: {  	v5 =	vmul.f32 v8, v5;
	v4 =	vadd.f32 $1.000000000e+00, v4;
	_ =	sdelay $0x1  }
0x99: {  	v4 =	vsub.f32 v4, v5;
	v8 =	vmax.f32 v9, $-1.000000000e+01  }
0x9a: {  	v10 =	vmax.f32 v13, $-1.000000000e+01;
	v12 =	vmin.f32 v7, $-9.000000000e+00;
	v7 =	vsub.f32 v7, v9  }
0x9b: {  	v9 =	vsub.f32 v11, v13;
	v11 =	vmin.f32 v11, $-9.000000000e+00;
	v4 =	vadd.f32 $9.999999710e-10, v4  }
0x9c: {  	v8 =	vsub.f32 v12, v8;
	v10 =	vsub.f32 v11, v10  }
0x9d: {  	v7 =	vmul.f32 v9, v7  }
0x9e: {  	s15 =	simm.s32 $0x1F40;
	v9 =	vld [tilespmem:s14+$0xFFFFFFC0];
	(erf) = vrcp.f32 v4;
	v8 =	vmax.f32 v8, $0.0e+00;
	v10 =	vmax.f32 v10, $0.0e+00  }
0x9f: {  	s16 =	simm.s32 $0x24C0;
	v4 =	vld [tilespmem:s15+$0xFFFFFFC0];
	v8 =	vmul.f32 v10, v8;
	v7 =	vadd.f32 $1.000000000e+00, v7  }
0xa0: {  	s17 =	simm.s32 $0x2A40;
	v10 =	vld [tilespmem:s16+$0xFFFFFFC0]  }
0xa1: {  	v11 =	vld [tilespmem:s17+$0xFFFFFFC0];
	v7 =	vsub.f32 v7, v8;
	_ =	sdelay $0x1  }
0xa2: {  	v7 =	vadd.f32 $9.999999710e-10, v7  }
0xa3: {  	v12 =	vld [tilespmem:s14+$0x0];
	v14 =	vmax.f32 v4, $-1.000000000e+01  }
0xa4: {  	v16 =	vmin.f32 v10, $-9.000000000e+00;
	(erf) = vrcp.f32 v7;
	v7 =	vsub.f32 v10, v9;
	v10 =	vld [tilespmem:s12+$0xFFFFFFD0]  }
0xa5: {  	v13 =	vmax.f32 v9, $-1.000000000e+01;
	v4 =	vsub.f32 v11, v4;
	v9 =	vmin.f32 v11, $-9.000000000e+00;
	v11 =	vld [tilespmem:s16+$0x0]  }
0xa6: {  	v13 =	vsub.f32 v16, v13;
	v16 =	vld [tilespmem:s17+$0x0];
	v9 =	vsub.f32 v9, v14;
	v14 =	vpop (erf)  }
0xa7: {  	v15 =	vld [tilespmem:s15+$0x0];
	v4 =	vmul.f32 v4, v7;
	v5 =	vmul.f32 v14, v5  }
0xa8: {  	v7 =	vmax.f32 v13, $0.0e+00;
	v9 =	vmax.f32 v9, $0.0e+00  }
0xa9: {  	v14 =	vmul.f32 v9, v7;
	v4 =	vadd.f32 $1.000000000e+00, v4;
	vm14 =	vgt.f32 v5, $5.000000000e-01  }
0xaa: {  	v5 =	vmax.f32 v12, $-1.000000000e+01;
	v10 =	vsel vm14, $0xBF800000, v10;
	v9 =	vmin.f32 v11, $-9.000000000e+00  }
0xab: {  	v11 =	vsub.f32 v11, v12;
	v12 =	vld [tilespmem:s12+$0x10];
	v13 =	vmin.f32 v16, $-9.000000000e+00;
	v4 =	vsub.f32 v4, v14;
	[tilespmem:s12+$0xFFFFFFD0] =	vst v10  }
0xac: {  	v7 =	vmax.f32 v15, $-1.000000000e+01;
	v15 =	vsub.f32 v16, v15;
	v5 =	vsub.f32 v9, v5;
	v9 =	vld [tilespmem:s4+$0xFFFFFFE0]  }
0xad: {  	v7 =	vsub.f32 v13, v7;
	v16 =	vld [tilespmem:s18+$0xFFFFFFE0];
	v4 =	vadd.f32 $9.999999710e-10, v4  }
0xae: {  	v15 =	vmul.f32 v15, v11;
	v17 =	vld [tilespmem:s2+$0xFFFFFFE0];
	v5 =	vmax.f32 v5, $0.0e+00;
	v13 =	vpop (erf)  }
0xaf: {  	v7 =	vmax.f32 v7, $0.0e+00;
	v8 =	vmul.f32 v13, v8;
	(erf) = vrcp.f32 v4;
	v4 =	vld [tilespmem:s1+$0xFFFFFFE0]  }
0xb0: {  	v11 =	vmul.f32 v7, v5;
	v5 =	vadd.f32 $1.000000000e+00, v15  }
0xb1: {  	vm15 =	vgt.f32 v8, $5.000000000e-01  }
0xb2: {  	s0 =	simm.s32 $0x2FC0;
	v5 =	vsub.f32 v5, v11;
	v8 =	vsel vm15, $0xBF800000, v12  }
0xb3: {  	p3 =	sgt.s32 s5, $0x4;
	v20 =	vld [tilespmem:s0+$0xFFFFFFC0];
	v7 =	vmax.f32 v9, $-1.000000000e+01;
	v13 =	vmin.f32 v17, $-9.000000000e+00;
	v9 =	vsub.f32 v17, v9;
	[tilespmem:s12+$0x10] =	vst v8  }
.Ltmp5:
0xb4: {  	v12 =	vmax.f32 v16, $-1.000000000e+01;
	v18 =	vld [tilespmem:s4+$0x20];
	v15 =	vmin.f32 v4, $-9.000000000e+00;
	v4 =	vsub.f32 v4, v16;
	(pc) =	sbr.rel @!p3 .LBB2_20-.Ltmp5, $4  }
0xb5: {  	v7 =	vsub.f32 v13, v7;
	v19 =	vld [tilespmem:s18+$0x20];
	v12 =	vsub.f32 v15, v12  }
0xb6: {  	v5 =	vadd.f32 $9.999999710e-10, v5;
	v21 =	vld [tilespmem:s2+$0x20];
	v4 =	vmul.f32 v4, v9  }
0xb7: {  	v22 =	vld [tilespmem:s1+$0x20];
	v7 =	vmax.f32 v7, $0.0e+00;
	v9 =	vmax.f32 v12, $0.0e+00  }
0xb8: {  	s8 =	simm.s32 $0x1A40;
	p1 =	por $0x1, $0x1;
	v16 =	vld [tilespmem:s0+$0x0];
	v17 =	vpop (erf);
	v15 =	vmul.f32 v9, v7;
	v23 =	vadd.f32 $1.000000000e+00, v4;
	(erf) = vrcp.f32 v5  }
0xb9: {  	_ = 	snop  }
0xba: {  	v5 =	vld [tilespmem:s8+$0x0];
	s9 =	simm.s32 $0x1FC0  }
0xbb: {  	v7 =	vmax.f32 v18, $-1.000000000e+01;
	v14 =	vmul.f32 v17, v14;
	v4 =	vsub.f32 v23, v15;
	v12 =	vld [tilespmem:s9+$0x0]  }
0xbc: {  	s11 =	simm.s32 $0x2AC0;
	v9 =	vmax.f32 v19, $-1.000000000e+01;
	v24 =	vld [tilespmem:s9+$0xFFFFFFC0];
	v13 =	vmin.f32 v21, $-9.000000000e+00;
	v18 =	vsub.f32 v21, v18  }
0xbd: {  	s10 =	simm.s32 $0x2540;
	v25 =	vld [tilespmem:s11+$0xFFFFFFC0];
	v4 =	vadd.f32 $9.999999710e-10, v4;
	v23 =	vmin.f32 v22, $-9.000000000e+00;
	v19 =	vsub.f32 v22, v19  }
0xbe: {  	v21 =	vld [tilespmem:s10+$0x0];
	vm0 =	vgt.f32 v14, $5.000000000e-01;
	v7 =	vsub.f32 v13, v7;
	v13 =	vsub.f32 v23, v9  }
0xbf: {  	v22 =	vld [tilespmem:s11+$0x0];
	v17 =	vmul.f32 v19, v18;
	(erf) = vrcp.f32 v4;
	v4 =	vsel vm0, $0xBF800000, v20  }
0xc0: {  	v23 =	vld [tilespmem:s8+$0xFFFFFFC0];
	v7 =	vmax.f32 v7, $0.0e+00;
	v13 =	vmax.f32 v13, $0.0e+00;
	[tilespmem:s0+$0xFFFFFFC0] =	vst v4  }
0xc1: {  	vm7 =	vgt.f32 v6, v2;
	v20 =	vmul.f32 v13, v7;
	v13 =	vadd.f32 $1.000000000e+00, v17;
	v26 =	vld [tilespmem:s14+$0xFFFFFFD0];
	v27 =	vpop (erf)  }
0xc2: {  	v6 =	vsel vm7, v6, v2;
	v30 =	vld [tilespmem:s15+$0xFFFFFFD0];
	v11 =	vmul.f32 v27, v11  }
0xc3: {  	vm8 =	vgt.f32 v10, v6;
	v29 =	vmax.f32 v5, $-1.000000000e+01;
	v32 =	vld [tilespmem:s16+$0xFFFFFFD0];
	v28 =	vsub.f32 v13, v20  }
0xc4: {  	v44 =	vmax.f32 v12, $-1.000000000e+01;
	v31 =	vmin.f32 v21, $-9.000000000e+00;
	v34 =	vld [tilespmem:s17+$0xFFFFFFD0];
	vm15 =	vgt.f32 v11, $5.000000000e-01  }
0xc5: {  	v14 =	vld [tilespmem:s10+$0xFFFFFFC0];
	v21 =	vsub.f32 v21, v5;
	v28 =	vadd.f32 $9.999999710e-10, v28;
	v5 =	vsel vm15, $0xBF800000, v16  }
0xc6: {  	v33 =	vmin.f32 v22, $-9.000000000e+00;
	v29 =	vsub.f32 v31, v29;
	v11 =	vsub.f32 v22, v12;
	v12 =	vld [tilespmem:s12+$0xFFFFFFE0];
	[tilespmem:s0+$0x0] =	vst v5  }
0xc7: {  	v27 =	vsub.f32 v33, v44;
	v22 =	vmax.f32 v24, $-1.000000000e+01;
	(erf) = vrcp.f32 v28;
	v45 =	vld [tilespmem:s14+$0x10]  }
0xc8: {  	v16 =	vmax.f32 v23, $-1.000000000e+01;
	v46 =	vmax.f32 v26, $-1.000000000e+01;
	v47 =	vmax.f32 v30, $-1.000000000e+01;
	v35 =	vpop (erf);
	v36 =	vld [tilespmem:s15+$0x10]  }
0xc9: {  	v37 =	vmin.f32 v32, $-9.000000000e+00;
	v38 =	vmin.f32 v34, $-9.000000000e+00;
	v39 =	vld [tilespmem:s16+$0x10];
	v15 =	vmul.f32 v35, v15  }
0xca: {  	v48 =	vsub.f32 v34, v30;
	v28 =	vmin.f32 v14, $-9.000000000e+00;
	v14 =	vsub.f32 v14, v23;
	v49 =	vld [tilespmem:s17+$0x10]  }
0xcb: {  	v50 =	vsub.f32 v37, v46;
	v51 =	vsub.f32 v38, v47;
	vm4 =	vgt.f32 v15, $5.000000000e-01  }
0xcc: {  	v23 =	vsub.f32 v25, v24;
	v15 =	vsub.f32 v32, v26;
	v32 =	vsel vm4, $0xBF800000, v12  }
0xcd: {  	v52 =	vld [tilespmem:s12+$0x20];
	v31 =	vmax.f32 v51, $0.0e+00;
	v12 =	vmin.f32 v25, $-9.000000000e+00;
	v25 =	vmax.f32 v50, $0.0e+00;
	[tilespmem:s12+$0xFFFFFFE0] =	vst v32  }
0xce: {  	v15 =	vmul.f32 v48, v15;
	v53 =	vmax.f32 v45, $-1.000000000e+01;
	v55 =	vmax.f32 v36, $-1.000000000e+01;
	v54 =	vld [tilespmem:s4+$0xFFFFFFF0]  }
0xcf: {  	v25 =	vmul.f32 v31, v25;
	v24 =	vsub.f32 v39, v45;
	v36 =	vsub.f32 v49, v36;
	v56 =	vld [tilespmem:s18+$0xFFFFFFF0]  }
0xd0: {  	v57 =	vmin.f32 v39, $-9.000000000e+00;
	v30 =	vmin.f32 v49, $-9.000000000e+00;
	v58 =	vld [tilespmem:s2+$0xFFFFFFF0];
	v15 =	vadd.f32 $1.000000000e+00, v15;
	v40 =	vpop (erf)  }
0xd1: {  	v59 =	vld [tilespmem:s1+$0xFFFFFFF0];
	v30 =	vsub.f32 v30, v55;
	v24 =	vmul.f32 v36, v24;
	v20 =	vmul.f32 v40, v20  }
0xd2: {  	v6 =	vsel vm8, v10, v6;
	v26 =	vsub.f32 v57, v53;
	v15 =	vsub.f32 v15, v25  }
0xd3: {  	v30 =	vmax.f32 v30, $0.0e+00;
	v24 =	vadd.f32 $1.000000000e+00, v24;
	vm5 =	vgt.f32 v20, $5.000000000e-01  }
0xd4: {  	v15 =	vadd.f32 $9.999999710e-10, v15;
	v20 =	vmax.f32 v26, $0.0e+00;
	v60 =	vmax.f32 v54, $-1.000000000e+01  }
0xd5: {  	v61 =	vmax.f32 v56, $-1.000000000e+01;
	v62 =	vmin.f32 v58, $-9.000000000e+00;
	v26 =	vsel vm5, $0xBF800000, v52  }
0xd6: {  	v63 =	vmin.f32 v59, $-9.000000000e+00;
	v33 =	vsub.f32 v58, v54;
	v37 =	vsub.f32 v59, v56;
	[tilespmem:s12+$0x20] =	vst v26  }
0xd7: {  	v31 =	vsub.f32 v62, v60;
	v34 =	vsub.f32 v63, v61;
	v20 =	vmul.f32 v30, v20;
	v40 =	vld [tilespmem:s4+$0x30]  }
0xd8: {  	v9 =	vor.u32 s7, v0;
	v42 =	vmul.f32 v37, v33;
	(erf) = vrcp.f32 v15;
	v41 =	vld [tilespmem:s18+$0x30]  }
0xd9: {  	s19 =	simm.s32 $0x30;
	v43 =	vld [tilespmem:s2+$0x30];
	v15 =	vmax.f32 v31, $0.0e+00;
	v44 =	vmax.f32 v34, $0.0e+00;
	v24 =	vsub.f32 v24, v20  }
0xda: {  	v19 =	vor.u32 s19, v0;
	v45 =	vld [tilespmem:s1+$0x30];
	v15 =	vmul.f32 v44, v15;
	v30 =	vadd.f32 $1.000000000e+00, v42  }
0xdb: {  	v23 =	vmul.f32 v23, v14;
	v14 =	vmul.f32 v11, v21;
	v11 =	vadd.f32 $9.999999710e-10, v24  }
0xdc: {  	v27 =	vmax.f32 v27, $0.0e+00;
	v16 =	vsub.f32 v28, v16;
	v21 =	vsub.f32 v30, v15  }
0xdd: {  	v12 =	vsub.f32 v12, v22;
	(erf) = vrcp.f32 v11;
	v46 =	vmax.f32 v40, $-1.000000000e+01  }
0xde: {  	v47 =	vmax.f32 v41, $-1.000000000e+01;
	v48 =	vmin.f32 v43, $-9.000000000e+00;
	v21 =	vadd.f32 $9.999999710e-10, v21  }
0xdf: {  	v49 =	vsub.f32 v43, v40;
	v50 =	vmin.f32 v45, $-9.000000000e+00;
	v34 =	vsub.f32 v45, v41  }
0xe0: {  	v11 =	vsub.f32 v48, v46;
	v51 =	vsub.f32 v50, v47;
	(erf) = vrcp.f32 v21  }
0xe1: {  	v16 =	vmax.f32 v16, $0.0e+00;
	v12 =	vmax.f32 v12, $0.0e+00;
	v52 =	vld [tilespmem:s0+$0xFFFFFFD0];
	v22 =	vmul.f32 v34, v49  }
0xe2: {  	v21 =	vmax.f32 v29, $0.0e+00;
	v11 =	vmax.f32 v11, $0.0e+00;
	v24 =	vmax.f32 v51, $0.0e+00;
	v53 =	vpop (erf)  }
0xe3: {  	v24 =	vmul.f32 v24, v11;
	v22 =	vadd.f32 $1.000000000e+00, v22;
	v25 =	vmul.f32 v53, v25  }
0xe4: {  	v11 =	vmul.f32 v27, v21;
	v21 =	vadd.f32 $1.000000000e+00, v14;
	v14 =	vmul.f32 v12, v16  }
0xe5: {  	s20 =	simm.s32 $0x50;
	v16 =	vadd.f32 $1.000000000e+00, v23;
	v22 =	vsub.f32 v22, v24;
	vm6 =	vgt.f32 v25, $5.000000000e-01  }
0xe6: {  	s3 =	simm.s32 $0x60;
	v18 =	vor.u32 s20, v0;
	v54 =	vld [tilespmem:s0+$0x10];
	v21 =	vsub.f32 v21, v11;
	v12 =	vsel vm6, $0xBF800000, v52  }
0xe7: {  	s13 =	simm.s32 $0x70;
	s29 =	simm.s32 $0x20;
	v17 =	vor.u32 s3, v0;
	v23 =	vld [tilespmem:s12+$0xFFFFFFF0];
	v16 =	vsub.f32 v16, v14;
	v22 =	vadd.f32 $9.999999710e-10, v22;
	[tilespmem:s0+$0xFFFFFFD0] =	vst v12  }
0xe8: {  	v7 =	vor.u32 s13, v0;
	v13 =	vor.u32 s29, v0;
	v57 =	vadd.f32 $9.999999710e-10, v21;
	v58 =	vpop (erf);
	v21 =	vld [tilespmem:s14+$0xFFFFFFE0]  }
0xe9: {  	s30 =	simm.s32 $0x0;
	s31 =	simm.s32 $0x10;
	vm1 =	vgt.f32 v32, v6;
	v16 =	vadd.f32 $9.999999710e-10, v16;
	v60 =	vld [tilespmem:s16+$0xFFFFFFE0];
	(erf) = vrcp.f32 v22;
	v59 =	vpop (erf)  }
0xea: {  	v55 =	vor.u32 s30, v0;
	v56 =	vor.u32 s31, v0;
	v22 =	vld [tilespmem:s15+$0xFFFFFFE0];
	v15 =	vmul.f32 v59, v15  }
0xeb: {  	v27 =	vsel vm7, v55, v1;
	v20 =	vmul.f32 v58, v20;
	(erf) = vrcp.f32 v16;
	v16 =	vld [tilespmem:s17+$0xFFFFFFE0]  }
0xec: {  	v6 =	vsel vm1, v32, v6;
	v10 =	vsel vm8, v56, v27;
	vm2 =	vgt.f32 v15, $5.000000000e-01  }
0xed: {  	v10 =	vsel vm1, v13, v10;
	vm9 =	vgt.f32 v20, $5.000000000e-01;
	v15 =	vsel vm2, $0xBF800000, v23  }
0xee: {  	v13 =	vsel vm9, $0xBF800000, v54;
	v20 =	vmax.f32 v21, $-1.000000000e+01;
	vm10 =	vgt.f32 v15, v6  }
0xef: {  	v63 =	vsub.f32 v60, v21;
	v23 =	vmax.f32 v22, $-1.000000000e+01;
	v6 =	vsel vm10, v15, v6  }
0xf0: {  	v61 =	vmin.f32 v16, $-9.000000000e+00;
	v10 =	vsel vm10, v19, v10;
	vm11 =	vgt.f32 v3, v6  }
0xf1: {  	v62 =	vld [tilespmem:s12+$0x30];
	v19 =	vmin.f32 v60, $-9.000000000e+00;
	v3 =	vsel vm11, v3, v6;
	v6 =	vsel vm11, v9, v10  }
0xf2: {  	[tilespmem:s0+$0x10] =	vst v13;
	v9 =	vpop (erf);
	v10 =	vsub.f32 v16, v22;
	v16 =	vsub.f32 v19, v20;
	vm12 =	vgt.f32 v8, v3  }
0xf3: {  	p3 =	sgt.s32 s5, $0x6;
	v21 =	vld [tilespmem:s16+$0x20];
	v9 =	vmul.f32 v9, v24;
	v3 =	vsel vm12, v8, v3;
	v6 =	vsel vm12, v18, v6  }
.Ltmp6:
0xf4: {  	v18 =	vld [tilespmem:s14+$0x20];
	v8 =	vsub.f32 v61, v23;
	v23 =	vmax.f32 v16, $0.0e+00;
	vm13 =	vgt.f32 v26, v3;
	(pc) =	sbr.rel @!p3 .LBB2_22-.Ltmp6, $4  }
0xf5: {  	v19 =	vld [tilespmem:s15+$0x20];
	v10 =	vmul.f32 v10, v63;
	vm14 =	vgt.f32 v9, $5.000000000e-01;
	v3 =	vsel vm13, v26, v3  }
0xf6: {  	p2 =	por $0x1, $0x1;
	s13 =	simm.s32 $0x3040;
	v22 =	vld [tilespmem:s17+$0x20];
	v6 =	vsel vm13, v17, v6;
	v20 =	vsel vm14, $0xBF800000, v62;
	v8 =	vmax.f32 v8, $0.0e+00  }
0xf7: {  	s3 =	simm.s32 $0x40;
	s1 =	simm.s32 $0x6;
	s2 =	simm.s32 $0x1AC0;
	[tilespmem:s12+$0xFFFFFFF0] =	vst v15;
	v16 =	vld [tilespmem:s13+$0x0];
	vm15 =	vgt.f32 v20, v3;
	v15 =	vmul.f32 v8, v23;
	v23 =	vadd.f32 $1.000000000e+00, v10  }
0xf8: {  	s4 =	simm.s32 $0x1FC0;
	s18 =	simm.s32 $0x2AC0;
	v17 =	vpop (erf);
	(erf) = vrcp.f32 v57;
	[tilespmem:s12+$0x30] =	vst v20;
	s12 =	simm.s32 $0x2540;
	v9 =	vsel vm15, v20, v3;
	v7 =	vsel vm15, v7, v6;
	v20 =	vld [tilespmem:s13+$0xFFFFFFC0]  }
.LBB2_23:
0xf9: {  	v24 =	vld [tilespmem:s2+$0x0];
	s4 =	sadd.s32 $0x80, s4;
	v3 =	vsub.f32 v23, v15;
	v6 =	vmax.f32 v18, $-1.000000000e+01  }
0xfa: {  	s12 =	sadd.s32 $0x80, s12;
	v8 =	vmax.f32 v19, $-1.000000000e+01;
	v23 =	vld [tilespmem:s4+$0x0];
	v10 =	vmin.f32 v21, $-9.000000000e+00;
	v18 =	vsub.f32 v21, v18  }
0xfb: {  	s18 =	sadd.s32 $0x80, s18;
	v21 =	vld [tilespmem:s12+$0x0];
	v3 =	vadd.f32 $9.999999710e-10, v3;
	v25 =	vmin.f32 v22, $-9.000000000e+00;
	v19 =	vsub.f32 v22, v19  }
0xfc: {  	v14 =	vmul.f32 v17, v14;
	s3 =	sadd.s32 $0x80, s3;
	v6 =	vsub.f32 v10, v6;
	v22 =	vld [tilespmem:s18+$0x0];
	v10 =	vsub.f32 v25, v8  }
0xfd: {  	v8 =	vor.u32 s3, v0;
	v25 =	vld [tilespmem:s2+$0xFFFFFFC0];
	v17 =	vmul.f32 v19, v18;
	(erf) = vrcp.f32 v3  }
0xfe: {  	vm0 =	vgt.f32 v14, $5.000000000e-01;
	v3 =	vmax.f32 v6, $0.0e+00;
	v26 =	vld [tilespmem:s4+$0xFFFFFFC0];
	v6 =	vmax.f32 v10, $0.0e+00  }
0xff: {  	s19 =	sadd.s32 $0x20, s3;
	s20 =	sadd.s32 $0x30, s3;
	v18 =	vsel vm0, $0xBF800000, v20;
	v14 =	vld [tilespmem:s12+$0xFFFFFFC0];
	v27 =	vmul.f32 v6, v3;
	v19 =	vadd.f32 $1.000000000e+00, v17  }
0x100: {  	s21 =	sadd.s32 $0xFFFFFFF0, s3;
	s22 =	sadd.s32 $0x10, s3;
	v6 =	vor.u32 s19, v0;
	v3 =	vor.u32 s20, v0;
	v28 =	vld [tilespmem:s18+$0xFFFFFFC0];
	[tilespmem:s13+$0xFFFFFFC0] =	vst v18  }
0x101: {  	v10 =	vor.u32 s22, v0;
	s19 =	sadd.s32 $0xFFFFFFE0, s3;
	v17 =	vor.u32 s21, v0;
	v20 =	vld [tilespmem:s8+$0xFFFFFFD0];
	v29 =	vpop (erf);
	v30 =	vsub.f32 v19, v27  }
0x102: {  	v31 =	vmax.f32 v24, $-1.000000000e+01;
	v19 =	vor.u32 s19, v0;
	v32 =	vld [tilespmem:s9+$0xFFFFFFD0];
	v11 =	vmul.f32 v29, v11  }
0x103: {  	v33 =	vmin.f32 v21, $-9.000000000e+00;
	v29 =	vmax.f32 v23, $-1.000000000e+01;
	v34 =	vld [tilespmem:s10+$0xFFFFFFD0];
	v30 =	vadd.f32 $9.999999710e-10, v30  }
0x104: {  	v21 =	vsub.f32 v21, v24;
	v35 =	vmin.f32 v22, $-9.000000000e+00;
	v24 =	vld [tilespmem:s11+$0xFFFFFFD0];
	vm0 =	vgt.f32 v11, $5.000000000e-01  }
0x105: {  	v11 =	vsub.f32 v22, v23;
	v16 =	vsel vm0, $0xBF800000, v16;
	v22 =	vld [tilespmem:s0+$0xFFFFFFE0];
	(erf) = vrcp.f32 v30  }
0x106: {  	v23 =	vmax.f32 v25, $-1.000000000e+01;
	v36 =	vmin.f32 v14, $-9.000000000e+00;
	v30 =	vmax.f32 v26, $-1.000000000e+01;
	[tilespmem:s13+$0x0] =	vst v16;
	v37 =	vpop (erf)  }
0x107: {  	v14 =	vsub.f32 v14, v25;
	v25 =	vsub.f32 v28, v26;
	v26 =	vld [tilespmem:s8+$0x10];
	v15 =	vmul.f32 v37, v15  }
0x108: {  	v31 =	vsub.f32 v33, v31;
	v33 =	vmax.f32 v20, $-1.000000000e+01;
	v37 =	vmax.f32 v32, $-1.000000000e+01;
	v38 =	vld [tilespmem:s9+$0x10]  }
0x109: {  	v39 =	vmin.f32 v34, $-9.000000000e+00;
	v40 =	vmin.f32 v24, $-9.000000000e+00;
	v41 =	vld [tilespmem:s10+$0x10];
	vm0 =	vgt.f32 v15, $5.000000000e-01  }
0x10a: {  	v15 =	vsub.f32 v34, v20;
	v24 =	vsub.f32 v24, v32;
	v32 =	vld [tilespmem:s11+$0x10];
	v20 =	vsel vm0, $0xBF800000, v22  }
0x10b: {  	v22 =	vmin.f32 v28, $-9.000000000e+00;
	v28 =	vsub.f32 v39, v33;
	v33 =	vsub.f32 v40, v37;
	[tilespmem:s0+$0xFFFFFFE0] =	vst v20;
	v34 =	vld [tilespmem:s0+$0x20]  }
0x10c: {  	v29 =	vsub.f32 v35, v29;
	v15 =	vmul.f32 v24, v15;
	v24 =	vmax.f32 v26, $-1.000000000e+01;
	v35 =	vld [tilespmem:s14+$0xFFFFFFF0]  }
0x10d: {  	v28 =	vmax.f32 v28, $0.0e+00;
	v33 =	vmax.f32 v33, $0.0e+00;
	v37 =	vmax.f32 v38, $-1.000000000e+01;
	v39 =	vld [tilespmem:s15+$0xFFFFFFF0]  }
0x10e: {  	v28 =	vmul.f32 v33, v28;
	v15 =	vadd.f32 $1.000000000e+00, v15;
	v33 =	vmin.f32 v41, $-9.000000000e+00;
	v40 =	vld [tilespmem:s16+$0xFFFFFFF0];
	v42 =	vpop (erf)  }
0x10f: {  	v26 =	vsub.f32 v41, v26;
	v38 =	vsub.f32 v32, v38;
	v41 =	vld [tilespmem:s17+$0xFFFFFFF0];
	v27 =	vmul.f32 v42, v27  }
0x110: {  	v15 =	vsub.f32 v15, v28;
	v32 =	vmin.f32 v32, $-9.000000000e+00;
	v24 =	vsub.f32 v33, v24  }
0x111: {  	v32 =	vsub.f32 v32, v37;
	v26 =	vmul.f32 v38, v26;
	vm0 =	vgt.f32 v27, $5.000000000e-01  }
0x112: {  	v27 =	vadd.f32 $9.999999710e-10, v15;
	v24 =	vmax.f32 v24, $0.0e+00;
	v15 =	vsel vm0, $0xBF800000, v34  }
0x113: {  	v33 =	vmax.f32 v35, $-1.000000000e+01;
	v34 =	vmax.f32 v39, $-1.000000000e+01;
	v37 =	vmin.f32 v40, $-9.000000000e+00;
	[tilespmem:s0+$0x20] =	vst v15  }
0x114: {  	v35 =	vsub.f32 v40, v35;
	v38 =	vmin.f32 v41, $-9.000000000e+00;
	v39 =	vsub.f32 v41, v39;
	v40 =	vld [tilespmem:s14+$0x30];
	s14 =	smov.u32 s8;
	s8 =	smov.u32 s2  }
0x115: {  	v32 =	vmax.f32 v32, $0.0e+00;
	v33 =	vsub.f32 v37, v33;
	v34 =	vsub.f32 v38, v34;
	v37 =	vld [tilespmem:s15+$0x30];
	s15 =	smov.u32 s9;
	s9 =	smov.u32 s4  }
0x116: {  	v24 =	vmul.f32 v32, v24;
	v26 =	vadd.f32 $1.000000000e+00, v26;
	v32 =	vmul.f32 v39, v35;
	v35 =	vld [tilespmem:s16+$0x30];
	s16 =	smov.u32 s10;
	s10 =	smov.u32 s12  }
0x117: {  	(erf) = vrcp.f32 v27;
	v27 =	vmax.f32 v33, $0.0e+00;
	v33 =	vmax.f32 v34, $0.0e+00;
	v34 =	vld [tilespmem:s17+$0x30];
	s17 =	smov.u32 s11;
	s11 =	smov.u32 s18  }
0x118: {  	v26 =	vsub.f32 v26, v24;
	v27 =	vmul.f32 v33, v27;
	v32 =	vadd.f32 $1.000000000e+00, v32  }
0x119: {  	v23 =	vsub.f32 v36, v23;
	v25 =	vmul.f32 v25, v14;
	v14 =	vmul.f32 v11, v21  }
0x11a: {  	v11 =	vadd.f32 $9.999999710e-10, v26;
	v26 =	vmax.f32 v40, $-1.000000000e+01;
	v21 =	vsub.f32 v32, v27  }
0x11b: {  	v32 =	vmax.f32 v37, $-1.000000000e+01;
	v33 =	vmin.f32 v35, $-9.000000000e+00;
	v35 =	vsub.f32 v35, v40  }
0x11c: {  	v21 =	vadd.f32 $9.999999710e-10, v21;
	v36 =	vmin.f32 v34, $-9.000000000e+00;
	v34 =	vsub.f32 v34, v37  }
0x11d: {  	(erf) = vrcp.f32 v11;
	v11 =	vsub.f32 v33, v26;
	v26 =	vsub.f32 v36, v32  }
0x11e: {  	v22 =	vsub.f32 v22, v30;
	v30 =	vmul.f32 v34, v35;
	(erf) = vrcp.f32 v21  }
0x11f: {  	v21 =	vmax.f32 v31, $0.0e+00;
	v31 =	vld [tilespmem:s13+$0xFFFFFFD0];
	v11 =	vmax.f32 v11, $0.0e+00;
	v26 =	vmax.f32 v26, $0.0e+00  }
0x120: {  	v29 =	vmax.f32 v29, $0.0e+00;
	v32 =	vpop (erf);
	v26 =	vmul.f32 v26, v11;
	v30 =	vadd.f32 $1.000000000e+00, v30  }
0x121: {  	v23 =	vmax.f32 v23, $0.0e+00;
	v22 =	vmax.f32 v22, $0.0e+00;
	v28 =	vmul.f32 v32, v28  }
0x122: {  	v11 =	vmul.f32 v29, v21;
	v21 =	vadd.f32 $1.000000000e+00, v14;
	v29 =	vsub.f32 v30, v26  }
0x123: {  	v14 =	vmul.f32 v22, v23;
	v22 =	vadd.f32 $1.000000000e+00, v25;
	vm0 =	vgt.f32 v28, $5.000000000e-01  }
0x124: {  	s20 =	sadd.s32 $0xFFFFFFD0, s3;
	s19 =	sadd.s32 $0xFFFFFFC0, s3;
	v21 =	vsub.f32 v21, v11;
	v23 =	vsel vm0, $0xBF800000, v31;
	v25 =	vld [tilespmem:s0+$0xFFFFFFF0];
	v28 =	vadd.f32 $9.999999710e-10, v29  }
0x125: {  	v22 =	vsub.f32 v22, v14;
	v30 =	vor.u32 s19, v0;
	v31 =	vor.u32 s20, v0;
	[tilespmem:s13+$0xFFFFFFD0] =	vst v23;
	v29 =	vld [tilespmem:s13+$0x10]  }
0x126: {  	v32 =	vadd.f32 $9.999999710e-10, v21;
	vm0 =	vgt.f32 v4, v9;
	v21 =	vld [tilespmem:s14+$0xFFFFFFE0];
	v33 =	vpop (erf);
	(erf) = vrcp.f32 v28  }
0x127: {  	v22 =	vadd.f32 $9.999999710e-10, v22;
	v9 =	vsel vm0, v4, v9;
	v7 =	vsel vm0, v30, v7;
	v28 =	vld [tilespmem:s15+$0xFFFFFFE0];
	v4 =	vpop (erf)  }
0x128: {  	vm0 =	vgt.f32 v12, v9;
	v24 =	vmul.f32 v33, v24;
	v30 =	vld [tilespmem:s16+$0xFFFFFFE0];
	v27 =	vmul.f32 v4, v27;
	v4 =	vmovc v18  }
0x129: {  	v9 =	vsel vm0, v12, v9;
	v7 =	vsel vm0, v31, v7;
	v12 =	vmovc v23;
	(erf) = vrcp.f32 v22;
	v18 =	vld [tilespmem:s17+$0xFFFFFFE0]  }
0x12a: {  	vm1 =	vgt.f32 v20, v9;
	vm0 =	vgt.f32 v24, $5.000000000e-01;
	vm2 =	vgt.f32 v27, $5.000000000e-01  }
0x12b: {  	v9 =	vsel vm1, v20, v9;
	v7 =	vsel vm1, v19, v7;
	v19 =	vsel vm2, $0xBF800000, v25  }
0x12c: {  	v22 =	vsel vm0, $0xBF800000, v29;
	v20 =	vmax.f32 v21, $-1.000000000e+01;
	[tilespmem:s0+$0xFFFFFFF0] =	vst v19;
	vm0 =	vgt.f32 v19, v9  }
0x12d: {  	v23 =	vmax.f32 v28, $-1.000000000e+01;
	v9 =	vsel vm0, v19, v9;
	v7 =	vsel vm0, v17, v7  }
0x12e: {  	v17 =	vmin.f32 v30, $-9.000000000e+00;
	v19 =	vmin.f32 v18, $-9.000000000e+00;
	vm0 =	vgt.f32 v5, v9;
	v24 =	vld [tilespmem:s0+$0x30]  }
0x12f: {  	v21 =	vsub.f32 v30, v21;
	v9 =	vsel vm0, v5, v9;
	v7 =	vsel vm0, v8, v7;
	v5 =	vpop (erf)  }
0x130: {  	v8 =	vsub.f32 v18, v28;
	vm0 =	vgt.f32 v13, v9;
	v25 =	vmul.f32 v5, v26;
	v5 =	vmovc v16  }
0x131: {  	s1 =	sadd.s32 $0x2, s1;
	v16 =	vsub.f32 v17, v20;
	[tilespmem:s13+$0x10] =	vst v22;
	v9 =	vsel vm0, v13, v9;
	v7 =	vsel vm0, v10, v7  }
0x132: {  	p3 =	slt.s32 s1, s5;
	v10 =	vsub.f32 v19, v23;
	v17 =	vpop (erf);
	v18 =	vld [tilespmem:s14+$0x20];
	vm0 =	vgt.f32 v15, v9;
	vm1 =	vgt.f32 v25, $5.000000000e-01  }
.Ltmp7:
0x133: {  	v13 =	vmovc v22;
	v19 =	vld [tilespmem:s15+$0x20];
	v9 =	vsel vm0, v15, v9;
	v6 =	vsel vm0, v6, v7;
	v7 =	vsel vm1, $0xBF800000, v24;
	(pc) =	sbr.rel @p3 .LBB2_23-.Ltmp7, $4  }
0x134: {  	v8 =	vmul.f32 v8, v21;
	v15 =	vmax.f32 v16, $0.0e+00;
	v21 =	vld [tilespmem:s16+$0x20];
	[tilespmem:s0+$0x30] =	vst v7;
	vm0 =	vgt.f32 v7, v9;
	s0 =	smov.u32 s13  }
0x135: {  	v10 =	vmax.f32 v10, $0.0e+00;
	s13 =	sadd.s32 $0x80, s13;
	v22 =	vld [tilespmem:s17+$0x20];
	v9 =	vsel vm0, v7, v9;
	v7 =	vsel vm0, v3, v6  }
0x136: {  	v23 =	vadd.f32 $1.000000000e+00, v8;
	v15 =	vmul.f32 v10, v15;
	v16 =	vld [tilespmem:s13+$0x0]  }
0x137: {  	s2 =	sadd.s32 $0x80, s2;
	v20 =	vld [tilespmem:s13+$0xFFFFFFC0];
	(erf) = vrcp.f32 v32  }
0x138: {  	s12 =	smov.u32 s0;
	s4 =	smov.u32 s14;
	s18 =	smov.u32 s15  }
0x139: {  	s2 =	smov.u32 s16;
	s1 =	smov.u32 s17;
	v6 =	vmovc v4;
	v10 =	vmov v12;
	v3 =	vmov v5;
	v8 =	vmov v13;
	s19 =	stileid.u32  }
.LBB2_25:
0x13a: {  	v4 =	vmul.f32 v17, v14;
	_ =	sdelay $0x1  }
0x13b: {  	vm0 =	vgt.f32 v4, $5.000000000e-01  }
0x13c: {  	v12 =	vmax.f32 @p1 v18, $-1.000000000e+01;
	v5 =	vsel vm0, $0xBF800000, v20  }
0x13d: {  	v13 =	vmax.f32 @p1 v19, $-1.000000000e+01;
	v14 =	vmin.f32 @p1 v21, $-9.000000000e+00;
	v17 =	vsub.f32 @p1 v21, v18;
	[tilespmem:s13+$0xFFFFFFC0] =	vst v5  }
0x13e: {  	v18 =	vmin.f32 @p1 v22, $-9.000000000e+00;
	v19 =	vsub.f32 @p1 v22, v19;
	v4 =	vsub.f32 @p1 v23, v15;
	v25 =	vld [tilespmem:s8+$0xFFFFFFD0]  }
0x13f: {  	v12 =	vsub.f32 @p1 v14, v12;
	v13 =	vsub.f32 @p1 v18, v13;
	v26 =	vld [tilespmem:s9+$0xFFFFFFD0]  }
0x140: {  	v17 =	vmul.f32 @p1 v19, v17;
	v4 =	vadd.f32 @p1 $9.999999710e-10, v4;
	v28 =	vld [tilespmem:s10+$0xFFFFFFD0];
	v27 =	vpop (erf)  }
0x141: {  	v12 =	vmax.f32 @p1 v12, $0.0e+00;
	v13 =	vmax.f32 @p1 v13, $0.0e+00;
	v29 =	vld [tilespmem:s11+$0xFFFFFFD0];
	v11 =	vmul.f32 v27, v11  }
0x142: {  	v12 =	vmul.f32 @p1 v13, v12;
	(erf) = vrcp.f32 @p1 v4;
	v4 =	vadd.f32 @p1 $1.000000000e+00, v17  }
0x143: {  	vm14 =	vgt.f32 v11, $5.000000000e-01  }
0x144: {  	v11 =	vsub.f32 @p1 v4, v12;
	v4 =	vsel vm14, $0xBF800000, v16  }
0x145: {  	v30 =	vmax.f32 v25, $-1.000000000e+01;
	v31 =	vmax.f32 v26, $-1.000000000e+01;
	v32 =	vmin.f32 v28, $-9.000000000e+00;
	[tilespmem:s13+$0x0] =	vst v4  }
0x146: {  	v34 =	vmin.f32 v29, $-9.000000000e+00;
	v19 =	vsub.f32 v28, v25;
	v14 =	vsub.f32 v29, v26;
	v33 =	vld [tilespmem:s8+$0x10]  }
0x147: {  	v13 =	vsub.f32 v32, v30;
	v16 =	vsub.f32 v34, v31;
	v35 =	vld [tilespmem:s9+$0x10]  }
0x148: {  	v36 =	vld [tilespmem:s10+$0x10];
	v14 =	vmul.f32 v14, v19  }
0x149: {  	v11 =	vadd.f32 @p1 $9.999999710e-10, v11;
	v37 =	vld [tilespmem:s11+$0x10];
	v13 =	vmax.f32 v13, $0.0e+00;
	v16 =	vmax.f32 v16, $0.0e+00  }
0x14a: {  	v16 =	vmul.f32 v16, v13;
	v38 =	vadd.f32 $1.000000000e+00, v14  }
0x14b: {  	(erf) = vrcp.f32 @p1 v11  }
0x14c: {  	v13 =	vsub.f32 v38, v16;
	v39 =	vmax.f32 v33, $-1.000000000e+01  }
0x14d: {  	v40 =	vmax.f32 v35, $-1.000000000e+01;
	v41 =	vmin.f32 v36, $-9.000000000e+00;
	v17 =	vsub.f32 v36, v33  }
0x14e: {  	v14 =	vld @p1 [tilespmem:s12+$0xFFFFFFE0];
	v11 =	vpop @p1 (erf);
	v18 =	vsub.f32 v37, v35;
	v19 =	vmin.f32 v37, $-9.000000000e+00;
	v13 =	vadd.f32 $9.999999710e-10, v13  }
0x14f: {  	v11 =	vmul.f32 @p1 v11, v15;
	v15 =	vsub.f32 v41, v39;
	v19 =	vsub.f32 v19, v40  }
0x150: {  	v42 =	vmul.f32 v18, v17;
	(erf) = vrcp.f32 v13  }
0x151: {  	v43 =	vmax.f32 v15, $0.0e+00;
	v44 =	vmax.f32 v19, $0.0e+00  }
0x152: {  	vm0 =	vgt.f32 @p1 v11, $5.000000000e-01;
	v15 =	vmul.f32 v44, v43;
	v11 =	vadd.f32 $1.000000000e+00, v42  }
0x153: {  	v14 =	vsel @p1 vm0, $0xBF800000, v14;
	v17 =	vld @p1 [tilespmem:s12+$0x20]  }
0x154: {  	v45 =	vld [tilespmem:s13+$0xFFFFFFD0];
	[tilespmem:s12+$0xFFFFFFE0] =	vst @p1 v14;
	v13 =	vpop @p1 (erf);
	v11 =	vsub.f32 v11, v15  }
0x155: {  	v18 =	vld @p1 [tilespmem:s4+$0xFFFFFFF0];
	v12 =	vmul.f32 @p1 v13, v12  }
0x156: {  	v20 =	vld @p1 [tilespmem:s2+$0xFFFFFFF0];
	v11 =	vadd.f32 $9.999999710e-10, v11  }
0x157: {  	v21 =	vld @p1 [tilespmem:s1+$0xFFFFFFF0];
	vm0 =	vgt.f32 @p1 v12, $5.000000000e-01  }
0x158: {  	v19 =	vld @p1 [tilespmem:s18+$0xFFFFFFF0];
	v13 =	vsel @p1 vm0, $0xBF800000, v17;
	(erf) = vrcp.f32 v11  }
0x159: {  	[tilespmem:s12+$0x20] =	vst @p1 v13;
	v46 =	vpop (erf)  }
0x15a: {  	v22 =	vld @p1 [tilespmem:s4+$0x30];
	v12 =	vmul.f32 v46, v16  }
0x15b: {  	v17 =	vmax.f32 @p1 v18, $-1.000000000e+01;
	v23 =	vmin.f32 @p1 v20, $-9.000000000e+00;
	v25 =	vld @p1 [tilespmem:s18+$0x30]  }
0x15c: {  	v24 =	vmin.f32 @p1 v21, $-9.000000000e+00;
	v18 =	vsub.f32 @p1 v20, v18;
	v20 =	vld @p1 [tilespmem:s2+$0x30];
	vm15 =	vgt.f32 v12, $5.000000000e-01  }
0x15d: {  	v47 =	vld [tilespmem:s13+$0x10];
	v17 =	vsub.f32 @p1 v23, v17;
	v16 =	vmax.f32 @p1 v19, $-1.000000000e+01;
	v12 =	vsel vm15, $0xBF800000, v45  }
0x15e: {  	v19 =	vsub.f32 @p1 v21, v19;
	v21 =	vld @p1 [tilespmem:s1+$0x30];
	v16 =	vsub.f32 @p1 v24, v16;
	[tilespmem:s13+$0xFFFFFFD0] =	vst v12  }
0x15f: {  	v17 =	vmax.f32 @p1 v17, $0.0e+00;
	v48 =	vld [tilespmem:s8+$0xFFFFFFE0]  }
0x160: {  	v18 =	vmul.f32 @p1 v19, v18;
	v16 =	vmax.f32 @p1 v16, $0.0e+00;
	v23 =	vmax.f32 @p1 v22, $-1.000000000e+01;
	v49 =	vld [tilespmem:s9+$0xFFFFFFE0]  }
0x161: {  	v24 =	vmax.f32 @p1 v25, $-1.000000000e+01;
	v28 =	vmin.f32 @p1 v20, $-9.000000000e+00;
	v20 =	vsub.f32 @p1 v20, v22;
	v27 =	vld [tilespmem:s10+$0xFFFFFFE0];
	v26 =	vpop (erf)  }
0x162: {  	v16 =	vmul.f32 @p1 v16, v17;
	v18 =	vadd.f32 @p1 $1.000000000e+00, v18;
	v50 =	vld [tilespmem:s11+$0xFFFFFFE0];
	v15 =	vmul.f32 v26, v15  }
0x163: {  	v23 =	vsub.f32 @p1 v28, v23;
	v26 =	vmin.f32 @p1 v21, $-9.000000000e+00;
	v21 =	vsub.f32 @p1 v21, v25  }
0x164: {  	v18 =	vsub.f32 @p1 v18, v16;
	v24 =	vsub.f32 @p1 v26, v24;
	vm4 =	vgt.f32 v15, $5.000000000e-01  }
0x165: {  	v15 =	vmul.f32 @p1 v21, v20;
	v20 =	vmax.f32 @p1 v23, $0.0e+00;
	v11 =	vsel vm4, $0xBF800000, v47  }
0x166: {  	v51 =	vmax.f32 v48, $-1.000000000e+01;
	v52 =	vmax.f32 v49, $-1.000000000e+01;
	v53 =	vmin.f32 v27, $-9.000000000e+00;
	[tilespmem:s13+$0x10] =	vst v11  }
0x167: {  	v54 =	vmin.f32 v50, $-9.000000000e+00;
	v19 =	vsub.f32 v27, v48;
	v17 =	vsub.f32 v50, v49;
	v55 =	vld [tilespmem:s8+$0x20]  }
0x168: {  	v24 =	vmax.f32 @p1 v24, $0.0e+00;
	v21 =	vsub.f32 v53, v51;
	v23 =	vsub.f32 v54, v52;
	v56 =	vld [tilespmem:s9+$0x20]  }
0x169: {  	v20 =	vmul.f32 @p1 v24, v20;
	v15 =	vadd.f32 @p1 $1.000000000e+00, v15;
	v17 =	vmul.f32 v17, v19;
	v57 =	vld [tilespmem:s10+$0x20]  }
0x16a: {  	v18 =	vadd.f32 @p1 $9.999999710e-10, v18;
	v58 =	vld [tilespmem:s11+$0x20];
	v21 =	vmax.f32 v21, $0.0e+00;
	v23 =	vmax.f32 v23, $0.0e+00  }
0x16b: {  	v15 =	vsub.f32 @p1 v15, v20;
	v21 =	vmul.f32 v23, v21;
	v17 =	vadd.f32 $1.000000000e+00, v17  }
0x16c: {  	(erf) = vrcp.f32 @p1 v18  }
0x16d: {  	v15 =	vadd.f32 @p1 $9.999999710e-10, v15;
	v17 =	vsub.f32 v17, v21;
	v59 =	vmax.f32 v55, $-1.000000000e+01  }
0x16e: {  	v60 =	vmax.f32 v56, $-1.000000000e+01;
	v61 =	vmin.f32 v57, $-9.000000000e+00;
	v19 =	vsub.f32 v57, v55  }
0x16f: {  	v62 =	vmin.f32 v58, $-9.000000000e+00;
	v24 =	vsub.f32 v58, v56;
	v17 =	vadd.f32 $9.999999710e-10, v17  }
0x170: {  	(erf) = vrcp.f32 @p1 v15;
	v63 =	vsub.f32 v61, v59;
	v25 =	vsub.f32 v62, v60  }
0x171: {  	v19 =	vmul.f32 v24, v19;
	(erf) = vrcp.f32 v17  }
0x172: {  	v15 =	vmax.f32 v63, $0.0e+00;
	v26 =	vmax.f32 v25, $0.0e+00  }
0x173: {  	v15 =	vmul.f32 v26, v15;
	v27 =	vadd.f32 $1.000000000e+00, v19;
	_ =	sdelay $0x1  }
0x174: {  	v17 =	vsub.f32 v27, v15;
	_ =	sdelay $0x1  }
0x175: {  	v17 =	vadd.f32 $9.999999710e-10, v17  }
0x176: {  	v18 =	vpop @p1 (erf)  }
0x177: {  	v28 =	vld [tilespmem:s13+$0xFFFFFFE0];
	v19 =	vpop @p1 (erf);
	(erf) = vrcp.f32 v17  }
0x178: {  	v29 =	vpop (erf)  }
0x179: {  	v17 =	vmul.f32 v29, v21;
	_ =	sdelay $0x1  }
0x17a: {  	vm5 =	vgt.f32 v17, $5.000000000e-01  }
0x17b: {  	v17 =	vsel vm5, $0xBF800000, v28  }
0x17c: {  	v30 =	vld [tilespmem:s13+$0x20];
	[tilespmem:s13+$0xFFFFFFE0] =	vst v17  }
0x17d: {  	v31 =	vld [tilespmem:s8+$0xFFFFFFF0]  }
0x17e: {  	v32 =	vld [tilespmem:s9+$0xFFFFFFF0]  }
0x17f: {  	v33 =	vld [tilespmem:s10+$0xFFFFFFF0];
	v34 =	vpop (erf)  }
0x180: {  	vm3 =	vgt.f32 @p1 v6, v9;
	v35 =	vld [tilespmem:s11+$0xFFFFFFF0];
	v15 =	vmul.f32 v34, v15  }
0x181: {  	v6 =	vsel @p1 vm3, v6, v9  }
0x182: {  	vm0 =	vgt.f32 @p1 v10, v6;
	vm1 =	vgt.f32 v15, $5.000000000e-01  }
0x183: {  	v9 =	vld @p1 [tilespmem:s12+$0xFFFFFFF0];
	v10 =	vsel @p1 vm0, v10, v6;
	v15 =	vmul.f32 @p1 v18, v16;
	v36 =	vsel vm1, $0xBF800000, v30  }
0x184: {  	v37 =	vmax.f32 v31, $-1.000000000e+01;
	v38 =	vmax.f32 v32, $-1.000000000e+01;
	v39 =	vmin.f32 v33, $-9.000000000e+00  }
0x185: {  	v40 =	vmin.f32 v35, $-9.000000000e+00;
	v22 =	vsub.f32 v33, v31;
	v23 =	vsub.f32 v35, v32;
	[tilespmem:s13+$0x20] =	vst v36  }
0x186: {  	vm1 =	vgt.f32 @p1 v14, v10;
	v16 =	vsub.f32 v39, v37;
	v18 =	vsub.f32 v40, v38;
	v41 =	vld [tilespmem:s8+$0x30]  }
0x187: {  	s0 =	simm.s32 $0x40;
	s1 =	sadd.s32 @p2 $0x80, s3;
	vm2 =	vgt.f32 @p1 v15, $5.000000000e-01;
	v10 =	vsel @p1 vm1, v14, v10;
	v42 =	vld [tilespmem:s9+$0x30];
	v43 =	vmul.f32 v23, v22  }
0x188: {  	s0 =	smov.u32 @p2 s1;
	v9 =	vsel @p1 vm2, $0xBF800000, v9;
	v44 =	vld [tilespmem:s10+$0x30];
	v16 =	vmax.f32 v16, $0.0e+00;
	v18 =	vmax.f32 v18, $0.0e+00  }
0x189: {  	s1 =	sadd.s32 @p1 $0xFFFFFFC0, s0;
	s2 =	sadd.s32 @p1 $0xFFFFFFD0, s0;
	v45 =	vld [tilespmem:s11+$0x30];
	vm4 =	vgt.f32 @p1 v9, v10;
	v16 =	vmul.f32 v18, v16;
	v15 =	vadd.f32 $1.000000000e+00, v43  }
0x18a: {  	v23 =	vor.u32 @p1 s2, v0;
	v18 =	vor.u32 @p1 s1, v0;
	v10 =	vsel @p1 vm4, v9, v10  }
0x18b: {  	vm2 =	vgt.f32 @p1 v3, v10;
	v7 =	vsel @p1 vm3, v18, v7;
	v15 =	vsub.f32 v15, v16  }
0x18c: {  	v3 =	vsel @p1 vm2, v3, v10;
	v7 =	vsel @p1 vm0, v23, v7;
	v46 =	vmax.f32 v41, $-1.000000000e+01  }
0x18d: {  	v47 =	vmax.f32 v42, $-1.000000000e+01;
	v48 =	vmin.f32 v44, $-9.000000000e+00;
	v21 =	vsub.f32 v44, v41  }
0x18e: {  	v49 =	vmin.f32 v45, $-9.000000000e+00;
	v14 =	vsub.f32 v45, v42;
	v15 =	vadd.f32 $9.999999710e-10, v15  }
0x18f: {  	v26 =	vld @p1 [tilespmem:s12+$0x30];
	vm3 =	vgt.f32 @p1 v8, v3;
	v10 =	vsub.f32 v48, v46;
	v18 =	vsub.f32 v49, v47  }
0x190: {  	v3 =	vsel @p1 vm3, v8, v3;
	v14 =	vmul.f32 v14, v21;
	(erf) = vrcp.f32 v15  }
0x191: {  	v15 =	vmul.f32 @p1 v19, v20;
	v50 =	vmax.f32 v10, $0.0e+00;
	v51 =	vmax.f32 v18, $0.0e+00  }
0x192: {  	vm0 =	vgt.f32 @p1 v13, v3;
	v8 =	vmul.f32 v51, v50;
	v52 =	vadd.f32 $1.000000000e+00, v14  }
0x193: {  	s1 =	sadd.s32 @p1 $0xFFFFFFE0, s0;
	v3 =	vsel @p1 vm0, v13, v3;
	vm5 =	vgt.f32 @p1 v15, $5.000000000e-01  }
0x194: {  	v15 =	vor.u32 @p1 s1, v0;
	v14 =	vsel @p1 vm5, $0xBF800000, v26;
	v10 =	vsub.f32 v52, v8  }
0x195: {  	s2 =	sadd.s32 @p1 $0xFFFFFFF0, s0;
	v7 =	vsel @p1 vm1, v15, v7;
	vm1 =	vgt.f32 @p1 v14, v3  }
0x196: {  	v13 =	vor.u32 @p1 s2, v0;
	s1 =	sadd.s32 @p1 $0x20, s0;
	v3 =	vsel @p1 vm1, v14, v3;
	v10 =	vadd.f32 $9.999999710e-10, v10  }
0x197: {  	v15 =	vor.u32 @p1 s1, v0;
	v7 =	vsel @p1 vm4, v13, v7;
	v2 =	vpsel p1, v3, v2  }
0x198: {  	s1 =	sadd.s32 @p1 $0x10, s0;
	v13 =	vor.u32 @p1 s0, v0;
	v3 =	vld [tilespmem:s13+$0xFFFFFFF0];
	vm6 =	vgt.f32 v5, v2;
	(erf) = vrcp.f32 v10  }
0x199: {  	s2 =	sadd.s32 @p1 $0x30, s0;
	s0 =	sadd.s32 @p1 $0x80, s0;
	v7 =	vsel @p1 vm2, v13, v7;
	v13 =	vor.u32 @p1 s1, v0;
	v2 =	vsel vm6, v5, v2;
	v53 =	vpop (erf)  }
0x19a: {  	s7 =	smov.u32 @p1 s0;
	v7 =	vsel @p1 vm3, v13, v7;
	vm7 =	vgt.f32 v12, v2;
	v54 =	vmul.f32 v53, v16  }
0x19b: {  	v56 =	vor.u32 s7, v0;
	v10 =	vor.u32 @p1 s2, v0;
	v2 =	vsel vm7, v12, v2  }
0x19c: {  	s0 =	sadd.s32 $0xFFFFFFC0, s7;
	v7 =	vsel @p1 vm0, v15, v7;
	vm9 =	vgt.f32 v17, v2;
	vm8 =	vgt.f32 v54, $5.000000000e-01  }
0x19d: {  	s25 =	sadd.s32 $0xFFFFFFD0, s7;
	v55 =	vor.u32 s0, v0;
	v2 =	vsel vm9, v17, v2;
	v3 =	vsel vm8, $0xBF800000, v3  }
0x19e: {  	s26 =	sadd.s32 $0x20, s7;
	v57 =	vor.u32 s25, v0;
	v5 =	vsel @p1 vm1, v10, v7;
	vm10 =	vgt.f32 v3, v2  }
0x19f: {  	s28 =	sadd.s32 $0xFFFFFFF0, s7;
	v58 =	vor.u32 s26, v0;
	v1 =	vpsel p1, v5, v1;
	v2 =	vsel vm10, v3, v2  }
0x1a0: {  	v59 =	vld [tilespmem:s13+$0x30];
	s29 =	sadd.s32 $0xFFFFFFE0, s7;
	v60 =	vor.u32 s28, v0;
	v1 =	vsel vm6, v55, v1;
	vm11 =	vgt.f32 v4, v2  }
0x1a1: {  	v61 =	vor.u32 s29, v0;
	v1 =	vsel vm7, v57, v1;
	v62 =	vpop (erf);
	v2 =	vsel vm11, v4, v2  }
0x1a2: {  	s30 =	sadd.s32 $0x10, s7;
	v1 =	vsel vm9, v61, v1;
	v4 =	vmul.f32 v62, v8;
	vm12 =	vgt.f32 v11, v2  }
.Ltmp8:
0x1a3: {  	v63 =	vor.u32 s30, v0;
	v1 =	vsel vm10, v60, v1;
	v2 =	vsel vm12, v11, v2;
	(pc) =	sbr.rel .LBB2_7-.Ltmp8, $4  }
0x1a4: {  	[tilespmem:s12+$0xFFFFFFF0] =	vst @p1 v9;
	v1 =	vsel vm11, v56, v1;
	vm14 =	vgt.f32 v4, $5.000000000e-01;
	vm13 =	vgt.f32 v36, v2  }
0x1a5: {  	[tilespmem:s12+$0x30] =	vst @p1 v14;
	s31 =	sadd.s32 $0x30, s7;
	v1 =	vsel vm12, v63, v1;
	v4 =	vsel vm14, $0xBF800000, v59;
	v2 =	vsel vm13, v36, v2  }
0x1a6: {  	v0 =	vor.u32 s31, v0;
	[tilespmem:s13+$0xFFFFFFF0] =	vst v3;
	v3 =	vsel vm13, v58, v1;
	vm15 =	vgt.f32 v4, v2  }
0x1a7: {  	[tilespmem:s13+$0x30] =	vst v4;
	v1 =	vsel vm15, v4, v2;
	v0 =	vsel vm15, v0, v3  }
.LBB2_6:
0x1a8: {  	v0 =	vimm.s32 $0x40000000;
	v1 =	vimm.f32 $-2.000000000e+00  }
.LBB2_7:
0x1a9: {  	p1 =	slt.s32 s6, $0x1  }
.Ltmp9:
0x1aa: {  	_ = 	snop;
	(pc) =	sbr.rel @p1 .LBB2_9-.Ltmp9, $2  }
0x1ab: {  	_ =	sdelay $0x2  }
0x1ac: {  	s6 =	sshll.u32 s5, $0x6  }
0x1ad: {  	v2 =	vld [tilespmem:s6+$0x1900]  }
0x1ae: {  	v3 =	vld [tilespmem:s6+$0x1E80]  }
0x1af: {  	v4 =	vld [tilespmem:s6+$0x2400]  }
0x1b0: {  	v5 =	vld [tilespmem:s6+$0x2980]  }
0x1b1: {  	v6 =	vld [tilespmem:s6+$0x1910]  }
0x1b2: {  	v7 =	vld [tilespmem:s6+$0x1E90]  }
0x1b3: {  	v8 =	vld [tilespmem:s6+$0x2410]  }
0x1b4: {  	v12 =	vld [tilespmem:s6+$0x2990]  }
0x1b5: {  	v32 =	vld [tilespmem:s6+$0x1920]  }
0x1b6: {  	v35 =	vld [tilespmem:s6+$0x1EA0]  }
0x1b7: {  	v36 =	vld [tilespmem:s6+$0x29A0]  }
0x1b8: {  	v38 =	vld [tilespmem:s6+$0x1930]  }
0x1b9: {  	v40 =	vld [tilespmem:s6+$0x2430]  }
0x1ba: {  	v44 =	vld [tilespmem:s6+$0x1EB0];
	v9 =	vmax.f32 v2, $-1.000000000e+01;
	v10 =	vmax.f32 v3, $-1.000000000e+01  }
0x1bb: {  	v46 =	vld [tilespmem:s6+$0x29B0];
	v11 =	vmin.f32 v4, $-9.000000000e+00;
	v13 =	vmin.f32 v5, $-9.000000000e+00;
	v2 =	vsub.f32 v4, v2  }
0x1bc: {  	v3 =	vsub.f32 v5, v3;
	v37 =	vmax.f32 v6, $-1.000000000e+01;
	v14 =	vmin.f32 v8, $-9.000000000e+00  }
0x1bd: {  	v15 =	vmax.f32 v7, $-1.000000000e+01;
	v16 =	vmin.f32 v12, $-9.000000000e+00;
	v6 =	vsub.f32 v8, v6  }
0x1be: {  	v7 =	vsub.f32 v12, v7;
	v41 =	vmax.f32 v32, $-1.000000000e+01;
	v43 =	vmax.f32 v35, $-1.000000000e+01  }
0x1bf: {  	v17 =	vmin.f32 v36, $-9.000000000e+00;
	v47 =	vsub.f32 v36, v35;
	v48 =	vmax.f32 v38, $-1.000000000e+01  }
0x1c0: {  	v49 =	vmin.f32 v40, $-9.000000000e+00;
	v51 =	vsub.f32 v40, v38;
	v53 =	vsub.f32 v46, v44  }
0x1c1: {  	v52 =	vmax.f32 v44, $-1.000000000e+01;
	v33 =	vsub.f32 v11, v9;
	v34 =	vsub.f32 v13, v10  }
0x1c2: {  	v13 =	vsub.f32 v14, v37;
	v39 =	vsub.f32 v16, v15;
	v2 =	vmul.f32 v3, v2;
	v3 =	vld [tilespmem:s6+$0x2420]  }
0x1c3: {  	v54 =	vmin.f32 v46, $-9.000000000e+00;
	v45 =	vsub.f32 v17, v43;
	v10 =	vsub.f32 v49, v48  }
0x1c4: {  	v8 =	vsub.f32 v54, v52;
	v6 =	vmul.f32 v7, v6;
	v5 =	vmax.f32 v33, $0.0e+00  }
0x1c5: {  	v9 =	vmax.f32 v34, $0.0e+00;
	v13 =	vmax.f32 v13, $0.0e+00;
	v7 =	vmax.f32 v45, $0.0e+00  }
0x1c6: {  	v10 =	vmax.f32 v10, $0.0e+00;
	v2 =	vadd.f32 $1.000000000e+00, v2;
	v5 =	vmul.f32 v9, v5  }
0x1c7: {  	v9 =	vmax.f32 v39, $0.0e+00;
	v42 =	vmin.f32 v3, $-9.000000000e+00;
	v3 =	vsub.f32 v3, v32  }
0x1c8: {  	v50 =	vadd.f32 $1.000000000e+00, v6;
	v9 =	vmul.f32 v9, v13;
	v12 =	vsub.f32 v42, v41  }
0x1c9: {  	v8 =	vmax.f32 v8, $0.0e+00;
	v2 =	vsub.f32 v2, v5;
	v3 =	vmul.f32 v47, v3  }
0x1ca: {  	v6 =	vmul.f32 v53, v51;
	v4 =	vsub.f32 v50, v9;
	v12 =	vmax.f32 v12, $0.0e+00  }
0x1cb: {  	v2 =	vadd.f32 $9.999999710e-10, v2;
	v7 =	vmul.f32 v7, v12;
	v3 =	vadd.f32 $1.000000000e+00, v3  }
0x1cc: {  	v8 =	vmul.f32 v8, v10;
	v6 =	vadd.f32 $1.000000000e+00, v6  }
0x1cd: {  	v4 =	vadd.f32 $9.999999710e-10, v4;
	(erf) = vrcp.f32 v2;
	v3 =	vsub.f32 v3, v7;
	_ =	sdelay $0x1  }
0x1ce: {  	(erf) = vrcp.f32 v4;
	v2 =	vadd.f32 $9.999999710e-10, v3;
	v3 =	vsub.f32 v6, v8;
	_ =	sdelay $0x1  }
0x1cf: {  	(erf) = vrcp.f32 v2;
	v2 =	vadd.f32 $9.999999710e-10, v3;
	_ =	sdelay $0x1  }
0x1d0: {  	(erf) = vrcp.f32 v2;
	_ =	sdelay $0x1  }
0x1d1: {  	v2 =	vld [tilespmem:s6+$0x2F00]  }
0x1d2: {  	v3 =	vpop (erf)  }
0x1d3: {  	v55 =	vld [tilespmem:s6+$0x2F10];
	v3 =	vmul.f32 v3, v5  }
0x1d4: {  	v56 =	vpop (erf)  }
0x1d5: {  	v6 =	vmul.f32 v56, v9;
	vm0 =	vgt.f32 v3, $5.000000000e-01  }
0x1d6: {  	v57 =	vld [tilespmem:s6+$0x2F20];
	v2 =	vsel vm0, $0xBF800000, v2;
	v58 =	vpop (erf)  }
0x1d7: {  	vm11 =	vgt.f32 v6, $5.000000000e-01;
	vm2 =	vgt.f32 v2, v1;
	v3 =	vmul.f32 v58, v7  }
0x1d8: {  	v59 =	vld [tilespmem:s6+$0x2F30];
	v4 =	vsel vm11, $0xBF800000, v55;
	v1 =	vsel vm2, v2, v1;
	v60 =	vpop (erf)  }
0x1d9: {  	vm13 =	vgt.f32 v4, v1;
	vm1 =	vgt.f32 v3, $5.000000000e-01;
	v3 =	vmul.f32 v60, v8  }
0x1da: {  	v1 =	vsel vm13, v4, v1  }
0x1db: {  	v5 =	vsel vm1, $0xBF800000, v57;
	vm12 =	vgt.f32 v3, $5.000000000e-01;
	v3 =	vlaneseq.u32  }
0x1dc: {  	s0 =	sor.u32 $0x10, s6;
	vm14 =	vgt.f32 v5, v1;
	v62 =	vor.u32 s6, v3  }
0x1dd: {  	s1 =	sor.u32 $0x20, s6;
	[tilespmem:s6+$0x2F00] =	vst v2;
	v61 =	vsel vm12, $0xBF800000, v59;
	v2 =	vor.u32 s0, v3;
	v0 =	vsel vm2, v62, v0  }
0x1de: {  	s31 =	sor.u32 $0x30, s6;
	[tilespmem:s6+$0x2F10] =	vst v4;
	v1 =	vsel vm14, v5, v1;
	v63 =	vor.u32 s1, v3;
	v0 =	vsel vm13, v2, v0  }
0x1df: {  	[tilespmem:s6+$0x2F20] =	vst v5;
	vm15 =	vgt.f32 v61, v1;
	v2 =	vor.u32 s31, v3;
	v0 =	vsel vm14, v63, v0  }
0x1e0: {  	[tilespmem:s6+$0x2F30] =	vst v61;
	v1 =	vsel vm15, v61, v1;
	v0 =	vsel vm15, v2, v0  }
.LBB2_9:
0x1e1: {  	(xrf0) =	vmax.scan.msk.f32 $0xffff, v1;
	_ =	sdelay $0x5  }
0x1e2: {  	v2, _, _ =	vpop (xrf0)  }
0x1e3: {  	v3 =	vbroadcast v2, $0xF;
	_ =	sdelay $0x1  }
0x1e4: {  	v0 =	vxor.u32 $0x80000000, v0;
	vm0 =	veq.f32 v1, v3  }
0x1e5: {  	v0 =	vnsel vm0, $0xC0000000, v0  }
0x1e6: {  	(xrf0) =	vmin.scan.msk.u32 $0xffff, v0;
	_ =	sdelay $0x5  }
0x1e7: {  	(v2sf) =	vpush v2, $0xF;
	v0, _, _ =	vpop (xrf0)  }
0x1e8: {  	(v2sf) =	vpush v0, $0xF;
	_ =	sdelay $0x8  }
0x1e9: {  	vm1 =	vcmask $0x318;
	vm2 =	vcmask $0x718;
	vm3 =	vcmask $0xB18;
	p2 =	sne.s32 s19, $0x0  }
0x1ea: {  	vm4 =	vcmask $0xF18;
	vm5 =	vcmask $0x1318;
	vm6 =	vmmov @!p2 $0x1  }
.Ltmp10:
0x1eb: {  	vm7 =	vcmask @!p2 $0x314;
	vm8 =	vcmask @!p2 $0x714;
	v0 =	vlaneseq.u32;
	(pc) =	sbr.rel .LBB2_10-.Ltmp10, $4  }
0x1ec: {  	s7 =	sor.u32 $0x10, s6;
	s8 =	sor.u32 $0x20, s6;
	s9 =	sor.u32 $0x30, s6;
	vm9 =	vcmask @!p2 $0xB14;
	vm10 =	vcmask @!p2 $0xF14;
	v5 =	vmul.u32 $0x80, v0  }
0x1ed: {  	v1 =	vor.u32 s9, v0;
	v2 =	vor.u32 s8, v0;
	v3 =	vor.u32 s7, v0  }
0x1ee: {  	s10 =	simm.s32 $0x0;
	s17 =	simm.s32 $0x1;
	v4 =	vor.u32 s6, v0;
	v6 =	vor.u32 $0x1, v5;
	v7 =	vor.u32 $0x2, v5;
	s0 =	spop (v2sf)  }
0x1ef: {  	s18 =	simm.s32 $0x3A80;
	s19 =	simm.s32 $0x0;
	v8 =	vor.u32 $0x3, v5;
	v9 =	vor.u32 $0x4, v5;
	v10 =	vor.u32 $0x5, v5;
	s1 =	spop (v2sf)  }
.LBB2_14:
0x1f0: {  	(xrf0) =	vmax.scan.msk.f32 $0xffff, v16;
	_ =	sdelay $0x5  }
0x1f1: {  	v11, _, _ =	vpop (xrf0)  }
0x1f2: {  	v12 =	vbroadcast v11, $0xF;
	_ =	sdelay $0x1  }
0x1f3: {  	v63 =	vxor.u32 $0x80000000, v15;
	vm0 =	veq.f32 v16, v12  }
0x1f4: {  	v12 =	vnsel vm0, $0xC0000000, v63  }
0x1f5: {  	(xrf0) =	vmin.scan.msk.u32 $0xffff, v12;
	_ =	sdelay $0x5  }
0x1f6: {  	(v2sf) =	vpush v11, $0xF;
	v11, _, _ =	vpop (xrf0)  }
0x1f7: {  	(v2sf) =	vpush v11, $0xF;
	_ =	sdelay $0x8  }
0x1f8: {  	s19 =	sadd.s32 $0x1, s19  }
0x1f9: {  	p3 =	sne.s32 s19, $0x64  }
.Ltmp11:
0x1fa: {  	_ = 	snop;
	(pc) =	sbr.rel @!p3 .LBB2_15-.Ltmp11, $3  }
0x1fb: {  	_ =	sdelay $0x1  }
0x1fc: {  	s0 =	spop (v2sf)  }
0x1fd: {  	s1 =	spop (v2sf)  }
.LBB2_10:
0x1fe: {  	s1 =	sxor.u32 $0x80000000, s1  }
0x1ff: {  	p3 =	slt.s32 s1, $0x50F  }
0x200: {  	s1 =	simm.s32 @!p3 $0x50F  }
0x201: {  	v11 =	vmov s1;
	_ =	sdelay $0x3  }
0x202: {  	s20 =	simm.s32 $0x3480  }
0x203: {  	v12 =	vld.idx.msk [tilespmem:v11+s20+$0x0], $0xffff;
	_ =	sdelay $0x1  }
0x204: {  	s21 =	simm.s32 $0x1900  }
0x205: {  	s22 =	simm.s32 $0x1E80;
	v13 =	vld.idx.msk [tilespmem:v11+s21+$0x0], $0xffff  }
0x206: {  	s23 =	simm.s32 $0x2400;
	v14 =	vld.idx.msk [tilespmem:v11+s22+$0x0], $0xffff  }
0x207: {  	v16 =	vmov s0;
	s24 =	simm.s32 $0x2980;
	vm0 =	vcmask $0x300;
	v15 =	vld.idx.msk [tilespmem:v11+s23+$0x0], $0xffff;
	v12 =	vcvt.s32.f32 v12  }
0x208: {  	v16 =	vnsel vm0, $0x0, v16;
	v11 =	vld.idx.msk [tilespmem:v11+s24+$0x0], $0xffff  }
0x209: {  	v12 =	vsel vm1, v16, v12  }
0x20a: {  	s25 =	sshll.u32 s19, $0xB;
	v12 =	vsel vm2, v12, v13  }
0x20b: {  	s26 =	rddreg [dreg:$0x4];
	s0 =	sand.u32 $0x800, s25;
	v12 =	vsel vm3, v12, v14  }
0x20c: {  	s1 =	sor.u32 s26, s0;
	v12 =	vsel vm4, v12, v15  }
0x20d: {  	s2 =	rddreg [dreg:$0x1];
	s1 =	sshrl.u32 s1, $0x3;
	v11 =	vsel vm5, v12, v11  }
0x20e: {  	s3 =	simm.s32 $0x3A00;
	s1 =	sadd.s32 s1, s2;
	[tilespmem:$0x3A00] =	vst v11  }
0x20f: {  	[hbm4b:s1+s10] =	stream.linear.scatter [tilespmem:s3], [sflag:$0x1], $0x80, $0x38;
	[tilespmem:$0x7680] =	vst v63  }
0x210: {  	_ =	swait.ge [sflag:s17], $0x80  }
0x211: {  	[sflag:s17] =	ssyncset.done $0x0  }
0x212: {  	s0 =	sshrl.u32 s0, $0x3;
	[sflag:s17] =	ssyncadd.s32 $0xFFFFFF80  }
0x213: {  	s0 =	sadd.s32 s0, s2;
	[bflag:$0x0] =	sbarrier.arrive $0xFFFF  }
0x214: {  	[tilespmem:s18], [sflag:$0x1] =	stream.linear.gather [hbm4b:s0+s10], $0x800, $0x38;
	[tilespmem:$0x7680] =	vst v63  }
0x215: {  	_ =	swait.ge [sflag:s17], $0x800  }
0x216: {  	[sflag:s17] =	ssyncset.done $0x0  }
0x217: {  	[sflag:s17] =	ssyncadd.s32 $0xFFFFF800  }
0x218: {  	v11 =	vld.idx.msk [tilespmem:v5+s18+$0x0], $0xffff;
	_ =	sdelay $0x4  }
0x219: {  	(xrf0) =	vmax.scan.msk.f32 $0xffff, v11;
	_ =	sdelay $0x4  }
0x21a: {  	v12 =	vld.idx.msk [tilespmem:v6+s18+$0x0], $0xffff  }
0x21b: {  	v13, _, _ =	vpop (xrf0)  }
0x21c: {  	v14 =	vbroadcast v13, $0xF;
	_ =	sdelay $0x1  }
0x21d: {  	vm11 =	veq.f32 v11, v14  }
0x21e: {  	v11 =	vnsel vm11, $0x4BE4E1C0, v12  }
0x21f: {  	(xrf0) =	vmin.scan.msk.f32 $0xffff, v11;
	_ =	sdelay $0x5  }
0x220: {  	v15 =	vld.idx.msk [tilespmem:v7+s18+$0x0], $0xffff;
	v11, _, _ =	vpop (xrf0)  }
0x221: {  	v63 =	vld.idx.msk [tilespmem:v8+s18+$0x0], $0xffff;
	v11 =	vbroadcast v11, $0xF  }
0x222: {  	v17 =	vld.idx.msk [tilespmem:v9+s18+$0x0], $0xffff  }
0x223: {  	vm12 =	veq.f32 v12, v11;
	v11 =	vld.idx.msk [tilespmem:v10+s18+$0x0], $0xffff  }
0x224: {  	vm11 =	vmand vm11, vm12  }
0x225: {  	v12 =	vnsel vm11, $0xCBE4E1C0, v15  }
0x226: {  	(xrf0) =	vmax.scan.msk.f32 $0xffff, v12;
	v12 =	vnsel vm11, $0xCBE4E1C0, v63  }
0x227: {  	(xrf0) =	vmax.scan.msk.f32 $0xffff, v12;
	v12 =	vnsel vm11, $0xCBE4E1C0, v17  }
0x228: {  	(xrf0) =	vmax.scan.msk.f32 $0xffff, v12;
	v11 =	vnsel vm11, $0xCBE4E1C0, v11  }
0x229: {  	(xrf0) =	vmax.scan.msk.f32 $0xffff, v11;
	_ =	sdelay $0x2  }
0x22a: {  	v11, _, _ =	vpop (xrf0)  }
0x22b: {  	v12, _, _ =	vpop (xrf0);
	(v2sf) =	vpush v11, $0xF  }
0x22c: {  	v15, _, _ =	vpop (xrf0);
	(v2sf) =	vpush v12, $0xF  }
0x22d: {  	(v2sf) =	vpush v15, $0xF;
	v16, _, _ =	vpop (xrf0)  }
0x22e: {  	(v2sf) =	vpush v16, $0xF  }
0x22f: {  	(v2sf) =	vpush @!p2 v13, $0xF;
	_ =	sdelay $0xa  }
0x230: {  	s28 =	spop (v2sf)  }
0x231: {  	v13 =	vbroadcast @!p2 v11, $0xF;
	s29 =	spop (v2sf)  }
0x232: {  	v17 =	vbroadcast @!p2 v12, $0xF;
	s30 =	spop (v2sf)  }
0x233: {  	s4 =	sshll.u32 @!p2 s19, $0x7;
	v19 =	vlaneseq.u32 @!p2;
	v18 =	vbroadcast @!p2 v15, $0xF;
	v13 =	vnsel @!p2 vm6, $0x0, v13;
	s31 =	spop (v2sf)  }
0x234: {  	v19 =	vor.u32 @!p2 s4, v19;
	v13 =	vsel @!p2 vm7, v13, v17;
	v17 =	vbroadcast @!p2 v16, $0xF;
	s4 =	spop @!p2 (v2sf)  }
.Ltmp12:
0x235: {  	v13 =	vsel @!p2 vm8, v13, v18;
	p3 =	sgt.f32 @!p2 s4, $0.0e+00;
	(pc) =	sbr.rel @p0 .LBB2_11-.Ltmp12, $4  }
0x236: {  	v13 =	vsel @!p2 vm9, v13, v17;
	s0 =	ssub.f32 s30, s28  }
0x237: {  	v13 =	vsel @!p2 vm10, v13, v14;
	s1 =	ssub.f32 s31, s29;
	p3 =	por !p3, p2  }
0x238: {  	s2 =	simm.s32 @!p2 $0x4280;
	v12 =	vbroadcast v12, $0xF;
	v11 =	vbroadcast v11, $0xF;
	v13 =	vpsel p3, $0x0, v13  }
0x239: {  	v14 =	vbroadcast v16, $0xF;
	s20 =	smul.f32 s1, s0;
	[tilespmem:v19+s2+$0x0] =	vst.idx.msk @!p2 $0xffff, v13;
	v13 =	vbroadcast v15, $0xF  }
0x23a: {  	s12 =	simm.s32 $0x1940  }
0x23b: {  	s4 =	simm.s32 $0x1EC0;
	v18 =	vld [tilespmem:s12+$0xFFFFFFC0]  }
0x23c: {  	s11 =	simm.s32 $0x2440;
	v19 =	vld [tilespmem:s4+$0xFFFFFFC0]  }
0x23d: {  	s2 =	simm.s32 $0x29C0;
	v20 =	vld [tilespmem:s11+$0xFFFFFFC0]  }
0x23e: {  	v21 =	vld [tilespmem:s2+$0xFFFFFFC0];
	_ =	sdelay $0x3  }
0x23f: {  	v22 =	vmax.f32 v11, v18;
	v23 =	vmax.f32 v12, v19;
	v24 =	vmin.f32 v13, v20  }
0x240: {  	v18 =	vsub.f32 v20, v18;
	v19 =	vsub.f32 v21, v19;
	v57 =	vmin.f32 v14, v21  }
0x241: {  	v58 =	vld [tilespmem:s12+$0x0];
	v22 =	vsub.f32 v24, v22;
	v20 =	vsub.f32 v57, v23  }
0x242: {  	v59 =	vld [tilespmem:s4+$0x0];
	v18 =	vmul.f32 v19, v18  }
0x243: {  	v17 =	vmov s20;
	v24 =	vld [tilespmem:s2+$0x0];
	v22 =	vmax.f32 v22, $0.0e+00;
	v20 =	vmax.f32 v20, $0.0e+00  }
0x244: {  	v19 =	vld [tilespmem:s11+$0x0];
	v29 =	vmul.f32 v20, v22;
	v18 =	vadd.f32 v18, v17;
	_ =	sdelay $0x1  }
0x245: {  	v18 =	vsub.f32 v18, v29  }
0x246: {  	v60 =	vmax.f32 v11, v58  }
0x247: {  	v61 =	vmax.f32 v12, v59;
	v26 =	vmin.f32 v14, v24;
	v18 =	vadd.f32 $9.999999710e-10, v18  }
0x248: {  	v62 =	vsub.f32 v24, v59;
	v25 =	vmin.f32 v13, v19;
	v19 =	vsub.f32 v19, v58  }
0x249: {  	v22 =	vsub.f32 v26, v61;
	v20 =	vsub.f32 v25, v60;
	(erf) = vrcp.f32 v18  }
0x24a: {  	v18 =	vmul.f32 v62, v19  }
0x24b: {  	v63 =	vmax.f32 v22, $0.0e+00;
	v19 =	vmax.f32 v20, $0.0e+00  }
0x24c: {  	v26 =	vmul.f32 v63, v19;
	v18 =	vadd.f32 v18, v17  }
0x24d: {  	p5 =	sgt.s32 s5, $0x2  }
.Ltmp13:
0x24e: {  	v18 =	vsub.f32 v18, v26;
	(pc) =	sbr.rel @!p5 .LBB2_27-.Ltmp13, $4  }
0x24f: {  	_ = 	snop  }
0x250: {  	s3 =	simm.s32 $0x2F40;
	v18 =	vadd.f32 $9.999999710e-10, v18  }
0x251: {  	s21 =	simm.s32 $0x40;
	v31 =	vld [tilespmem:s3+$0x0]  }
0x252: {  	v16 =	vimm.f32 $-2.000000000e+00;
	v15 =	vimm.s32 $0x40000000;
	s29 =	simm.s32 $0x19C0;
	p3 =	por $0x0, $0x0;
	p4 =	por $0x0, $0x0;
	v35 =	vld [tilespmem:s3+$0xFFFFFFC0];
	v32 =	vpop (erf);
	(erf) = vrcp.f32 v18  }
0x253: {  	_ = 	snop  }
0x254: {  	v18 =	vmul.f32 v32, v29;
	_ =	sdelay $0x1  }
0x255: {  	vm11 =	vgt.f32 v18, $5.000000000e-01  }
0x256: {  	v21 =	vsel vm11, $0xBF800000, v35  }
0x257: {  	[tilespmem:s3+$0xFFFFFFC0] =	vst v21  }
0x258: {  	v19 =	vld [tilespmem:s12+$0xFFFFFFD0]  }
0x259: {  	v20 =	vld [tilespmem:s4+$0xFFFFFFD0]  }
0x25a: {  	v22 =	vld [tilespmem:s11+$0xFFFFFFD0];
	v18 =	vpop (erf)  }
0x25b: {  	v23 =	vld [tilespmem:s2+$0xFFFFFFD0];
	v18 =	vmul.f32 v18, v26;
	_ =	sdelay $0x1  }
0x25c: {  	vm11 =	vgt.f32 v18, $5.000000000e-01  }
0x25d: {  	v18 =	vsel vm11, $0xBF800000, v31  }
0x25e: {  	v25 =	vmax.f32 v11, v19;
	v26 =	vmax.f32 v12, v20;
	v27 =	vmin.f32 v13, v22;
	[tilespmem:s3+$0x0] =	vst v18  }
0x25f: {  	v29 =	vmin.f32 v14, v23;
	v19 =	vsub.f32 v22, v19;
	v20 =	vsub.f32 v23, v20;
	v24 =	vld [tilespmem:s12+$0x10]  }
0x260: {  	v23 =	vsub.f32 v27, v25;
	v25 =	vsub.f32 v29, v26;
	v28 =	vld [tilespmem:s4+$0x10]  }
0x261: {  	v19 =	vmul.f32 v20, v19;
	v22 =	vld [tilespmem:s11+$0x10]  }
0x262: {  	v26 =	vld [tilespmem:s2+$0x10];
	v20 =	vmax.f32 v23, $0.0e+00;
	v23 =	vmax.f32 v25, $0.0e+00  }
0x263: {  	v20 =	vmul.f32 v23, v20;
	v19 =	vadd.f32 v19, v17;
	_ =	sdelay $0x1  }
0x264: {  	v19 =	vsub.f32 v19, v20;
	v23 =	vmax.f32 v11, v24  }
0x265: {  	v25 =	vmax.f32 v12, v28;
	v27 =	vmin.f32 v13, v22;
	v22 =	vsub.f32 v22, v24  }
0x266: {  	v24 =	vsub.f32 v26, v28;
	v26 =	vmin.f32 v14, v26;
	v19 =	vadd.f32 $9.999999710e-10, v19  }
0x267: {  	v23 =	vsub.f32 v27, v23;
	v25 =	vsub.f32 v26, v25  }
0x268: {  	v22 =	vmul.f32 v24, v22  }
0x269: {  	s30 =	simm.s32 $0x1F40;
	v24 =	vld [tilespmem:s29+$0xFFFFFFC0];
	(erf) = vrcp.f32 v19;
	v23 =	vmax.f32 v23, $0.0e+00;
	v25 =	vmax.f32 v25, $0.0e+00  }
0x26a: {  	s31 =	simm.s32 $0x24C0;
	v19 =	vld [tilespmem:s30+$0xFFFFFFC0];
	v23 =	vmul.f32 v25, v23;
	v22 =	vadd.f32 v22, v17  }
0x26b: {  	s0 =	simm.s32 $0x2A40;
	v25 =	vld [tilespmem:s31+$0xFFFFFFC0]  }
0x26c: {  	v26 =	vld [tilespmem:s0+$0xFFFFFFC0];
	v22 =	vsub.f32 v22, v23;
	_ =	sdelay $0x1  }
0x26d: {  	v22 =	vadd.f32 $9.999999710e-10, v22  }
0x26e: {  	v27 =	vld [tilespmem:s29+$0x0];
	v29 =	vmax.f32 v12, v19  }
0x26f: {  	v31 =	vmin.f32 v13, v25;
	(erf) = vrcp.f32 v22;
	v22 =	vsub.f32 v25, v24;
	v25 =	vld [tilespmem:s3+$0xFFFFFFD0]  }
0x270: {  	v28 =	vmax.f32 v11, v24;
	v19 =	vsub.f32 v26, v19;
	v24 =	vmin.f32 v14, v26;
	v26 =	vld [tilespmem:s31+$0x0]  }
0x271: {  	v28 =	vsub.f32 v31, v28;
	v31 =	vld [tilespmem:s0+$0x0];
	v24 =	vsub.f32 v24, v29;
	v29 =	vpop (erf)  }
0x272: {  	v30 =	vld [tilespmem:s30+$0x0];
	v19 =	vmul.f32 v19, v22;
	v20 =	vmul.f32 v29, v20  }
0x273: {  	v22 =	vmax.f32 v28, $0.0e+00;
	v24 =	vmax.f32 v24, $0.0e+00  }
0x274: {  	v29 =	vmul.f32 v24, v22;
	v19 =	vadd.f32 v19, v17;
	vm11 =	vgt.f32 v20, $5.000000000e-01  }
0x275: {  	v20 =	vmax.f32 v11, v27;
	v25 =	vsel vm11, $0xBF800000, v25;
	v24 =	vmin.f32 v13, v26  }
0x276: {  	v26 =	vsub.f32 v26, v27;
	v27 =	vld [tilespmem:s3+$0x10];
	v28 =	vmin.f32 v14, v31;
	v19 =	vsub.f32 v19, v29;
	[tilespmem:s3+$0xFFFFFFD0] =	vst v25  }
0x277: {  	v22 =	vmax.f32 v12, v30;
	v30 =	vsub.f32 v31, v30;
	v20 =	vsub.f32 v24, v20;
	v24 =	vld [tilespmem:s12+$0xFFFFFFE0]  }
0x278: {  	v22 =	vsub.f32 v28, v22;
	v31 =	vld [tilespmem:s4+$0xFFFFFFE0];
	v19 =	vadd.f32 $9.999999710e-10, v19  }
0x279: {  	v30 =	vmul.f32 v30, v26;
	v63 =	vld [tilespmem:s11+$0xFFFFFFE0];
	v20 =	vmax.f32 v20, $0.0e+00;
	v28 =	vpop (erf)  }
0x27a: {  	v22 =	vmax.f32 v22, $0.0e+00;
	v23 =	vmul.f32 v28, v23;
	(erf) = vrcp.f32 v19;
	v19 =	vld [tilespmem:s2+$0xFFFFFFE0]  }
0x27b: {  	v26 =	vmul.f32 v22, v20;
	v20 =	vadd.f32 v30, v17  }
0x27c: {  	vm11 =	vgt.f32 v23, $5.000000000e-01  }
0x27d: {  	s26 =	simm.s32 $0x2FC0;
	v20 =	vsub.f32 v20, v26;
	v23 =	vsel vm11, $0xBF800000, v27  }
0x27e: {  	p5 =	sgt.s32 s5, $0x4;
	v35 =	vld [tilespmem:s26+$0xFFFFFFC0];
	v22 =	vmax.f32 v11, v24;
	v28 =	vmin.f32 v13, v63;
	v24 =	vsub.f32 v63, v24;
	[tilespmem:s3+$0x10] =	vst v23  }
.Ltmp14:
0x27f: {  	v27 =	vmax.f32 v12, v31;
	v33 =	vld [tilespmem:s12+$0x20];
	v30 =	vmin.f32 v14, v19;
	v19 =	vsub.f32 v19, v31;
	(pc) =	sbr.rel @!p5 .LBB2_29-.Ltmp14, $4  }
0x280: {  	v22 =	vsub.f32 v28, v22;
	v34 =	vld [tilespmem:s4+$0x20];
	v27 =	vsub.f32 v30, v27  }
0x281: {  	v20 =	vadd.f32 $9.999999710e-10, v20;
	v36 =	vld [tilespmem:s11+$0x20];
	v19 =	vmul.f32 v19, v24  }
0x282: {  	v37 =	vld [tilespmem:s2+$0x20];
	v22 =	vmax.f32 v22, $0.0e+00;
	v24 =	vmax.f32 v27, $0.0e+00  }
0x283: {  	s22 =	simm.s32 $0x1A40;
	p3 =	por $0x1, $0x1;
	v31 =	vld [tilespmem:s26+$0x0];
	v32 =	vpop (erf);
	v30 =	vmul.f32 v24, v22;
	v38 =	vadd.f32 v19, v17;
	(erf) = vrcp.f32 v20  }
0x284: {  	_ = 	snop  }
0x285: {  	v20 =	vld [tilespmem:s22+$0x0]  }
0x286: {  	s23 =	simm.s32 $0x1FC0;
	v59 =	vld [tilespmem:s22+$0xFFFFFFC0];
	v19 =	vsub.f32 v38, v30  }
0x287: {  	v22 =	vmax.f32 v11, v33;
	s24 =	simm.s32 $0x2540;
	v29 =	vmul.f32 v32, v29;
	v27 =	vld [tilespmem:s23+$0x0];
	v24 =	vmax.f32 v12, v34  }
0x288: {  	s25 =	simm.s32 $0x2AC0;
	v55 =	vld [tilespmem:s24+$0x0];
	v28 =	vmin.f32 v13, v36;
	v54 =	vsub.f32 v36, v33;
	v19 =	vadd.f32 $9.999999710e-10, v19  }
0x289: {  	v58 =	vld [tilespmem:s25+$0x0];
	vm11 =	vgt.f32 v29, $5.000000000e-01;
	v56 =	vmin.f32 v14, v37;
	v57 =	vsub.f32 v37, v34  }
0x28a: {  	s1 =	simm.s32 $0x60;
	v39 =	vld [tilespmem:s23+$0xFFFFFFC0];
	v22 =	vsub.f32 v28, v22;
	v28 =	vsub.f32 v56, v24;
	(erf) = vrcp.f32 v19  }
0x28b: {  	s14 =	simm.s32 $0x50;
	v40 =	vld [tilespmem:s25+$0xFFFFFFC0];
	v32 =	vor.u32 s1, v0;
	v60 =	vmul.f32 v57, v54;
	v19 =	vsel vm11, $0xBF800000, v35  }
0x28c: {  	v29 =	vld [tilespmem:s24+$0xFFFFFFC0];
	v33 =	vor.u32 s14, v0;
	v22 =	vmax.f32 v22, $0.0e+00;
	v28 =	vmax.f32 v28, $0.0e+00;
	[tilespmem:s26+$0xFFFFFFC0] =	vst v19;
	v42 =	vpop (erf)  }
0x28d: {  	s13 =	simm.s32 $0x30;
	v35 =	vmul.f32 v28, v22;
	v28 =	vadd.f32 v60, v17;
	v41 =	vld [tilespmem:s29+$0xFFFFFFD0];
	v26 =	vmul.f32 v42, v26  }
0x28e: {  	v34 =	vor.u32 s13, v0;
	v44 =	vmax.f32 v11, v20;
	v61 =	vmax.f32 v12, v27;
	v45 =	vld [tilespmem:s30+$0xFFFFFFD0]  }
0x28f: {  	v46 =	vmin.f32 v13, v55;
	v47 =	vld [tilespmem:s31+$0xFFFFFFD0];
	v43 =	vsub.f32 v28, v35;
	vm11 =	vgt.f32 v26, $5.000000000e-01  }
0x290: {  	v36 =	vsub.f32 v55, v20;
	v38 =	vsub.f32 v40, v39;
	v49 =	vld [tilespmem:s0+$0xFFFFFFD0];
	v20 =	vsel vm11, $0xBF800000, v31  }
0x291: {  	v48 =	vmin.f32 v14, v58;
	v43 =	vadd.f32 $9.999999710e-10, v43;
	v26 =	vsub.f32 v58, v27;
	v27 =	vld [tilespmem:s3+$0xFFFFFFE0];
	[tilespmem:s26+$0x0] =	vst v20  }
0x292: {  	v37 =	vmax.f32 v12, v39;
	v44 =	vsub.f32 v46, v44;
	v42 =	vsub.f32 v48, v61;
	v39 =	vld [tilespmem:s29+$0x10]  }
0x293: {  	v31 =	vmax.f32 v11, v59;
	v62 =	vmax.f32 v11, v41;
	(erf) = vrcp.f32 v43;
	v50 =	vpop (erf);
	v51 =	vld [tilespmem:s30+$0x10]  }
0x294: {  	v63 =	vmax.f32 v12, v45;
	v52 =	vmin.f32 v13, v47;
	v54 =	vld [tilespmem:s31+$0x10];
	v30 =	vmul.f32 v50, v30  }
0x295: {  	v53 =	vmin.f32 v14, v49;
	v56 =	vsub.f32 v49, v45;
	v43 =	vmin.f32 v13, v29;
	v45 =	vld [tilespmem:s0+$0x10]  }
0x296: {  	v57 =	vsub.f32 v52, v62;
	v58 =	vsub.f32 v53, v63;
	vm11 =	vgt.f32 v30, $5.000000000e-01  }
0x297: {  	v29 =	vsub.f32 v29, v59;
	v30 =	vsub.f32 v47, v41;
	v47 =	vsel vm11, $0xBF800000, v27  }
0x298: {  	v59 =	vld [tilespmem:s3+$0x20];
	v46 =	vmax.f32 v58, $0.0e+00;
	v27 =	vmin.f32 v14, v40;
	v40 =	vmax.f32 v57, $0.0e+00;
	[tilespmem:s3+$0xFFFFFFE0] =	vst v47  }
0x299: {  	v30 =	vmul.f32 v56, v30;
	v60 =	vmax.f32 v11, v39;
	v61 =	vmax.f32 v12, v51;
	v52 =	vld [tilespmem:s4+$0xFFFFFFF0]  }
0x29a: {  	v40 =	vmul.f32 v46, v40;
	v39 =	vsub.f32 v54, v39;
	v51 =	vsub.f32 v45, v51;
	v63 =	vld [tilespmem:s11+$0xFFFFFFF0]  }
0x29b: {  	v62 =	vmin.f32 v13, v54;
	v45 =	vmin.f32 v14, v45;
	v57 =	vld [tilespmem:s2+$0xFFFFFFF0];
	v30 =	vadd.f32 v30, v17  }
0x29c: {  	v48 =	vld [tilespmem:s12+$0xFFFFFFF0];
	v41 =	vsub.f32 v62, v60;
	v45 =	vsub.f32 v45, v61;
	v39 =	vmul.f32 v51, v39;
	v55 =	vpop (erf)  }
0x29d: {  	v24 =	vor.u32 s21, v0;
	v35 =	vmul.f32 v55, v35;
	v30 =	vsub.f32 v30, v40  }
0x29e: {  	v58 =	vmax.f32 v41, $0.0e+00;
	v45 =	vmax.f32 v45, $0.0e+00;
	v39 =	vadd.f32 v39, v17  }
0x29f: {  	vm11 =	vgt.f32 v35, $5.000000000e-01;
	v30 =	vadd.f32 $9.999999710e-10, v30;
	v60 =	vmax.f32 v12, v52  }
0x2a0: {  	v61 =	vmin.f32 v13, v63;
	v62 =	vmin.f32 v14, v57;
	v41 =	vsel vm11, $0xBF800000, v59  }
0x2a1: {  	v52 =	vsub.f32 v57, v52;
	v59 =	vmax.f32 v11, v48;
	v48 =	vsub.f32 v63, v48;
	[tilespmem:s3+$0x20] =	vst v41  }
0x2a2: {  	s28 =	simm.s32 $0x70;
	v35 =	vmul.f32 v45, v58;
	v49 =	vsub.f32 v62, v60;
	v46 =	vsub.f32 v61, v59;
	v63 =	vld [tilespmem:s12+$0x30]  }
0x2a3: {  	v22 =	vor.u32 s28, v0;
	(erf) = vrcp.f32 v30;
	v54 =	vld [tilespmem:s4+$0x30];
	v55 =	vmul.f32 v52, v48  }
0x2a4: {  	v39 =	vsub.f32 v39, v35;
	v56 =	vld [tilespmem:s11+$0x30];
	v57 =	vmax.f32 v49, $0.0e+00;
	v30 =	vmax.f32 v46, $0.0e+00  }
0x2a5: {  	v31 =	vsub.f32 v43, v31;
	v58 =	vld [tilespmem:s2+$0x30];
	v30 =	vmul.f32 v57, v30;
	v45 =	vadd.f32 v55, v17  }
0x2a6: {  	v38 =	vmul.f32 v38, v29;
	v29 =	vmul.f32 v26, v36;
	v26 =	vadd.f32 $9.999999710e-10, v39  }
0x2a7: {  	v42 =	vmax.f32 v42, $0.0e+00;
	v31 =	vmax.f32 v31, $0.0e+00;
	v59 =	vsub.f32 v45, v30  }
0x2a8: {  	v27 =	vsub.f32 v27, v37;
	(erf) = vrcp.f32 v26;
	v60 =	vmax.f32 v11, v63  }
0x2a9: {  	v61 =	vmax.f32 v12, v54;
	v62 =	vmin.f32 v13, v56;
	v36 =	vadd.f32 $9.999999710e-10, v59  }
0x2aa: {  	v63 =	vsub.f32 v56, v63;
	v52 =	vmin.f32 v14, v58;
	v49 =	vsub.f32 v58, v54  }
0x2ab: {  	v26 =	vsub.f32 v62, v60;
	v53 =	vsub.f32 v52, v61;
	(erf) = vrcp.f32 v36  }
0x2ac: {  	v27 =	vmax.f32 v27, $0.0e+00;
	v55 =	vmax.f32 v44, $0.0e+00;
	v56 =	vld [tilespmem:s26+$0xFFFFFFD0];
	v54 =	vmul.f32 v49, v63  }
0x2ad: {  	v58 =	vadd.f32 v29, v17;
	v26 =	vmax.f32 v26, $0.0e+00;
	v39 =	vmax.f32 v53, $0.0e+00;
	v57 =	vpop (erf)  }
0x2ae: {  	v39 =	vmul.f32 v39, v26;
	v37 =	vadd.f32 v54, v17;
	v40 =	vmul.f32 v57, v40  }
0x2af: {  	s16 =	simm.s32 $0x20;
	v29 =	vmul.f32 v27, v31;
	v31 =	vadd.f32 v38, v17;
	v26 =	vmul.f32 v42, v55  }
0x2b0: {  	v28 =	vor.u32 s16, v0;
	v37 =	vsub.f32 v37, v39;
	vm11 =	vgt.f32 v40, $5.000000000e-01  }
0x2b1: {  	s15 =	simm.s32 $0x0;
	s16 =	simm.s32 $0x10;
	v59 =	vld [tilespmem:s3+$0xFFFFFFF0];
	v31 =	vsub.f32 v31, v29;
	v36 =	vsub.f32 v58, v26;
	v27 =	vsel vm11, $0xBF800000, v56  }
0x2b2: {  	v60 =	vld [tilespmem:s26+$0x10];
	v61 =	vor.u32 s15, v0;
	v62 =	vor.u32 s16, v0;
	v37 =	vadd.f32 $9.999999710e-10, v37;
	[tilespmem:s26+$0xFFFFFFD0] =	vst v27  }
0x2b3: {  	v31 =	vadd.f32 $9.999999710e-10, v31;
	v52 =	vpop (erf);
	vm11 =	vgt.f32 v21, v16;
	v44 =	vadd.f32 $9.999999710e-10, v36;
	v63 =	vld [tilespmem:s29+$0xFFFFFFE0]  }
0x2b4: {  	v21 =	vsel vm11, v21, v16;
	v35 =	vmul.f32 v52, v35;
	v53 =	vld [tilespmem:s30+$0xFFFFFFE0];
	(erf) = vrcp.f32 v37;
	v54 =	vpop (erf)  }
0x2b5: {  	v42 =	vsel vm11, v61, v15;
	v55 =	vld [tilespmem:s31+$0xFFFFFFE0];
	vm11 =	vgt.f32 v25, v21;
	v30 =	vmul.f32 v54, v30  }
0x2b6: {  	v21 =	vsel vm11, v25, v21;
	v25 =	vsel vm11, v62, v42;
	vm11 =	vgt.f32 v35, $5.000000000e-01  }
0x2b7: {  	(erf) = vrcp.f32 v31;
	v31 =	vld [tilespmem:s0+$0xFFFFFFE0];
	vm12 =	vgt.f32 v47, v21;
	vm13 =	vgt.f32 v30, $5.000000000e-01  }
0x2b8: {  	v21 =	vsel vm12, v47, v21;
	v25 =	vsel vm12, v28, v25;
	v30 =	vsel vm13, $0xBF800000, v59  }
0x2b9: {  	v28 =	vsel vm11, $0xBF800000, v60;
	v56 =	vmax.f32 v11, v63;
	vm11 =	vgt.f32 v30, v21  }
0x2ba: {  	v57 =	vmax.f32 v12, v53;
	v58 =	vmin.f32 v13, v55;
	v21 =	vsel vm11, v30, v21  }
0x2bb: {  	v61 =	vsub.f32 v55, v63;
	v25 =	vsel vm11, v34, v25;
	vm11 =	vgt.f32 v18, v21  }
0x2bc: {  	v60 =	vld [tilespmem:s3+$0x30];
	v59 =	vmin.f32 v14, v31;
	v18 =	vsel vm11, v18, v21;
	v21 =	vsel vm11, v24, v25  }
0x2bd: {  	[tilespmem:s26+$0x10] =	vst v28;
	v24 =	vpop (erf);
	v25 =	vsub.f32 v31, v53;
	v31 =	vsub.f32 v58, v56;
	vm11 =	vgt.f32 v23, v18  }
0x2be: {  	p5 =	sgt.s32 s5, $0x6;
	v36 =	vld [tilespmem:s31+$0x20];
	v24 =	vmul.f32 v24, v39;
	v18 =	vsel vm11, v23, v18;
	v21 =	vsel vm11, v33, v21  }
.Ltmp15:
0x2bf: {  	v33 =	vld [tilespmem:s29+$0x20];
	v23 =	vsub.f32 v59, v57;
	v63 =	vmax.f32 v31, $0.0e+00;
	vm11 =	vgt.f32 v41, v18;
	(pc) =	sbr.rel @!p5 .LBB2_31-.Ltmp15, $4  }
0x2c0: {  	v34 =	vld [tilespmem:s30+$0x20];
	v25 =	vmul.f32 v25, v61;
	vm12 =	vgt.f32 v24, $5.000000000e-01;
	v18 =	vsel vm11, v41, v18  }
0x2c1: {  	p4 =	por $0x1, $0x1;
	s28 =	simm.s32 $0x3040;
	v37 =	vld [tilespmem:s0+$0x20];
	v21 =	vsel vm11, v32, v21;
	v62 =	vsel vm12, $0xBF800000, v60;
	v23 =	vmax.f32 v23, $0.0e+00  }
0x2c2: {  	s1 =	simm.s32 $0x40;
	s2 =	simm.s32 $0x6;
	s4 =	simm.s32 $0x1AC0;
	v35 =	vld [tilespmem:s28+$0xFFFFFFC0];
	[tilespmem:s3+$0xFFFFFFF0] =	vst v30;
	v38 =	vadd.f32 v25, v17;
	vm11 =	vgt.f32 v62, v18;
	v30 =	vmul.f32 v23, v63  }
0x2c3: {  	s11 =	simm.s32 $0x1FC0;
	s12 =	simm.s32 $0x2AC0;
	v31 =	vld [tilespmem:s28+$0x0];
	v32 =	vpop (erf);
	(erf) = vrcp.f32 v44;
	[tilespmem:s3+$0x30] =	vst v62;
	s3 =	simm.s32 $0x2540;
	v24 =	vsel vm11, v62, v18;
	v22 =	vsel vm11, v22, v21  }
.LBB2_32:
0x2c4: {  	v39 =	vld [tilespmem:s4+$0x0];
	s11 =	sadd.s32 $0x80, s11;
	v18 =	vsub.f32 v38, v30;
	v21 =	vmax.f32 v11, v33  }
0x2c5: {  	s3 =	sadd.s32 $0x80, s3;
	v23 =	vmax.f32 v12, v34;
	v38 =	vld [tilespmem:s11+$0x0];
	v25 =	vmin.f32 v13, v36;
	v33 =	vsub.f32 v36, v33  }
0x2c6: {  	s12 =	sadd.s32 $0x80, s12;
	v36 =	vld [tilespmem:s3+$0x0];
	v18 =	vadd.f32 $9.999999710e-10, v18;
	v40 =	vmin.f32 v14, v37;
	v34 =	vsub.f32 v37, v34  }
0x2c7: {  	v29 =	vmul.f32 v32, v29;
	s1 =	sadd.s32 $0x80, s1;
	v21 =	vsub.f32 v25, v21;
	v37 =	vld [tilespmem:s12+$0x0];
	v25 =	vsub.f32 v40, v23  }
0x2c8: {  	v23 =	vor.u32 s1, v0;
	v40 =	vld [tilespmem:s4+$0xFFFFFFC0];
	v32 =	vmul.f32 v34, v33;
	(erf) = vrcp.f32 v18  }
0x2c9: {  	vm11 =	vgt.f32 v29, $5.000000000e-01;
	v18 =	vmax.f32 v21, $0.0e+00;
	v41 =	vld [tilespmem:s11+$0xFFFFFFC0];
	v21 =	vmax.f32 v25, $0.0e+00  }
0x2ca: {  	s13 =	sadd.s32 $0x20, s1;
	s14 =	sadd.s32 $0x30, s1;
	v33 =	vsel vm11, $0xBF800000, v35;
	v29 =	vld [tilespmem:s3+$0xFFFFFFC0];
	v42 =	vmul.f32 v21, v18;
	v34 =	vadd.f32 v32, v17  }
0x2cb: {  	s15 =	sadd.s32 $0xFFFFFFF0, s1;
	s16 =	sadd.s32 $0x10, s1;
	v21 =	vor.u32 s13, v0;
	v18 =	vor.u32 s14, v0;
	v43 =	vld [tilespmem:s12+$0xFFFFFFC0];
	[tilespmem:s28+$0xFFFFFFC0] =	vst v33  }
0x2cc: {  	v25 =	vor.u32 s16, v0;
	s13 =	sadd.s32 $0xFFFFFFE0, s1;
	v32 =	vor.u32 s15, v0;
	v35 =	vld [tilespmem:s22+$0xFFFFFFD0];
	v44 =	vpop (erf);
	v45 =	vsub.f32 v34, v42  }
0x2cd: {  	v46 =	vmax.f32 v11, v39;
	v34 =	vor.u32 s13, v0;
	v47 =	vld [tilespmem:s23+$0xFFFFFFD0];
	v26 =	vmul.f32 v44, v26  }
0x2ce: {  	v48 =	vmin.f32 v13, v36;
	v44 =	vmax.f32 v12, v38;
	v49 =	vld [tilespmem:s24+$0xFFFFFFD0];
	v45 =	vadd.f32 $9.999999710e-10, v45  }
0x2cf: {  	v36 =	vsub.f32 v36, v39;
	v50 =	vmin.f32 v14, v37;
	v39 =	vld [tilespmem:s25+$0xFFFFFFD0];
	vm11 =	vgt.f32 v26, $5.000000000e-01  }
0x2d0: {  	v26 =	vsub.f32 v37, v38;
	v31 =	vsel vm11, $0xBF800000, v31;
	v37 =	vld [tilespmem:s26+$0xFFFFFFE0];
	(erf) = vrcp.f32 v45  }
0x2d1: {  	v38 =	vmax.f32 v11, v40;
	v51 =	vmin.f32 v13, v29;
	v45 =	vmax.f32 v12, v41;
	[tilespmem:s28+$0x0] =	vst v31;
	v52 =	vpop (erf)  }
0x2d2: {  	v29 =	vsub.f32 v29, v40;
	v40 =	vsub.f32 v43, v41;
	v41 =	vld [tilespmem:s22+$0x10];
	v30 =	vmul.f32 v52, v30  }
0x2d3: {  	v46 =	vsub.f32 v48, v46;
	v48 =	vmax.f32 v11, v35;
	v52 =	vmax.f32 v12, v47;
	v53 =	vld [tilespmem:s23+$0x10]  }
0x2d4: {  	v54 =	vmin.f32 v13, v49;
	v55 =	vmin.f32 v14, v39;
	v56 =	vld [tilespmem:s24+$0x10];
	vm11 =	vgt.f32 v30, $5.000000000e-01  }
0x2d5: {  	v30 =	vsub.f32 v49, v35;
	v39 =	vsub.f32 v39, v47;
	v47 =	vld [tilespmem:s25+$0x10];
	v35 =	vsel vm11, $0xBF800000, v37  }
0x2d6: {  	v37 =	vmin.f32 v14, v43;
	v43 =	vsub.f32 v54, v48;
	v48 =	vsub.f32 v55, v52;
	[tilespmem:s26+$0xFFFFFFE0] =	vst v35;
	v49 =	vld [tilespmem:s26+$0x20]  }
0x2d7: {  	v44 =	vsub.f32 v50, v44;
	v30 =	vmul.f32 v39, v30;
	v39 =	vmax.f32 v11, v41;
	v50 =	vld [tilespmem:s29+$0xFFFFFFF0]  }
0x2d8: {  	v43 =	vmax.f32 v43, $0.0e+00;
	v48 =	vmax.f32 v48, $0.0e+00;
	v52 =	vmax.f32 v12, v53;
	v54 =	vld [tilespmem:s30+$0xFFFFFFF0]  }
0x2d9: {  	v43 =	vmul.f32 v48, v43;
	v30 =	vadd.f32 v30, v17;
	v48 =	vmin.f32 v13, v56;
	v55 =	vld [tilespmem:s31+$0xFFFFFFF0];
	v57 =	vpop (erf)  }
0x2da: {  	v41 =	vsub.f32 v56, v41;
	v53 =	vsub.f32 v47, v53;
	v56 =	vld [tilespmem:s0+$0xFFFFFFF0];
	v42 =	vmul.f32 v57, v42  }
0x2db: {  	v30 =	vsub.f32 v30, v43;
	v47 =	vmin.f32 v14, v47;
	v39 =	vsub.f32 v48, v39  }
0x2dc: {  	v47 =	vsub.f32 v47, v52;
	v41 =	vmul.f32 v53, v41;
	vm11 =	vgt.f32 v42, $5.000000000e-01  }
0x2dd: {  	v42 =	vadd.f32 $9.999999710e-10, v30;
	v39 =	vmax.f32 v39, $0.0e+00;
	v30 =	vsel vm11, $0xBF800000, v49  }
0x2de: {  	v48 =	vmax.f32 v11, v50;
	v49 =	vmax.f32 v12, v54;
	v52 =	vmin.f32 v13, v55;
	[tilespmem:s26+$0x20] =	vst v30  }
0x2df: {  	v50 =	vsub.f32 v55, v50;
	v53 =	vmin.f32 v14, v56;
	v54 =	vsub.f32 v56, v54;
	v55 =	vld [tilespmem:s29+$0x30];
	s29 =	smov.u32 s22;
	s22 =	smov.u32 s4  }
0x2e0: {  	v47 =	vmax.f32 v47, $0.0e+00;
	v48 =	vsub.f32 v52, v48;
	v49 =	vsub.f32 v53, v49;
	v52 =	vld [tilespmem:s30+$0x30];
	s30 =	smov.u32 s23;
	s23 =	smov.u32 s11  }
0x2e1: {  	v39 =	vmul.f32 v47, v39;
	v41 =	vadd.f32 v41, v17;
	v47 =	vmul.f32 v54, v50;
	v50 =	vld [tilespmem:s31+$0x30];
	s31 =	smov.u32 s24;
	s24 =	smov.u32 s3  }
0x2e2: {  	(erf) = vrcp.f32 v42;
	v42 =	vmax.f32 v48, $0.0e+00;
	v48 =	vmax.f32 v49, $0.0e+00;
	v49 =	vld [tilespmem:s0+$0x30];
	s0 =	smov.u32 s25;
	s25 =	smov.u32 s12  }
0x2e3: {  	v41 =	vsub.f32 v41, v39;
	v42 =	vmul.f32 v48, v42;
	v47 =	vadd.f32 v47, v17  }
0x2e4: {  	v38 =	vsub.f32 v51, v38;
	v40 =	vmul.f32 v40, v29;
	v29 =	vmul.f32 v26, v36  }
0x2e5: {  	v26 =	vadd.f32 $9.999999710e-10, v41;
	v41 =	vmax.f32 v11, v55;
	v36 =	vsub.f32 v47, v42  }
0x2e6: {  	v47 =	vmax.f32 v12, v52;
	v48 =	vmin.f32 v13, v50;
	v50 =	vsub.f32 v50, v55  }
0x2e7: {  	v36 =	vadd.f32 $9.999999710e-10, v36;
	v51 =	vmin.f32 v14, v49;
	v49 =	vsub.f32 v49, v52  }
0x2e8: {  	(erf) = vrcp.f32 v26;
	v26 =	vsub.f32 v48, v41;
	v41 =	vsub.f32 v51, v47  }
0x2e9: {  	v37 =	vsub.f32 v37, v45;
	v45 =	vmul.f32 v49, v50;
	(erf) = vrcp.f32 v36  }
0x2ea: {  	v36 =	vmax.f32 v46, $0.0e+00;
	v46 =	vld [tilespmem:s28+$0xFFFFFFD0];
	v26 =	vmax.f32 v26, $0.0e+00;
	v41 =	vmax.f32 v41, $0.0e+00  }
0x2eb: {  	v44 =	vmax.f32 v44, $0.0e+00;
	v47 =	vpop (erf);
	v41 =	vmul.f32 v41, v26;
	v45 =	vadd.f32 v45, v17  }
0x2ec: {  	v38 =	vmax.f32 v38, $0.0e+00;
	v37 =	vmax.f32 v37, $0.0e+00;
	v43 =	vmul.f32 v47, v43  }
0x2ed: {  	v26 =	vmul.f32 v44, v36;
	v36 =	vadd.f32 v29, v17;
	v44 =	vsub.f32 v45, v41  }
0x2ee: {  	v29 =	vmul.f32 v37, v38;
	v37 =	vadd.f32 v40, v17;
	vm11 =	vgt.f32 v43, $5.000000000e-01  }
0x2ef: {  	s14 =	sadd.s32 $0xFFFFFFD0, s1;
	s13 =	sadd.s32 $0xFFFFFFC0, s1;
	v36 =	vsub.f32 v36, v26;
	v38 =	vsel vm11, $0xBF800000, v46;
	v40 =	vld [tilespmem:s26+$0xFFFFFFF0];
	v43 =	vadd.f32 $9.999999710e-10, v44  }
0x2f0: {  	v37 =	vsub.f32 v37, v29;
	v45 =	vor.u32 s13, v0;
	v46 =	vor.u32 s14, v0;
	[tilespmem:s28+$0xFFFFFFD0] =	vst v38;
	v44 =	vld [tilespmem:s28+$0x10]  }
0x2f1: {  	v47 =	vadd.f32 $9.999999710e-10, v36;
	vm11 =	vgt.f32 v19, v24;
	v36 =	vld [tilespmem:s29+$0xFFFFFFE0];
	v48 =	vpop (erf);
	(erf) = vrcp.f32 v43  }
0x2f2: {  	v37 =	vadd.f32 $9.999999710e-10, v37;
	v24 =	vsel vm11, v19, v24;
	v22 =	vsel vm11, v45, v22;
	v43 =	vld [tilespmem:s30+$0xFFFFFFE0];
	v19 =	vpop (erf)  }
0x2f3: {  	vm11 =	vgt.f32 v27, v24;
	v39 =	vmul.f32 v48, v39;
	v45 =	vld [tilespmem:s31+$0xFFFFFFE0];
	v42 =	vmul.f32 v19, v42;
	v19 =	vmovc v33  }
0x2f4: {  	v24 =	vsel vm11, v27, v24;
	v22 =	vsel vm11, v46, v22;
	v27 =	vmovc v38;
	(erf) = vrcp.f32 v37;
	v33 =	vld [tilespmem:s0+$0xFFFFFFE0]  }
0x2f5: {  	vm12 =	vgt.f32 v35, v24;
	vm11 =	vgt.f32 v39, $5.000000000e-01;
	vm13 =	vgt.f32 v42, $5.000000000e-01  }
0x2f6: {  	v24 =	vsel vm12, v35, v24;
	v22 =	vsel vm12, v34, v22;
	v34 =	vsel vm13, $0xBF800000, v40  }
0x2f7: {  	v37 =	vsel vm11, $0xBF800000, v44;
	v35 =	vmax.f32 v11, v36;
	[tilespmem:s26+$0xFFFFFFF0] =	vst v34;
	vm11 =	vgt.f32 v34, v24  }
0x2f8: {  	v38 =	vmax.f32 v12, v43;
	v24 =	vsel vm11, v34, v24;
	v22 =	vsel vm11, v32, v22  }
0x2f9: {  	v32 =	vmin.f32 v13, v45;
	v34 =	vmin.f32 v14, v33;
	vm11 =	vgt.f32 v20, v24;
	v39 =	vld [tilespmem:s26+$0x30]  }
0x2fa: {  	v36 =	vsub.f32 v45, v36;
	v24 =	vsel vm11, v20, v24;
	v22 =	vsel vm11, v23, v22;
	v20 =	vpop (erf)  }
0x2fb: {  	v23 =	vsub.f32 v33, v43;
	vm11 =	vgt.f32 v28, v24;
	v40 =	vmul.f32 v20, v41;
	v20 =	vmovc v31  }
0x2fc: {  	s2 =	sadd.s32 $0x2, s2;
	v31 =	vsub.f32 v32, v35;
	[tilespmem:s28+$0x10] =	vst v37;
	v24 =	vsel vm11, v28, v24;
	v22 =	vsel vm11, v25, v22  }
0x2fd: {  	p5 =	slt.s32 s2, s5;
	v25 =	vsub.f32 v34, v38;
	v32 =	vpop (erf);
	v33 =	vld [tilespmem:s29+$0x20];
	vm11 =	vgt.f32 v30, v24;
	vm12 =	vgt.f32 v40, $5.000000000e-01  }
.Ltmp16:
0x2fe: {  	v28 =	vmovc v37;
	v34 =	vld [tilespmem:s30+$0x20];
	v24 =	vsel vm11, v30, v24;
	v21 =	vsel vm11, v21, v22;
	v22 =	vsel vm12, $0xBF800000, v39;
	(pc) =	sbr.rel @p5 .LBB2_32-.Ltmp16, $4  }
0x2ff: {  	v23 =	vmul.f32 v23, v36;
	v30 =	vmax.f32 v31, $0.0e+00;
	v36 =	vld [tilespmem:s31+$0x20];
	[tilespmem:s26+$0x30] =	vst v22;
	vm11 =	vgt.f32 v22, v24;
	s26 =	smov.u32 s28  }
0x300: {  	v25 =	vmax.f32 v25, $0.0e+00;
	s28 =	sadd.s32 $0x80, s28;
	v37 =	vld [tilespmem:s0+$0x20];
	v24 =	vsel vm11, v22, v24;
	v22 =	vsel vm11, v18, v21  }
0x301: {  	v38 =	vadd.f32 v23, v17;
	v30 =	vmul.f32 v25, v30;
	v31 =	vld [tilespmem:s28+$0x0]  }
0x302: {  	s4 =	sadd.s32 $0x80, s4;
	v35 =	vld [tilespmem:s28+$0xFFFFFFC0];
	(erf) = vrcp.f32 v47  }
0x303: {  	s3 =	smov.u32 s26;
	s12 =	smov.u32 s29  }
0x304: {  	s4 =	smov.u32 s30;
	s11 =	smov.u32 s31;
	s2 =	smov.u32 s0;
	v21 =	vmovc v19;
	v25 =	vmov v27;
	v18 =	vmov v20;
	v23 =	vmov v28  }
.LBB2_34:
0x305: {  	v19 =	vmul.f32 v32, v29;
	_ =	sdelay $0x1  }
0x306: {  	vm11 =	vgt.f32 v19, $5.000000000e-01  }
0x307: {  	v27 =	vmax.f32 @p3 v11, v33;
	v20 =	vsel vm11, $0xBF800000, v35  }
0x308: {  	v28 =	vmax.f32 @p3 v12, v34;
	v29 =	vmin.f32 @p3 v13, v36;
	v32 =	vsub.f32 @p3 v36, v33;
	[tilespmem:s28+$0xFFFFFFC0] =	vst v20  }
0x309: {  	v33 =	vmin.f32 @p3 v14, v37;
	v34 =	vsub.f32 @p3 v37, v34;
	v19 =	vsub.f32 @p3 v38, v30;
	v57 =	vld [tilespmem:s22+$0xFFFFFFD0]  }
0x30a: {  	v27 =	vsub.f32 @p3 v29, v27;
	v28 =	vsub.f32 @p3 v33, v28;
	v58 =	vld [tilespmem:s23+$0xFFFFFFD0]  }
0x30b: {  	v32 =	vmul.f32 @p3 v34, v32;
	v19 =	vadd.f32 @p3 $9.999999710e-10, v19;
	v60 =	vld [tilespmem:s24+$0xFFFFFFD0];
	v59 =	vpop (erf)  }
0x30c: {  	v27 =	vmax.f32 @p3 v27, $0.0e+00;
	v28 =	vmax.f32 @p3 v28, $0.0e+00;
	v61 =	vld [tilespmem:s25+$0xFFFFFFD0];
	v26 =	vmul.f32 v59, v26  }
0x30d: {  	v27 =	vmul.f32 @p3 v28, v27;
	(erf) = vrcp.f32 @p3 v19;
	v19 =	vadd.f32 @p3 v32, v17  }
0x30e: {  	vm11 =	vgt.f32 v26, $5.000000000e-01  }
0x30f: {  	v26 =	vsub.f32 @p3 v19, v27;
	v19 =	vsel vm11, $0xBF800000, v31  }
0x310: {  	v62 =	vmax.f32 v11, v57;
	v63 =	vmax.f32 v12, v58;
	v40 =	vmin.f32 v13, v60;
	[tilespmem:s28+$0x0] =	vst v19  }
0x311: {  	v42 =	vmin.f32 v14, v61;
	v34 =	vsub.f32 v60, v57;
	v29 =	vsub.f32 v61, v58;
	v41 =	vld [tilespmem:s22+$0x10]  }
0x312: {  	v28 =	vsub.f32 v40, v62;
	v31 =	vsub.f32 v42, v63;
	v43 =	vld [tilespmem:s23+$0x10]  }
0x313: {  	v44 =	vld [tilespmem:s24+$0x10];
	v29 =	vmul.f32 v29, v34  }
0x314: {  	v26 =	vadd.f32 @p3 $9.999999710e-10, v26;
	v45 =	vld [tilespmem:s25+$0x10];
	v28 =	vmax.f32 v28, $0.0e+00;
	v31 =	vmax.f32 v31, $0.0e+00  }
0x315: {  	v31 =	vmul.f32 v31, v28;
	v46 =	vadd.f32 v29, v17  }
0x316: {  	(erf) = vrcp.f32 @p3 v26  }
0x317: {  	v28 =	vsub.f32 v46, v31;
	v47 =	vmax.f32 v11, v41  }
0x318: {  	v48 =	vmax.f32 v12, v43;
	v49 =	vmin.f32 v13, v44;
	v32 =	vsub.f32 v44, v41  }
0x319: {  	v29 =	vld @p3 [tilespmem:s3+$0xFFFFFFE0];
	v26 =	vpop @p3 (erf);
	v33 =	vsub.f32 v45, v43;
	v34 =	vmin.f32 v14, v45;
	v28 =	vadd.f32 $9.999999710e-10, v28  }
0x31a: {  	v26 =	vmul.f32 @p3 v26, v30;
	v30 =	vsub.f32 v49, v47;
	v34 =	vsub.f32 v34, v48  }
0x31b: {  	v50 =	vmul.f32 v33, v32;
	(erf) = vrcp.f32 v28  }
0x31c: {  	v51 =	vmax.f32 v30, $0.0e+00;
	v52 =	vmax.f32 v34, $0.0e+00  }
0x31d: {  	vm11 =	vgt.f32 @p3 v26, $5.000000000e-01;
	v30 =	vmul.f32 v52, v51;
	v26 =	vadd.f32 v50, v17  }
0x31e: {  	v29 =	vsel @p3 vm11, $0xBF800000, v29;
	v32 =	vld @p3 [tilespmem:s3+$0x20]  }
0x31f: {  	v53 =	vld [tilespmem:s28+$0xFFFFFFD0];
	[tilespmem:s3+$0xFFFFFFE0] =	vst @p3 v29;
	v28 =	vpop @p3 (erf);
	v26 =	vsub.f32 v26, v30  }
0x320: {  	v33 =	vld @p3 [tilespmem:s12+$0xFFFFFFF0];
	v27 =	vmul.f32 @p3 v28, v27  }
0x321: {  	v35 =	vld @p3 [tilespmem:s11+$0xFFFFFFF0];
	v26 =	vadd.f32 $9.999999710e-10, v26  }
0x322: {  	v36 =	vld @p3 [tilespmem:s2+$0xFFFFFFF0];
	vm11 =	vgt.f32 @p3 v27, $5.000000000e-01  }
0x323: {  	v34 =	vld @p3 [tilespmem:s4+$0xFFFFFFF0];
	v28 =	vsel @p3 vm11, $0xBF800000, v32;
	(erf) = vrcp.f32 v26  }
0x324: {  	[tilespmem:s3+$0x20] =	vst @p3 v28;
	v54 =	vpop (erf)  }
0x325: {  	v37 =	vld @p3 [tilespmem:s12+$0x30];
	v27 =	vmul.f32 v54, v31  }
0x326: {  	v32 =	vmax.f32 @p3 v11, v33;
	v38 =	vmin.f32 @p3 v13, v35;
	v40 =	vld @p3 [tilespmem:s4+$0x30]  }
0x327: {  	v39 =	vmin.f32 @p3 v14, v36;
	v33 =	vsub.f32 @p3 v35, v33;
	v35 =	vld @p3 [tilespmem:s11+$0x30];
	vm11 =	vgt.f32 v27, $5.000000000e-01  }
0x328: {  	v55 =	vld [tilespmem:s28+$0x10];
	v32 =	vsub.f32 @p3 v38, v32;
	v31 =	vmax.f32 @p3 v12, v34;
	v27 =	vsel vm11, $0xBF800000, v53  }
0x329: {  	v34 =	vsub.f32 @p3 v36, v34;
	v36 =	vld @p3 [tilespmem:s2+$0x30];
	v31 =	vsub.f32 @p3 v39, v31;
	[tilespmem:s28+$0xFFFFFFD0] =	vst v27  }
0x32a: {  	v32 =	vmax.f32 @p3 v32, $0.0e+00;
	v56 =	vld [tilespmem:s22+$0xFFFFFFE0]  }
0x32b: {  	v33 =	vmul.f32 @p3 v34, v33;
	v31 =	vmax.f32 @p3 v31, $0.0e+00;
	v38 =	vmax.f32 @p3 v11, v37;
	v57 =	vld [tilespmem:s23+$0xFFFFFFE0]  }
0x32c: {  	v39 =	vmax.f32 @p3 v12, v40;
	v43 =	vmin.f32 @p3 v13, v35;
	v35 =	vsub.f32 @p3 v35, v37;
	v42 =	vld [tilespmem:s24+$0xFFFFFFE0];
	v41 =	vpop (erf)  }
0x32d: {  	v31 =	vmul.f32 @p3 v31, v32;
	v33 =	vadd.f32 @p3 v33, v17;
	v58 =	vld [tilespmem:s25+$0xFFFFFFE0];
	v30 =	vmul.f32 v41, v30  }
0x32e: {  	v38 =	vsub.f32 @p3 v43, v38;
	v41 =	vmin.f32 @p3 v14, v36;
	v36 =	vsub.f32 @p3 v36, v40  }
0x32f: {  	v33 =	vsub.f32 @p3 v33, v31;
	v39 =	vsub.f32 @p3 v41, v39;
	vm11 =	vgt.f32 v30, $5.000000000e-01  }
0x330: {  	v30 =	vmul.f32 @p3 v36, v35;
	v35 =	vmax.f32 @p3 v38, $0.0e+00;
	v26 =	vsel vm11, $0xBF800000, v55  }
0x331: {  	v59 =	vmax.f32 v11, v56;
	v60 =	vmax.f32 v12, v57;
	v61 =	vmin.f32 v13, v42;
	[tilespmem:s28+$0x10] =	vst v26  }
0x332: {  	v62 =	vmin.f32 v14, v58;
	v34 =	vsub.f32 v42, v56;
	v32 =	vsub.f32 v58, v57;
	v63 =	vld [tilespmem:s22+$0x20]  }
0x333: {  	v39 =	vmax.f32 @p3 v39, $0.0e+00;
	v36 =	vsub.f32 v61, v59;
	v38 =	vsub.f32 v62, v60;
	v44 =	vld [tilespmem:s23+$0x20]  }
0x334: {  	v35 =	vmul.f32 @p3 v39, v35;
	v30 =	vadd.f32 @p3 v30, v17;
	v32 =	vmul.f32 v32, v34;
	v45 =	vld [tilespmem:s24+$0x20]  }
0x335: {  	v33 =	vadd.f32 @p3 $9.999999710e-10, v33;
	v46 =	vld [tilespmem:s25+$0x20];
	v36 =	vmax.f32 v36, $0.0e+00;
	v38 =	vmax.f32 v38, $0.0e+00  }
0x336: {  	v30 =	vsub.f32 @p3 v30, v35;
	v36 =	vmul.f32 v38, v36;
	v32 =	vadd.f32 v32, v17  }
0x337: {  	(erf) = vrcp.f32 @p3 v33  }
0x338: {  	v30 =	vadd.f32 @p3 $9.999999710e-10, v30;
	v32 =	vsub.f32 v32, v36;
	v47 =	vmax.f32 v11, v63  }
0x339: {  	v48 =	vmax.f32 v12, v44;
	v49 =	vmin.f32 v13, v45;
	v34 =	vsub.f32 v45, v63  }
0x33a: {  	v50 =	vmin.f32 v14, v46;
	v39 =	vsub.f32 v46, v44;
	v32 =	vadd.f32 $9.999999710e-10, v32  }
0x33b: {  	(erf) = vrcp.f32 @p3 v30;
	v51 =	vsub.f32 v49, v47;
	v52 =	vsub.f32 v50, v48  }
0x33c: {  	v34 =	vmul.f32 v39, v34;
	(erf) = vrcp.f32 v32  }
0x33d: {  	v30 =	vmax.f32 v51, $0.0e+00;
	v53 =	vmax.f32 v52, $0.0e+00  }
0x33e: {  	v30 =	vmul.f32 v53, v30;
	v54 =	vadd.f32 v34, v17;
	_ =	sdelay $0x1  }
0x33f: {  	v32 =	vsub.f32 v54, v30;
	_ =	sdelay $0x1  }
0x340: {  	v32 =	vadd.f32 $9.999999710e-10, v32  }
0x341: {  	v33 =	vpop @p3 (erf)  }
0x342: {  	v55 =	vld [tilespmem:s28+$0xFFFFFFE0];
	v34 =	vpop @p3 (erf);
	(erf) = vrcp.f32 v32  }
0x343: {  	v56 =	vpop (erf)  }
0x344: {  	v32 =	vmul.f32 v56, v36;
	_ =	sdelay $0x1  }
0x345: {  	vm11 =	vgt.f32 v32, $5.000000000e-01  }
0x346: {  	v32 =	vsel vm11, $0xBF800000, v55  }
0x347: {  	v57 =	vld [tilespmem:s28+$0x20];
	[tilespmem:s28+$0xFFFFFFE0] =	vst v32  }
0x348: {  	v58 =	vld [tilespmem:s22+$0xFFFFFFF0]  }
0x349: {  	v59 =	vld [tilespmem:s23+$0xFFFFFFF0]  }
0x34a: {  	v60 =	vld [tilespmem:s24+$0xFFFFFFF0];
	v61 =	vpop (erf)  }
0x34b: {  	vm14 =	vgt.f32 @p3 v21, v24;
	v62 =	vld [tilespmem:s25+$0xFFFFFFF0];
	v30 =	vmul.f32 v61, v30  }
0x34c: {  	v21 =	vsel @p3 vm14, v21, v24  }
0x34d: {  	vm11 =	vgt.f32 @p3 v25, v21;
	vm12 =	vgt.f32 v30, $5.000000000e-01  }
0x34e: {  	v24 =	vld @p3 [tilespmem:s3+$0xFFFFFFF0];
	v25 =	vsel @p3 vm11, v25, v21;
	v30 =	vmul.f32 @p3 v33, v31;
	v21 =	vsel vm12, $0xBF800000, v57  }
0x34f: {  	v63 =	vmax.f32 v11, v58;
	v44 =	vmax.f32 v12, v59;
	v45 =	vmin.f32 v13, v60  }
0x350: {  	v46 =	vmin.f32 v14, v62;
	v37 =	vsub.f32 v60, v58;
	v38 =	vsub.f32 v62, v59;
	[tilespmem:s28+$0x20] =	vst v21  }
0x351: {  	vm12 =	vgt.f32 @p3 v29, v25;
	v31 =	vsub.f32 v45, v63;
	v33 =	vsub.f32 v46, v44;
	v47 =	vld [tilespmem:s22+$0x30]  }
0x352: {  	s1 =	sadd.s32 @p4 $0x80, s1;
	s0 =	simm.s32 $0x40;
	vm13 =	vgt.f32 @p3 v30, $5.000000000e-01;
	v25 =	vsel @p3 vm12, v29, v25;
	v48 =	vld [tilespmem:s23+$0x30];
	v49 =	vmul.f32 v38, v37  }
0x353: {  	s0 =	smov.u32 @p4 s1;
	v24 =	vsel @p3 vm13, $0xBF800000, v24;
	v50 =	vld [tilespmem:s24+$0x30];
	v31 =	vmax.f32 v31, $0.0e+00;
	v33 =	vmax.f32 v33, $0.0e+00  }
0x354: {  	s1 =	sadd.s32 @p3 $0xFFFFFFC0, s0;
	v51 =	vld [tilespmem:s25+$0x30];
	vm15 =	vgt.f32 @p3 v24, v25;
	v31 =	vmul.f32 v33, v31  }
0x355: {  	v30 =	vadd.f32 v49, v17;
	v33 =	vor.u32 @p3 s1, v0;
	v25 =	vsel @p3 vm15, v24, v25  }
0x356: {  	vm13 =	vgt.f32 @p3 v18, v25;
	v22 =	vsel @p3 vm14, v33, v22  }
0x357: {  	v30 =	vsub.f32 v30, v31;
	v18 =	vsel @p3 vm13, v18, v25;
	v52 =	vmax.f32 v11, v47  }
0x358: {  	v53 =	vmax.f32 v12, v48;
	v54 =	vmin.f32 v13, v50;
	v36 =	vsub.f32 v50, v47  }
0x359: {  	v55 =	vmin.f32 v14, v51;
	v29 =	vsub.f32 v51, v48;
	v30 =	vadd.f32 $9.999999710e-10, v30  }
0x35a: {  	vm14 =	vgt.f32 @p3 v23, v18;
	v25 =	vsub.f32 v54, v52;
	v33 =	vsub.f32 v55, v53  }
0x35b: {  	v41 =	vld @p3 [tilespmem:s3+$0x30];
	v18 =	vsel @p3 vm14, v23, v18;
	v29 =	vmul.f32 v29, v36  }
0x35c: {  	(erf) = vrcp.f32 v30;
	v56 =	vmax.f32 v25, $0.0e+00;
	v57 =	vmax.f32 v33, $0.0e+00  }
0x35d: {  	v30 =	vmul.f32 @p3 v34, v35;
	v23 =	vmul.f32 v57, v56;
	v17 =	vadd.f32 v29, v17  }
0x35e: {  	s2 =	sadd.s32 @p3 $0xFFFFFFD0, s0  }
0x35f: {  	v38 =	vor.u32 @p3 s2, v0;
	vm0 =	vgt.f32 @p3 v30, $5.000000000e-01;
	v17 =	vsub.f32 v17, v23  }
0x360: {  	s1 =	sadd.s32 @p3 $0xFFFFFFE0, s0;
	v22 =	vsel @p3 vm11, v38, v22;
	v25 =	vsel @p3 vm0, $0xBF800000, v41;
	vm0 =	vgt.f32 @p3 v28, v18  }
0x361: {  	v29 =	vor.u32 @p3 s1, v0;
	v18 =	vsel @p3 vm0, v28, v18;
	v17 =	vadd.f32 $9.999999710e-10, v17  }
0x362: {  	s2 =	sadd.s32 @p3 $0xFFFFFFF0, s0;
	s1 =	sadd.s32 @p3 $0x20, s0;
	v22 =	vsel @p3 vm12, v29, v22;
	vm11 =	vgt.f32 @p3 v25, v18  }
0x363: {  	v29 =	vor.u32 @p3 s1, v0;
	v28 =	vor.u32 @p3 s2, v0;
	v18 =	vsel @p3 vm11, v25, v18  }
0x364: {  	v22 =	vsel @p3 vm15, v28, v22;
	v28 =	vor.u32 @p3 s0, v0;
	v16 =	vpsel p3, v18, v16;
	v18 =	vld [tilespmem:s28+$0xFFFFFFF0]  }
0x365: {  	s1 =	sadd.s32 @p3 $0x10, s0;
	v22 =	vsel @p3 vm13, v28, v22;
	(erf) = vrcp.f32 v17;
	vm12 =	vgt.f32 v20, v16;
	v17 =	vpop (erf)  }
0x366: {  	s2 =	sadd.s32 @p3 $0x30, s0;
	s0 =	sadd.s32 @p3 $0x80, s0;
	v28 =	vor.u32 @p3 s1, v0;
	v16 =	vsel vm12, v20, v16;
	v17 =	vmul.f32 v17, v31  }
0x367: {  	s21 =	smov.u32 @p3 s0;
	v22 =	vsel @p3 vm14, v28, v22;
	vm13 =	vgt.f32 v27, v16  }
0x368: {  	s24 =	sadd.s32 $0xFFFFFFD0, s21;
	v22 =	vsel @p3 vm0, v29, v22;
	v16 =	vsel vm13, v27, v16;
	vm0 =	vgt.f32 v17, $5.000000000e-01  }
0x369: {  	s25 =	sadd.s32 $0x20, s21;
	v58 =	vor.u32 s24, v0;
	v18 =	vsel vm0, $0xBF800000, v18;
	vm0 =	vgt.f32 v32, v16  }
0x36a: {  	s26 =	sadd.s32 $0xFFFFFFF0, s21;
	v59 =	vor.u32 s25, v0;
	v20 =	vor.u32 @p3 s2, v0;
	v16 =	vsel vm0, v32, v16  }
0x36b: {  	s0 =	sadd.s32 $0xFFFFFFC0, s21;
	v61 =	vor.u32 s26, v0;
	v17 =	vsel @p3 vm11, v20, v22;
	vm11 =	vgt.f32 v18, v16  }
0x36c: {  	s29 =	sadd.s32 $0xFFFFFFE0, s21;
	v15 =	vpsel p3, v17, v15;
	v17 =	vor.u32 s0, v0;
	v16 =	vsel vm11, v18, v16  }
0x36d: {  	v60 =	vld [tilespmem:s28+$0x30];
	s30 =	sadd.s32 $0x10, s21;
	v62 =	vor.u32 s29, v0;
	v15 =	vsel vm12, v17, v15;
	vm12 =	vgt.f32 v19, v16  }
0x36e: {  	v63 =	vor.u32 s30, v0;
	v15 =	vsel vm13, v58, v15;
	v16 =	vsel vm12, v19, v16;
	v19 =	vpop (erf)  }
0x36f: {  	v15 =	vsel vm0, v62, v15;
	vm0 =	vgt.f32 v26, v16;
	v19 =	vmul.f32 v19, v23  }
.Ltmp17:
0x370: {  	v17 =	vor.u32 s21, v0;
	v15 =	vsel vm11, v61, v15;
	v16 =	vsel vm0, v26, v16;
	(pc) =	sbr.rel .LBB2_12-.Ltmp17, $4  }
0x371: {  	[tilespmem:s3+$0xFFFFFFF0] =	vst @p3 v24;
	v15 =	vsel vm12, v17, v15;
	vm11 =	vgt.f32 v21, v16;
	vm12 =	vgt.f32 v19, $5.000000000e-01  }
0x372: {  	[tilespmem:s3+$0x30] =	vst @p3 v25;
	s31 =	sadd.s32 $0x30, s21;
	v15 =	vsel vm0, v63, v15;
	v16 =	vsel vm11, v21, v16;
	v17 =	vsel vm12, $0xBF800000, v60  }
0x373: {  	[tilespmem:s28+$0xFFFFFFF0] =	vst v18;
	v19 =	vor.u32 s31, v0;
	v15 =	vsel vm11, v59, v15;
	vm0 =	vgt.f32 v17, v16  }
0x374: {  	[tilespmem:s28+$0x30] =	vst v17;
	v16 =	vsel vm0, v17, v16;
	v15 =	vsel vm0, v19, v15  }
.LBB2_11:
0x375: {  	v15 =	vimm.s32 $0x40000000;
	v16 =	vimm.f32 $-2.000000000e+00  }
.LBB2_12:
.Ltmp18:
0x376: {  	(pc) =	sbr.rel @p1 .LBB2_14-.Ltmp18, $1  }
0x377: {  	_ =	sdelay $0x3  }
0x378: {  	v17 =	vld [tilespmem:s6+$0x1900]  }
0x379: {  	v18 =	vld [tilespmem:s6+$0x1E80]  }
0x37a: {  	v19 =	vld [tilespmem:s6+$0x2400]  }
0x37b: {  	v20 =	vld [tilespmem:s6+$0x2980];
	_ =	sdelay $0x3  }
0x37c: {  	v21 =	vmax.f32 v11, v17;
	v22 =	vmax.f32 v12, v18;
	v23 =	vmin.f32 v13, v19  }
0x37d: {  	v24 =	vmin.f32 v14, v20;
	v17 =	vsub.f32 v19, v17;
	v18 =	vsub.f32 v20, v18  }
0x37e: {  	v19 =	vsub.f32 v23, v21;
	v39 =	vsub.f32 v24, v22  }
0x37f: {  	v17 =	vmul.f32 v18, v17  }
0x380: {  	v18 =	vmax.f32 v19, $0.0e+00;
	v19 =	vmax.f32 v39, $0.0e+00  }
0x381: {  	v18 =	vmul.f32 v19, v18;
	v17 =	vadd.f32 s20, v17;
	_ =	sdelay $0x1  }
0x382: {  	v17 =	vsub.f32 v17, v18;
	_ =	sdelay $0x1  }
0x383: {  	v17 =	vadd.f32 $9.999999710e-10, v17;
	_ =	sdelay $0x1  }
0x384: {  	(erf) = vrcp.f32 v17;
	_ =	sdelay $0x7  }
0x385: {  	v17 =	vld [tilespmem:s6+$0x2F00]  }
0x386: {  	v19 =	vpop (erf)  }
0x387: {  	v18 =	vmul.f32 v19, v18;
	_ =	sdelay $0x1  }
0x388: {  	vm11 =	vgt.f32 v18, $5.000000000e-01  }
0x389: {  	v17 =	vsel vm11, $0xBF800000, v17  }
0x38a: {  	[tilespmem:s6+$0x2F00] =	vst v17  }
0x38b: {  	v18 =	vld [tilespmem:s7+$0x1900]  }
0x38c: {  	v19 =	vld [tilespmem:s7+$0x1E80]  }
0x38d: {  	v40 =	vld [tilespmem:s7+$0x2400]  }
0x38e: {  	v41 =	vld [tilespmem:s7+$0x2980];
	_ =	sdelay $0x3  }
0x38f: {  	v42 =	vmax.f32 v11, v18;
	v43 =	vmax.f32 v12, v19;
	v44 =	vmin.f32 v13, v40  }
0x390: {  	v25 =	vmin.f32 v14, v41;
	v18 =	vsub.f32 v40, v18;
	v19 =	vsub.f32 v41, v19  }
0x391: {  	v45 =	vsub.f32 v44, v42;
	v46 =	vsub.f32 v25, v43  }
0x392: {  	v18 =	vmul.f32 v19, v18  }
0x393: {  	v19 =	vmax.f32 v45, $0.0e+00;
	v47 =	vmax.f32 v46, $0.0e+00  }
0x394: {  	v19 =	vmul.f32 v47, v19;
	v18 =	vadd.f32 s20, v18;
	_ =	sdelay $0x1  }
0x395: {  	v18 =	vsub.f32 v18, v19;
	_ =	sdelay $0x1  }
0x396: {  	v18 =	vadd.f32 $9.999999710e-10, v18;
	_ =	sdelay $0x1  }
0x397: {  	(erf) = vrcp.f32 v18;
	_ =	sdelay $0x7  }
0x398: {  	v18 =	vld [tilespmem:s7+$0x2F00]  }
0x399: {  	v48 =	vpop (erf)  }
0x39a: {  	v19 =	vmul.f32 v48, v19;
	_ =	sdelay $0x1  }
0x39b: {  	vm11 =	vgt.f32 v19, $5.000000000e-01  }
0x39c: {  	v18 =	vsel vm11, $0xBF800000, v18  }
0x39d: {  	[tilespmem:s7+$0x2F00] =	vst v18  }
0x39e: {  	v19 =	vld [tilespmem:s8+$0x1900]  }
0x39f: {  	v49 =	vld [tilespmem:s8+$0x1E80]  }
0x3a0: {  	v50 =	vld [tilespmem:s8+$0x2400]  }
0x3a1: {  	v51 =	vld [tilespmem:s8+$0x2980];
	_ =	sdelay $0x3  }
0x3a2: {  	v52 =	vmax.f32 v11, v19;
	v53 =	vmax.f32 v12, v49;
	v54 =	vmin.f32 v13, v50  }
0x3a3: {  	v26 =	vmin.f32 v14, v51;
	v19 =	vsub.f32 v50, v19;
	v20 =	vsub.f32 v51, v49  }
0x3a4: {  	v55 =	vsub.f32 v54, v52;
	v56 =	vsub.f32 v26, v53  }
0x3a5: {  	v19 =	vmul.f32 v20, v19  }
0x3a6: {  	v57 =	vmax.f32 v55, $0.0e+00;
	v58 =	vmax.f32 v56, $0.0e+00  }
0x3a7: {  	v20 =	vmul.f32 v58, v57;
	v19 =	vadd.f32 s20, v19;
	_ =	sdelay $0x1  }
0x3a8: {  	v19 =	vsub.f32 v19, v20;
	_ =	sdelay $0x1  }
0x3a9: {  	v19 =	vadd.f32 $9.999999710e-10, v19;
	_ =	sdelay $0x1  }
0x3aa: {  	(erf) = vrcp.f32 v19;
	_ =	sdelay $0x7  }
0x3ab: {  	v19 =	vld [tilespmem:s8+$0x2F00]  }
0x3ac: {  	v59 =	vpop (erf)  }
0x3ad: {  	v20 =	vmul.f32 v59, v20;
	_ =	sdelay $0x1  }
0x3ae: {  	vm11 =	vgt.f32 v20, $5.000000000e-01  }
0x3af: {  	v19 =	vsel vm11, $0xBF800000, v19  }
0x3b0: {  	[tilespmem:s8+$0x2F00] =	vst v19  }
0x3b1: {  	v60 =	vld [tilespmem:s9+$0x1900]  }
0x3b2: {  	v61 =	vld [tilespmem:s9+$0x1E80]  }
0x3b3: {  	v62 =	vld [tilespmem:s9+$0x2400]  }
0x3b4: {  	v63 =	vld [tilespmem:s9+$0x2980];
	_ =	sdelay $0x3  }
0x3b5: {  	v11 =	vmax.f32 v11, v60;
	v12 =	vmax.f32 v12, v61;
	v13 =	vmin.f32 v13, v62  }
0x3b6: {  	v14 =	vmin.f32 v14, v63;
	v20 =	vsub.f32 v62, v60;
	v21 =	vsub.f32 v63, v61  }
0x3b7: {  	v11 =	vsub.f32 v13, v11;
	v12 =	vsub.f32 v14, v12  }
0x3b8: {  	v13 =	vmul.f32 v21, v20  }
0x3b9: {  	v11 =	vmax.f32 v11, $0.0e+00;
	v12 =	vmax.f32 v12, $0.0e+00  }
0x3ba: {  	v11 =	vmul.f32 v12, v11;
	v12 =	vadd.f32 s20, v13;
	_ =	sdelay $0x1  }
0x3bb: {  	v12 =	vsub.f32 v12, v11;
	_ =	sdelay $0x1  }
0x3bc: {  	v12 =	vadd.f32 $9.999999710e-10, v12;
	_ =	sdelay $0x1  }
0x3bd: {  	(erf) = vrcp.f32 v12;
	_ =	sdelay $0x7  }
0x3be: {  	vm11 =	vgt.f32 v17, v16;
	v12 =	vld [tilespmem:s9+$0x2F00]  }
0x3bf: {  	v14 =	vsel vm11, v17, v16;
	v13 =	vpop (erf)  }
0x3c0: {  	vm12 =	vgt.f32 v18, v14;
	v11 =	vmul.f32 v13, v11  }
.Ltmp19:
0x3c1: {  	v13 =	vsel vm12, v18, v14;
	(pc) =	sbr.rel .LBB2_14-.Ltmp19, $4  }
0x3c2: {  	vm14 =	vgt.f32 v19, v13;
	vm13 =	vgt.f32 v11, $5.000000000e-01;
	v11 =	vsel vm11, v4, v15  }
0x3c3: {  	v13 =	vsel vm14, v19, v13;
	v12 =	vsel vm13, $0xBF800000, v12;
	v11 =	vsel vm12, v3, v11  }
0x3c4: {  	vm11 =	vgt.f32 v12, v13;
	v11 =	vsel vm14, v2, v11  }
0x3c5: {  	[tilespmem:s9+$0x2F00] =	vst v12;
	v15 =	vsel vm11, v1, v11;
	v16 =	vsel vm11, v12, v13  }
.LBB2_27:
.Ltmp20:
0x3c6: {  	(pc) =	sbr.rel .LBB2_34-.Ltmp20, $3  }
0x3c7: {  	_ =	sdelay $0x1  }
0x3c8: {  	s1 =	simm.s32 $0x40;
	s28 =	simm.s32 $0x2F40;
	s22 =	simm.s32 $0x1940  }
0x3c9: {  	s23 =	simm.s32 $0x1EC0;
	s24 =	simm.s32 $0x2440;
	s25 =	simm.s32 $0x29C0;
	v24 =	vimm.f32 $-2.000000000e+00;
	v22 =	vimm.s32 $0x40000000  }
.LBB2_29:
.Ltmp21:
0x3ca: {  	(pc) =	sbr.rel .LBB2_34-.Ltmp21, $3  }
0x3cb: {  	_ =	sdelay $0x1  }
0x3cc: {  	s1 =	simm.s32 $0x40;
	s28 =	simm.s32 $0x2FC0;
	s22 =	simm.s32 $0x19C0  }
0x3cd: {  	s23 =	simm.s32 $0x1F40;
	s24 =	simm.s32 $0x24C0;
	s25 =	simm.s32 $0x2A40;
	v24 =	vimm.f32 $-2.000000000e+00;
	v22 =	vimm.s32 $0x40000000  }
.LBB2_31:
.Ltmp22:
0x3ce: {  	(pc) =	sbr.rel .LBB2_34-.Ltmp22, $3  }
0x3cf: {  	_ =	sdelay $0x1  }
0x3d0: {  	s1 =	simm.s32 $0x40;
	s3 =	simm.s32 $0x2FC0;
	s12 =	simm.s32 $0x19C0  }
0x3d1: {  	s4 =	simm.s32 $0x1F40;
	s11 =	simm.s32 $0x24C0;
	s2 =	simm.s32 $0x2A40;
	v21 =	vmovc v19;
	v25 =	vmov v27;
	v18 =	vmov v20;
	v23 =	vmov v28  }
.LBB2_15:
0x3d2: {  	s0 =	simm.s32 @!p2 $0x0;
	s1 =	simm.s32 @!p2 $0x4280;
	s2 =	rddreg [dreg:$0x3]  }
0x3d3: {  	[hbm4b:s2+s0] =	stream.linear.scatter @!p2 [tilespmem:s1], [sflag:$0x1], $0x3200, $0x38;
	[tilespmem:$0x7680] =	vst v63  }
0x3d4: {  	s0 =	simm.s32 @!p2 $0x1  }
0x3d5: {  	_ =	swait.ge @!p2 [sflag:s0], $0x3200  }
0x3d6: {  	[sflag:s0] =	ssyncset.done @!p2 $0x0  }
0x3d7: {  	[sflag:s0] =	ssyncadd.s32 @!p2 $0xFFFFCE00  }
0x3d8: {  	s19 =	stileid.u32;
	s3 =	rddreg [dreg:$0x2]  }
.LBB2_16:
0x3d9: {  	_ =	sfence.sel $0x180000  }
0x3da: {  	[bflag:$0x0] =	sbarrier.arrive $0xFFFF  }
0x3db: {  	p0 =	sne.s32 s19, $0x0;
	_ =	strace $0x90000047  }
0x3dc: {  	s0 =	sadd.s32 @!p0 $0x100000, s3;
	[bflag:$0x2] =	sbarrier.arrive $0xFFFF  }
0x3dd: {  	[sflag:s0] =	ssyncadd.tile.s32 @!p0 $0x1;
	_ =	shalt  }
.LBB2_18:
.Ltmp23:
0x3de: {  	(pc) =	sbr.rel .LBB2_25-.Ltmp23, $3  }
0x3df: {  	_ =	sdelay $0x1  }
0x3e0: {  	s3 =	simm.s32 $0x40;
	s13 =	simm.s32 $0x2F40;
	s8 =	simm.s32 $0x1940  }
0x3e1: {  	s9 =	simm.s32 $0x1EC0;
	s10 =	simm.s32 $0x2440;
	s11 =	simm.s32 $0x29C0;
	v9 =	vimm.f32 $-2.000000000e+00;
	v7 =	vimm.s32 $0x40000000  }
.LBB2_20:
.Ltmp24:
0x3e2: {  	(pc) =	sbr.rel .LBB2_25-.Ltmp24, $3  }
0x3e3: {  	_ =	sdelay $0x1  }
0x3e4: {  	s3 =	simm.s32 $0x40;
	s13 =	simm.s32 $0x2FC0;
	s8 =	simm.s32 $0x19C0  }
0x3e5: {  	s9 =	simm.s32 $0x1F40;
	s10 =	simm.s32 $0x24C0;
	s11 =	simm.s32 $0x2A40;
	v9 =	vimm.f32 $-2.000000000e+00;
	v7 =	vimm.s32 $0x40000000  }
.LBB2_22:
.Ltmp25:
0x3e6: {  	(pc) =	sbr.rel .LBB2_25-.Ltmp25, $4  }
0x3e7: {  	_ = 	snop  }
0x3e8: {  	s3 =	simm.s32 $0x40  }
0x3e9: {  	s12 =	simm.s32 $0x2FC0;
	s4 =	simm.s32 $0x19C0;
	s18 =	simm.s32 $0x1F40  }
0x3ea: {  	s2 =	simm.s32 $0x24C0;
	s1 =	simm.s32 $0x2A40;
	v6 =	vmovc v4;
	v10 =	vmov v12;
	v3 =	vmov v5;
	v8 =	vmov v13;
	s19 =	stileid.u32  }
.Lfunc_end2:
_tile_overlayer_lowered:
.L_overlay_start_2:
0x3eb: {  	(tag) =	ssettag $0x2  }
0x3ec: {  	s0 =	rddreg [dreg:$0x0];
	s2 =	stileid.u32  }
0x3ed: {  	s1 =	rddreg [dreg:$0x1];
	p0 =	sne.s32 s2, $0x0  }
0x3ee: {  	s3 =	rddreg [dreg:$0x2];
	[bflag:$0x3] =	sbarrier.arrive $0xFFFF;
	s2 =	simm.s32 @!p0 $0x1C01  }
0x3ef: {  	[timem:s3], [sflag:s2] =	dma.local @!p0 [hbm:s0], s1  }
0x3f0: {  	s0 =	simm.s32 @!p0 $0x1  }
0x3f1: {  	_ =	swait.ge @!p0 [sflag:s0], s1  }
0x3f2: {  	s1 =	ssub.s32 @!p0 $0x0, s1;
	[sflag:s0] =	ssyncset.done @!p0 $0x0  }
0x3f3: {  	[sflag:s0] =	ssyncadd.s32 @!p0 s1  }
0x3f4: {  	[bflag:$0x3] =	sbarrier.arrive $0xFFFF  }
0x3f5: {  	_ =	shalt  }

</sc_bundles>
